<compile_context>
chip_gen: v7x
topology: tpu7x:2x2x1
jax: 0.10.2.dev20260603
libtpu: 0.0.44.dev20260713+nightly
codegen_flags: <defaults>
</compile_context>

<pallas_src>
import functools

import jax
import jax.numpy as jnp
from jax import lax
from jax.experimental import pallas as pl
from jax.experimental.pallas import tpu as pltpu
from jax.experimental.pallas import tpu_sc as plsc

_LANES = 16
_SLICE = 128
_NSL = 2
_CHUNK = _SLICE * _NSL


@functools.partial(jax.jit, static_argnames=("vocab",))
def _gather_concat(idx_flat, ori_w, add_w, *, vocab):
  n = idx_flat.shape[0]
  d = ori_w.shape[1]
  add_n = add_w.shape[0]
  info = plsc.get_sparse_core_info()
  nc, ns = info.num_cores, info.num_subcores
  nw = nc * ns
  assert n % (nw * _CHUNK * 2) == 0
  per_w = n // nw
  n_pairs = per_w // (_CHUNK * 2)

  mesh = plsc.VectorSubcoreMesh(core_axis_name="c", subcore_axis_name="s")

  buf_kinds = [
      pltpu.VMEM((_CHUNK,), jnp.int32),
      pltpu.VMEM((_NSL, _SLICE), jnp.int32),
      pltpu.VMEM((_NSL, _SLICE), jnp.int32),
      pltpu.VMEM((_CHUNK, d), jnp.float32),
      pltpu.VMEM((_CHUNK, d), jnp.float32),
      pltpu.SemaphoreType.DMA,
      pltpu.SemaphoreType.DMA,
  ]

  @functools.partial(
      pl.kernel,
      mesh=mesh,
      compiler_params=pltpu.CompilerParams(
          use_tc_tiling_on_sc=False, needs_layout_passes=False),
      out_type=jax.ShapeDtypeStruct((n, d), jnp.float32),
      scratch_types=buf_kinds + buf_kinds + [
          pltpu.SemaphoreType.DMA,
          pltpu.SemaphoreType.DMA,
      ],
  )
  def k(idx_hbm, ori_hbm, add_hbm, out_hbm,
        idxv_a, iori_a, iadd_a, obuf_a, abuf_a, semi_a, semo_a,
        idxv_b, iori_b, iadd_b, obuf_b, abuf_b, semi_b, semo_b,
        sem1, sem2):
    wid = lax.axis_index("s") * nc + lax.axis_index("c")
    base = wid * per_w
    lanes = lax.iota(jnp.int32, _LANES)

    def prep(idxv, iori, iadd):
      for i in range(_CHUNK // _LANES):
        v = idxv[pl.ds(i * _LANES, _LANES)]
        j = i // (_SLICE // _LANES)
        o = (i % (_SLICE // _LANES)) * _LANES
        iori[j, pl.ds(o, _LANES)] = jnp.minimum(v, vocab - 1)
        iadd[j, pl.ds(o, _LANES)] = jnp.where(
            v >= vocab, jnp.minimum(v - vocab, add_n - 1), lanes + i * _LANES)

    def gathers(iori, iadd, obuf, abuf):
      copies = []
      for j in range(_NSL):
        dst = pl.ds(j * _SLICE, _SLICE)
        copies.append(
            pltpu.async_copy(ori_hbm.at[iori.at[j]], obuf.at[dst], sem1))
        copies.append(
            pltpu.async_copy(add_hbm.at[iadd.at[j]], abuf.at[dst], sem2))
      return copies

    def merge(idxv, obuf, abuf):
      def body(i, c):
        v = idxv[pl.ds(i * _LANES, _LANES)]
        m = v >= vocab

        @pl.when(jnp.max(v) >= vocab)
        def _():
          rowv = lanes + i * _LANES
          for w in range(d):
            colv = jnp.full((_LANES,), w, dtype=jnp.int32)
            x = plsc.load_gather(abuf, [rowv, colv], mask=m)
            plsc.store_scatter(obuf, [rowv, colv], x, mask=m)

        return c

      lax.fori_loop(0, _CHUNK // _LANES, body, 0)

    def half(g2, g, idxv, iori, iadd, obuf, abuf, semi, semo,
             nxt_rb, nxt_idxv, nxt_semi, prefetch_guard):
      rb = base + g * _CHUNK
      pltpu.make_async_copy(idx_hbm.at[pl.ds(rb, _CHUNK)], idxv, semi).wait()
      prep(idxv, iori, iadd)
      @pl.when(g2 > 0)
      def _():
        pltpu.make_async_copy(obuf, out_hbm.at[pl.ds(rb, _CHUNK)],
                              semo).wait()

      copies = gathers(iori, iadd, obuf, abuf)
      @pl.when(prefetch_guard)
      def _():
        pltpu.async_copy(idx_hbm.at[pl.ds(nxt_rb, _CHUNK)], nxt_idxv,
                         nxt_semi)

      for c in copies:
        c.wait()
      merge(idxv, obuf, abuf)
      pltpu.async_copy(obuf, out_hbm.at[pl.ds(rb, _CHUNK)], semo)

    pltpu.async_copy(idx_hbm.at[pl.ds(base, _CHUNK)], idxv_a, semi_a)

    def pair_body(g2, carry):
      ga = 2 * g2
      gb = ga + 1
      half(g2, ga, idxv_a, iori_a, iadd_a, obuf_a, abuf_a, semi_a, semo_a,
           base + gb * _CHUNK, idxv_b, semi_b, gb < 2 * n_pairs)
      half(g2, gb, idxv_b, iori_b, iadd_b, obuf_b, abuf_b, semi_b, semo_b,
           base + (gb + 1) * _CHUNK, idxv_a, semi_a, g2 < n_pairs - 1)
      return carry

    lax.fori_loop(0, n_pairs, pair_body, 0)

    last_a = base + (2 * n_pairs - 2) * _CHUNK
    last_b = base + (2 * n_pairs - 1) * _CHUNK
    pltpu.make_async_copy(obuf_a, out_hbm.at[pl.ds(last_a, _CHUNK)],
                          semo_a).wait()
    pltpu.make_async_copy(obuf_b, out_hbm.at[pl.ds(last_b, _CHUNK)],
                          semo_b).wait()

  return k(idx_flat, ori_w, add_w)


def kernel(input, ori_w, add_w):
  b, l = input.shape
  vocab, d = ori_w.shape
  out = _gather_concat(input.reshape(b * l), ori_w, add_w, vocab=vocab)
  return out.reshape(b, l, d)

# --- scband reference (transcript-rebuilt; emitter-appended) ---
"""Pipeline reference for scband-expanded-token-embedding-24790551233477 (READ-ONLY COPY).

The authoritative reference and input builder live on the scoring server;
editing this copy changes nothing except your own understanding.
"""

import jax, jax.numpy as jnp
import numpy as np

VOCAB = 1000000
ADD = 65536
DIM = 64
B = 4096
L = 200


def setup_inputs(seed: int = 0) -> dict:
    key = jax.random.key(seed)
    k1, k2, k3 = jax.random.split(key, 3)
    # original embedding table (e.g. pretrained), arbitrary init
    ori_w = jax.random.normal(k1, (VOCAB, DIM), dtype=jnp.float32) * 0.02
    # additional table initialized to normal(mean(ori), std(ori)) as in the torch module
    std = jnp.std(ori_w)
    mean = jnp.mean(ori_w)
    add_w = mean + std * jax.random.normal(k2, (ADD, DIM), dtype=jnp.float32)
    indices = jax.random.randint(k3, (B, L), 0, VOCAB + ADD, dtype=jnp.int32)
    return {"input": indices, "ori_w": ori_w, "add_w": add_w}


def reference(input, ori_w, add_w):
    # torch: F.embedding(input, cat([ori_w, add_w], 0)) with padding_idx=None,
    # max_norm=None, norm_type=2.0, scale_grad_by_freq=False, sparse=False
    weight = jnp.concatenate([ori_w, add_w], axis=0)
    return jnp.take(weight, input, axis=0)

if __name__ == "__main__":
    import jax
    _d = setup_inputs()
    print(jax.jit(kernel)(*tuple(_d.values())))

</pallas_src>

<mosaic_0001>
#map = affine_map<(d0, d1) -> (0)>
#map1 = affine_map<(d0, d1) -> (0, 0)>
module attributes {stable_mosaic.version = 14 : i64} {
  func.func @k(%arg0: i32, %arg1: i32, %arg2: memref<819200xi32, #tpu.memory_space<hbm>>, %arg3: memref<1000000x64xf32, #tpu.memory_space<hbm>>, %arg4: memref<65536x64xf32, #tpu.memory_space<hbm>>, %arg5: memref<819200x64xf32, #tpu.memory_space<hbm>>, %arg6: memref<256xi32, #tpu.memory_space<vmem>>, %arg7: memref<2x128xi32, #tpu.memory_space<vmem>>, %arg8: memref<2x128xi32, #tpu.memory_space<vmem>>, %arg9: memref<256x64xf32, #tpu.memory_space<vmem>>, %arg10: memref<256x64xf32, #tpu.memory_space<vmem>>, %arg11: memref<!tpu.dma_semaphore, #tpu.memory_space<semaphore_mem>>, %arg12: memref<!tpu.dma_semaphore, #tpu.memory_space<semaphore_mem>>, %arg13: memref<256xi32, #tpu.memory_space<vmem>>, %arg14: memref<2x128xi32, #tpu.memory_space<vmem>>, %arg15: memref<2x128xi32, #tpu.memory_space<vmem>>, %arg16: memref<256x64xf32, #tpu.memory_space<vmem>>, %arg17: memref<256x64xf32, #tpu.memory_space<vmem>>, %arg18: memref<!tpu.dma_semaphore, #tpu.memory_space<semaphore_mem>>, %arg19: memref<!tpu.dma_semaphore, #tpu.memory_space<semaphore_mem>>, %arg20: memref<!tpu.dma_semaphore, #tpu.memory_space<semaphore_mem>>, %arg21: memref<!tpu.dma_semaphore, #tpu.memory_space<semaphore_mem>>) attributes {dimension_semantics = [#tpu.dimension_semantics<core_parallel>, #tpu.dimension_semantics<subcore_parallel>], iteration_bounds = array<i64: 2, 16>, scalar_prefetch = 0 : i64, scratch_operands = 16 : i64, tpu.core_type = #tpu.core_type<sc_vector_subcore>, window_params = [{transform_indices = #map}, {transform_indices = #map1}, {transform_indices = #map1}, {transform_indices = #map1}]} {
    %mul3A = arith.constant 2 : i32
    %mul3A_0 = arith.muli %arg1, %mul3A : i32
    %add3A = arith.addi %mul3A_0, %arg0 : i32
    %mul3A_1 = arith.constant 25600 : i32
    %mul3A_2 = arith.muli %add3A, %mul3A_1 : i32
    %iota3A = tpu.iota {dimensions = array<i32: 0>} : vector<16xi32>
    %dma_start3A = tpu.memref_slice %arg2[%mul3A_2] : memref<819200xi32, #tpu.memory_space<hbm>> -> memref<256xi32, #tpu.memory_space<hbm>>
    %dma_start3A_3 = tpu.memref_slice %arg2[%mul3A_2] : memref<819200xi32, #tpu.memory_space<hbm>> -> memref<256xi32, #tpu.memory_space<hbm>>
    tpu.enqueue_dma source(%dma_start3A_3 : memref<256xi32, #tpu.memory_space<hbm>>) target(%arg6 : memref<256xi32, #tpu.memory_space<vmem>>) target_semaphore(%arg11 : memref<!tpu.dma_semaphore, #tpu.memory_space<semaphore_mem>>)
    %scan3A = arith.constant 0 : i32
    %scan3A_4 = arith.constant 0 : i32
    %scan3A_5 = arith.constant 50 : i32
    %scan3A_6 = arith.addi %scan3A_4, %scan3A_5 : i32
    %scan3A_7 = arith.constant 1 : i32
    scf.for %scan3A_20 = %scan3A_4 to %scan3A_6 step %scan3A_7  : i32 {
      %mul3A_21 = arith.constant 2 : i32
      %mul3A_22 = arith.muli %mul3A_21, %scan3A_20 : i32
      %add3A_23 = arith.constant 1 : i32
      %add3A_24 = arith.addi %mul3A_22, %add3A_23 : i32
      %mul3A_25 = arith.constant 256 : i32
      %mul3A_26 = arith.muli %add3A_24, %mul3A_25 : i32
      %add3A_27 = arith.addi %mul3A_2, %mul3A_26 : i32
      %lt3A = arith.constant 100 : i32
      %lt3A_28 = arith.cmpi slt, %add3A_24, %lt3A : i32
      %mul3A_29 = arith.constant 256 : i32
      %mul3A_30 = arith.muli %mul3A_22, %mul3A_29 : i32
      %add3A_31 = arith.addi %mul3A_2, %mul3A_30 : i32
      %dma_wait3A_32 = tpu.memref_slice %arg2[%add3A_31] : memref<819200xi32, #tpu.memory_space<hbm>> -> memref<256xi32, #tpu.memory_space<hbm>>
      %dma_wait3A_33 = tpu.memref_slice %arg2[%add3A_31] : memref<819200xi32, #tpu.memory_space<hbm>> -> memref<256xi32, #tpu.memory_space<hbm>>
      tpu.wait_dma2 semaphore(%arg11 : memref<!tpu.dma_semaphore, #tpu.memory_space<semaphore_mem>>) src(%dma_wait3A_33 : memref<256xi32, #tpu.memory_space<hbm>>) dst(%arg6 : memref<256xi32, #tpu.memory_space<vmem>>)
      %get3A = arith.constant 0 : index
      %get3A_34 = tpu.vector_load %arg6[%get3A] {strides = array<i32>} : memref<256xi32, #tpu.memory_space<vmem>>, vector<16xi32>,
      %min3A = arith.constant 999999 : i32
      %min3A_35 = vector.broadcast %min3A : i32 to vector<16xi32>
      %min3A_36 = arith.minsi %get3A_34, %min3A_35 : vector<16xi32>
      %swap3A = arith.constant 0 : i32
      %swap3A_37 = arith.index_cast %swap3A : i32 to index
      %swap3A_38 = arith.constant 0 : index
      %swap3A_39 = tpu.vector_load %arg7[%swap3A_37, %swap3A_38] {strides = array<i32>} : memref<2x128xi32, #tpu.memory_space<vmem>>, vector<16xi32>,
      tpu.vector_store %arg7[%swap3A_37, %swap3A_38], %min3A_36 {strides = array<i32>} : memref<2x128xi32, #tpu.memory_space<vmem>>, vector<16xi32>,
      %ge3A = arith.constant 1000000 : i32
      %ge3A_40 = vector.broadcast %ge3A : i32 to vector<16xi32>
      %ge3A_41 = arith.cmpi sge, %get3A_34, %ge3A_40 : vector<16xi32>
      %sub3A = arith.constant 1000000 : i32
      %sub3A_42 = vector.broadcast %sub3A : i32 to vector<16xi32>
      %sub3A_43 = arith.subi %get3A_34, %sub3A_42 : vector<16xi32>
      %min3A_44 = arith.constant 65535 : i32
      %min3A_45 = vector.broadcast %min3A_44 : i32 to vector<16xi32>
      %min3A_46 = arith.minsi %sub3A_43, %min3A_45 : vector<16xi32>
      %add3A_47 = arith.constant 0 : i32
      %add3A_48 = vector.broadcast %add3A_47 : i32 to vector<16xi32>
      %add3A_49 = arith.addi %iota3A, %add3A_48 : vector<16xi32>
      %select_n3A = arith.select %ge3A_41, %min3A_46, %add3A_49 : vector<16xi1>, vector<16xi32>
      %swap3A_50 = arith.constant 0 : i32
      %swap3A_51 = arith.index_cast %swap3A_50 : i32 to index
      %swap3A_52 = arith.constant 0 : index
      %swap3A_53 = tpu.vector_load %arg8[%swap3A_51, %swap3A_52] {strides = array<i32>} : memref<2x128xi32, #tpu.memory_space<vmem>>, vector<16xi32>,
      tpu.vector_store %arg8[%swap3A_51, %swap3A_52], %select_n3A {strides = array<i32>} : memref<2x128xi32, #tpu.memory_space<vmem>>, vector<16xi32>,
      %get3A_54 = arith.constant 16 : index
      %get3A_55 = tpu.vector_load %arg6[%get3A_54] {strides = array<i32>} : memref<256xi32, #tpu.memory_space<vmem>>, vector<16xi32>,
      %min3A_56 = arith.constant 999999 : i32
      %min3A_57 = vector.broadcast %min3A_56 : i32 to vector<16xi32>
      %min3A_58 = arith.minsi %get3A_55, %min3A_57 : vector<16xi32>
      %swap3A_59 = arith.constant 0 : i32
      %swap3A_60 = arith.index_cast %swap3A_59 : i32 to index
      %swap3A_61 = arith.constant 16 : index
      %swap3A_62 = tpu.vector_load %arg7[%swap3A_60, %swap3A_61] {strides = array<i32>} : memref<2x128xi32, #tpu.memory_space<vmem>>, vector<16xi32>,
      tpu.vector_store %arg7[%swap3A_60, %swap3A_61], %min3A_58 {strides = array<i32>} : memref<2x128xi32, #tpu.memory_space<vmem>>, vector<16xi32>,
      %ge3A_63 = arith.constant 1000000 : i32
      %ge3A_64 = vector.broadcast %ge3A_63 : i32 to vector<16xi32>
      %ge3A_65 = arith.cmpi sge, %get3A_55, %ge3A_64 : vector<16xi32>
      %sub3A_66 = arith.constant 1000000 : i32
      %sub3A_67 = vector.broadcast %sub3A_66 : i32 to vector<16xi32>
      %sub3A_68 = arith.subi %get3A_55, %sub3A_67 : vector<16xi32>
      %min3A_69 = arith.constant 65535 : i32
      %min3A_70 = vector.broadcast %min3A_69 : i32 to vector<16xi32>
      %min3A_71 = arith.minsi %sub3A_68, %min3A_70 : vector<16xi32>
      %add3A_72 = arith.constant 16 : i32
      %add3A_73 = vector.broadcast %add3A_72 : i32 to vector<16xi32>
      %add3A_74 = arith.addi %iota3A, %add3A_73 : vector<16xi32>
      %select_n3A_75 = arith.select %ge3A_65, %min3A_71, %add3A_74 : vector<16xi1>, vector<16xi32>
      %swap3A_76 = arith.constant 0 : i32
      %swap3A_77 = arith.index_cast %swap3A_76 : i32 to index
      %swap3A_78 = arith.constant 16 : index
      %swap3A_79 = tpu.vector_load %arg8[%swap3A_77, %swap3A_78] {strides = array<i32>} : memref<2x128xi32, #tpu.memory_space<vmem>>, vector<16xi32>,
      tpu.vector_store %arg8[%swap3A_77, %swap3A_78], %select_n3A_75 {strides = array<i32>} : memref<2x128xi32, #tpu.memory_space<vmem>>, vector<16xi32>,
      %get3A_80 = arith.constant 32 : index
      %get3A_81 = tpu.vector_load %arg6[%get3A_80] {strides = array<i32>} : memref<256xi32, #tpu.memory_space<vmem>>, vector<16xi32>,
      %min3A_82 = arith.constant 999999 : i32
      %min3A_83 = vector.broadcast %min3A_82 : i32 to vector<16xi32>
      %min3A_84 = arith.minsi %get3A_81, %min3A_83 : vector<16xi32>
      %swap3A_85 = arith.constant 0 : i32
      %swap3A_86 = arith.index_cast %swap3A_85 : i32 to index
      %swap3A_87 = arith.constant 32 : index
      %swap3A_88 = tpu.vector_load %arg7[%swap3A_86, %swap3A_87] {strides = array<i32>} : memref<2x128xi32, #tpu.memory_space<vmem>>, vector<16xi32>,
      tpu.vector_store %arg7[%swap3A_86, %swap3A_87], %min3A_84 {strides = array<i32>} : memref<2x128xi32, #tpu.memory_space<vmem>>, vector<16xi32>,
      %ge3A_89 = arith.constant 1000000 : i32
      %ge3A_90 = vector.broadcast %ge3A_89 : i32 to vector<16xi32>
      %ge3A_91 = arith.cmpi sge, %get3A_81, %ge3A_90 : vector<16xi32>
      %sub3A_92 = arith.constant 1000000 : i32
      %sub3A_93 = vector.broadcast %sub3A_92 : i32 to vector<16xi32>
      %sub3A_94 = arith.subi %get3A_81, %sub3A_93 : vector<16xi32>
      %min3A_95 = arith.constant 65535 : i32
      %min3A_96 = vector.broadcast %min3A_95 : i32 to vector<16xi32>
      %min3A_97 = arith.minsi %sub3A_94, %min3A_96 : vector<16xi32>
      %add3A_98 = arith.constant 32 : i32
      %add3A_99 = vector.broadcast %add3A_98 : i32 to vector<16xi32>
      %add3A_100 = arith.addi %iota3A, %add3A_99 : vector<16xi32>
      %select_n3A_101 = arith.select %ge3A_91, %min3A_97, %add3A_100 : vector<16xi1>, vector<16xi32>
      %swap3A_102 = arith.constant 0 : i32
      %swap3A_103 = arith.index_cast %swap3A_102 : i32 to index
      %swap3A_104 = arith.constant 32 : index
      %swap3A_105 = tpu.vector_load %arg8[%swap3A_103, %swap3A_104] {strides = array<i32>} : memref<2x128xi32, #tpu.memory_space<vmem>>, vector<16xi32>,
      tpu.vector_store %arg8[%swap3A_103, %swap3A_104], %select_n3A_101 {strides = array<i32>} : memref<2x128xi32, #tpu.memory_space<vmem>>, vector<16xi32>,
      %get3A_106 = arith.constant 48 : index
      %get3A_107 = tpu.vector_load %arg6[%get3A_106] {strides = array<i32>} : memref<256xi32, #tpu.memory_space<vmem>>, vector<16xi32>,
      %min3A_108 = arith.constant 999999 : i32
      %min3A_109 = vector.broadcast %min3A_108 : i32 to vector<16xi32>
      %min3A_110 = arith.minsi %get3A_107, %min3A_109 : vector<16xi32>
      %swap3A_111 = arith.constant 0 : i32
      %swap3A_112 = arith.index_cast %swap3A_111 : i32 to index
      %swap3A_113 = arith.constant 48 : index
      %swap3A_114 = tpu.vector_load %arg7[%swap3A_112, %swap3A_113] {strides = array<i32>} : memref<2x128xi32, #tpu.memory_space<vmem>>, vector<16xi32>,
      tpu.vector_store %arg7[%swap3A_112, %swap3A_113], %min3A_110 {strides = array<i32>} : memref<2x128xi32, #tpu.memory_space<vmem>>, vector<16xi32>,
      %ge3A_115 = arith.constant 1000000 : i32
      %ge3A_116 = vector.broadcast %ge3A_115 : i32 to vector<16xi32>
      %ge3A_117 = arith.cmpi sge, %get3A_107, %ge3A_116 : vector<16xi32>
      %sub3A_118 = arith.constant 1000000 : i32
      %sub3A_119 = vector.broadcast %sub3A_118 : i32 to vector<16xi32>
      %sub3A_120 = arith.subi %get3A_107, %sub3A_119 : vector<16xi32>
      %min3A_121 = arith.constant 65535 : i32
      %min3A_122 = vector.broadcast %min3A_121 : i32 to vector<16xi32>
      %min3A_123 = arith.minsi %sub3A_120, %min3A_122 : vector<16xi32>
      %add3A_124 = arith.constant 48 : i32
      %add3A_125 = vector.broadcast %add3A_124 : i32 to vector<16xi32>
      %add3A_126 = arith.addi %iota3A, %add3A_125 : vector<16xi32>
      %select_n3A_127 = arith.select %ge3A_117, %min3A_123, %add3A_126 : vector<16xi1>, vector<16xi32>
      %swap3A_128 = arith.constant 0 : i32
      %swap3A_129 = arith.index_cast %swap3A_128 : i32 to index
      %swap3A_130 = arith.constant 48 : index
      %swap3A_131 = tpu.vector_load %arg8[%swap3A_129, %swap3A_130] {strides = array<i32>} : memref<2x128xi32, #tpu.memory_space<vmem>>, vector<16xi32>,
      tpu.vector_store %arg8[%swap3A_129, %swap3A_130], %select_n3A_127 {strides = array<i32>} : memref<2x128xi32, #tpu.memory_space<vmem>>, vector<16xi32>,
      %get3A_132 = arith.constant 64 : index
      %get3A_133 = tpu.vector_load %arg6[%get3A_132] {strides = array<i32>} : memref<256xi32, #tpu.memory_space<vmem>>, vector<16xi32>,
      %min3A_134 = arith.constant 999999 : i32
      %min3A_135 = vector.broadcast %min3A_134 : i32 to vector<16xi32>
      %min3A_136 = arith.minsi %get3A_133, %min3A_135 : vector<16xi32>
      %swap3A_137 = arith.constant 0 : i32
      %swap3A_138 = arith.index_cast %swap3A_137 : i32 to index
      %swap3A_139 = arith.constant 64 : index
      %swap3A_140 = tpu.vector_load %arg7[%swap3A_138, %swap3A_139] {strides = array<i32>} : memref<2x128xi32, #tpu.memory_space<vmem>>, vector<16xi32>,
      tpu.vector_store %arg7[%swap3A_138, %swap3A_139], %min3A_136 {strides = array<i32>} : memref<2x128xi32, #tpu.memory_space<vmem>>, vector<16xi32>,
      %ge3A_141 = arith.constant 1000000 : i32
      %ge3A_142 = vector.broadcast %ge3A_141 : i32 to vector<16xi32>
      %ge3A_143 = arith.cmpi sge, %get3A_133, %ge3A_142 : vector<16xi32>
      %sub3A_144 = arith.constant 1000000 : i32
      %sub3A_145 = vector.broadcast %sub3A_144 : i32 to vector<16xi32>
      %sub3A_146 = arith.subi %get3A_133, %sub3A_145 : vector<16xi32>
      %min3A_147 = arith.constant 65535 : i32
      %min3A_148 = vector.broadcast %min3A_147 : i32 to vector<16xi32>
      %min3A_149 = arith.minsi %sub3A_146, %min3A_148 : vector<16xi32>
      %add3A_150 = arith.constant 64 : i32
      %add3A_151 = vector.broadcast %add3A_150 : i32 to vector<16xi32>
      %add3A_152 = arith.addi %iota3A, %add3A_151 : vector<16xi32>
      %select_n3A_153 = arith.select %ge3A_143, %min3A_149, %add3A_152 : vector<16xi1>, vector<16xi32>
      %swap3A_154 = arith.constant 0 : i32
      %swap3A_155 = arith.index_cast %swap3A_154 : i32 to index
      %swap3A_156 = arith.constant 64 : index
      %swap3A_157 = tpu.vector_load %arg8[%swap3A_155, %swap3A_156] {strides = array<i32>} : memref<2x128xi32, #tpu.memory_space<vmem>>, vector<16xi32>,
      tpu.vector_store %arg8[%swap3A_155, %swap3A_156], %select_n3A_153 {strides = array<i32>} : memref<2x128xi32, #tpu.memory_space<vmem>>, vector<16xi32>,
      %get3A_158 = arith.constant 80 : index
      %get3A_159 = tpu.vector_load %arg6[%get3A_158] {strides = array<i32>} : memref<256xi32, #tpu.memory_space<vmem>>, vector<16xi32>,
      %min3A_160 = arith.constant 999999 : i32
      %min3A_161 = vector.broadcast %min3A_160 : i32 to vector<16xi32>
      %min3A_162 = arith.minsi %get3A_159, %min3A_161 : vector<16xi32>
      %swap3A_163 = arith.constant 0 : i32
      %swap3A_164 = arith.index_cast %swap3A_163 : i32 to index
      %swap3A_165 = arith.constant 80 : index
      %swap3A_166 = tpu.vector_load %arg7[%swap3A_164, %swap3A_165] {strides = array<i32>} : memref<2x128xi32, #tpu.memory_space<vmem>>, vector<16xi32>,
      tpu.vector_store %arg7[%swap3A_164, %swap3A_165], %min3A_162 {strides = array<i32>} : memref<2x128xi32, #tpu.memory_space<vmem>>, vector<16xi32>,
      %ge3A_167 = arith.constant 1000000 : i32
      %ge3A_168 = vector.broadcast %ge3A_167 : i32 to vector<16xi32>
      %ge3A_169 = arith.cmpi sge, %get3A_159, %ge3A_168 : vector<16xi32>
      %sub3A_170 = arith.constant 1000000 : i32
      %sub3A_171 = vector.broadcast %sub3A_170 : i32 to vector<16xi32>
      %sub3A_172 = arith.subi %get3A_159, %sub3A_171 : vector<16xi32>
      %min3A_173 = arith.constant 65535 : i32
      %min3A_174 = vector.broadcast %min3A_173 : i32 to vector<16xi32>
      %min3A_175 = arith.minsi %sub3A_172, %min3A_174 : vector<16xi32>
      %add3A_176 = arith.constant 80 : i32
      %add3A_177 = vector.broadcast %add3A_176 : i32 to vector<16xi32>
      %add3A_178 = arith.addi %iota3A, %add3A_177 : vector<16xi32>
      %select_n3A_179 = arith.select %ge3A_169, %min3A_175, %add3A_178 : vector<16xi1>, vector<16xi32>
      %swap3A_180 = arith.constant 0 : i32
      %swap3A_181 = arith.index_cast %swap3A_180 : i32 to index
      %swap3A_182 = arith.constant 80 : index
      %swap3A_183 = tpu.vector_load %arg8[%swap3A_181, %swap3A_182] {strides = array<i32>} : memref<2x128xi32, #tpu.memory_space<vmem>>, vector<16xi32>,
      tpu.vector_store %arg8[%swap3A_181, %swap3A_182], %select_n3A_179 {strides = array<i32>} : memref<2x128xi32, #tpu.memory_space<vmem>>, vector<16xi32>,
      %get3A_184 = arith.constant 96 : index
      %get3A_185 = tpu.vector_load %arg6[%get3A_184] {strides = array<i32>} : memref<256xi32, #tpu.memory_space<vmem>>, vector<16xi32>,
      %min3A_186 = arith.constant 999999 : i32
      %min3A_187 = vector.broadcast %min3A_186 : i32 to vector<16xi32>
      %min3A_188 = arith.minsi %get3A_185, %min3A_187 : vector<16xi32>
      %swap3A_189 = arith.constant 0 : i32
      %swap3A_190 = arith.index_cast %swap3A_189 : i32 to index
      %swap3A_191 = arith.constant 96 : index
      %swap3A_192 = tpu.vector_load %arg7[%swap3A_190, %swap3A_191] {strides = array<i32>} : memref<2x128xi32, #tpu.memory_space<vmem>>, vector<16xi32>,
      tpu.vector_store %arg7[%swap3A_190, %swap3A_191], %min3A_188 {strides = array<i32>} : memref<2x128xi32, #tpu.memory_space<vmem>>, vector<16xi32>,
      %ge3A_193 = arith.constant 1000000 : i32
      %ge3A_194 = vector.broadcast %ge3A_193 : i32 to vector<16xi32>
      %ge3A_195 = arith.cmpi sge, %get3A_185, %ge3A_194 : vector<16xi32>
      %sub3A_196 = arith.constant 1000000 : i32
      %sub3A_197 = vector.broadcast %sub3A_196 : i32 to vector<16xi32>
      %sub3A_198 = arith.subi %get3A_185, %sub3A_197 : vector<16xi32>
      %min3A_199 = arith.constant 65535 : i32
      %min3A_200 = vector.broadcast %min3A_199 : i32 to vector<16xi32>
      %min3A_201 = arith.minsi %sub3A_198, %min3A_200 : vector<16xi32>
      %add3A_202 = arith.constant 96 : i32
      %add3A_203 = vector.broadcast %add3A_202 : i32 to vector<16xi32>
      %add3A_204 = arith.addi %iota3A, %add3A_203 : vector<16xi32>
      %select_n3A_205 = arith.select %ge3A_195, %min3A_201, %add3A_204 : vector<16xi1>, vector<16xi32>
      %swap3A_206 = arith.constant 0 : i32
      %swap3A_207 = arith.index_cast %swap3A_206 : i32 to index
      %swap3A_208 = arith.constant 96 : index
      %swap3A_209 = tpu.vector_load %arg8[%swap3A_207, %swap3A_208] {strides = array<i32>} : memref<2x128xi32, #tpu.memory_space<vmem>>, vector<16xi32>,
      tpu.vector_store %arg8[%swap3A_207, %swap3A_208], %select_n3A_205 {strides = array<i32>} : memref<2x128xi32, #tpu.memory_space<vmem>>, vector<16xi32>,
      %get3A_210 = arith.constant 112 : index
      %get3A_211 = tpu.vector_load %arg6[%get3A_210] {strides = array<i32>} : memref<256xi32, #tpu.memory_space<vmem>>, vector<16xi32>,
      %min3A_212 = arith.constant 999999 : i32
      %min3A_213 = vector.broadcast %min3A_212 : i32 to vector<16xi32>
      %min3A_214 = arith.minsi %get3A_211, %min3A_213 : vector<16xi32>
      %swap3A_215 = arith.constant 0 : i32
      %swap3A_216 = arith.index_cast %swap3A_215 : i32 to index
      %swap3A_217 = arith.constant 112 : index
      %swap3A_218 = tpu.vector_load %arg7[%swap3A_216, %swap3A_217] {strides = array<i32>} : memref<2x128xi32, #tpu.memory_space<vmem>>, vector<16xi32>,
      tpu.vector_store %arg7[%swap3A_216, %swap3A_217], %min3A_214 {strides = array<i32>} : memref<2x128xi32, #tpu.memory_space<vmem>>, vector<16xi32>,
      %ge3A_219 = arith.constant 1000000 : i32
      %ge3A_220 = vector.broadcast %ge3A_219 : i32 to vector<16xi32>
      %ge3A_221 = arith.cmpi sge, %get3A_211, %ge3A_220 : vector<16xi32>
      %sub3A_222 = arith.constant 1000000 : i32
      %sub3A_223 = vector.broadcast %sub3A_222 : i32 to vector<16xi32>
      %sub3A_224 = arith.subi %get3A_211, %sub3A_223 : vector<16xi32>
      %min3A_225 = arith.constant 65535 : i32
      %min3A_226 = vector.broadcast %min3A_225 : i32 to vector<16xi32>
      %min3A_227 = arith.minsi %sub3A_224, %min3A_226 : vector<16xi32>
      %add3A_228 = arith.constant 112 : i32
      %add3A_229 = vector.broadcast %add3A_228 : i32 to vector<16xi32>
      %add3A_230 = arith.addi %iota3A, %add3A_229 : vector<16xi32>
      %select_n3A_231 = arith.select %ge3A_221, %min3A_227, %add3A_230 : vector<16xi1>, vector<16xi32>
      %swap3A_232 = arith.constant 0 : i32
      %swap3A_233 = arith.index_cast %swap3A_232 : i32 to index
      %swap3A_234 = arith.constant 112 : index
      %swap3A_235 = tpu.vector_load %arg8[%swap3A_233, %swap3A_234] {strides = array<i32>} : memref<2x128xi32, #tpu.memory_space<vmem>>, vector<16xi32>,
      tpu.vector_store %arg8[%swap3A_233, %swap3A_234], %select_n3A_231 {strides = array<i32>} : memref<2x128xi32, #tpu.memory_space<vmem>>, vector<16xi32>,
      %get3A_236 = arith.constant 128 : index
      %get3A_237 = tpu.vector_load %arg6[%get3A_236] {strides = array<i32>} : memref<256xi32, #tpu.memory_space<vmem>>, vector<16xi32>,
      %min3A_238 = arith.constant 999999 : i32
      %min3A_239 = vector.broadcast %min3A_238 : i32 to vector<16xi32>
      %min3A_240 = arith.minsi %get3A_237, %min3A_239 : vector<16xi32>
      %swap3A_241 = arith.constant 1 : i32
      %swap3A_242 = arith.index_cast %swap3A_241 : i32 to index
      %swap3A_243 = arith.constant 0 : index
      %swap3A_244 = tpu.vector_load %arg7[%swap3A_242, %swap3A_243] {strides = array<i32>} : memref<2x128xi32, #tpu.memory_space<vmem>>, vector<16xi32>,
      tpu.vector_store %arg7[%swap3A_242, %swap3A_243], %min3A_240 {strides = array<i32>} : memref<2x128xi32, #tpu.memory_space<vmem>>, vector<16xi32>,
      %ge3A_245 = arith.constant 1000000 : i32
      %ge3A_246 = vector.broadcast %ge3A_245 : i32 to vector<16xi32>
      %ge3A_247 = arith.cmpi sge, %get3A_237, %ge3A_246 : vector<16xi32>
      %sub3A_248 = arith.constant 1000000 : i32
      %sub3A_249 = vector.broadcast %sub3A_248 : i32 to vector<16xi32>
      %sub3A_250 = arith.subi %get3A_237, %sub3A_249 : vector<16xi32>
      %min3A_251 = arith.constant 65535 : i32
      %min3A_252 = vector.broadcast %min3A_251 : i32 to vector<16xi32>
      %min3A_253 = arith.minsi %sub3A_250, %min3A_252 : vector<16xi32>
      %add3A_254 = arith.constant 128 : i32
      %add3A_255 = vector.broadcast %add3A_254 : i32 to vector<16xi32>
      %add3A_256 = arith.addi %iota3A, %add3A_255 : vector<16xi32>
      %select_n3A_257 = arith.select %ge3A_247, %min3A_253, %add3A_256 : vector<16xi1>, vector<16xi32>
      %swap3A_258 = arith.constant 1 : i32
      %swap3A_259 = arith.index_cast %swap3A_258 : i32 to index
      %swap3A_260 = arith.constant 0 : index
      %swap3A_261 = tpu.vector_load %arg8[%swap3A_259, %swap3A_260] {strides = array<i32>} : memref<2x128xi32, #tpu.memory_space<vmem>>, vector<16xi32>,
      tpu.vector_store %arg8[%swap3A_259, %swap3A_260], %select_n3A_257 {strides = array<i32>} : memref<2x128xi32, #tpu.memory_space<vmem>>, vector<16xi32>,
      %get3A_262 = arith.constant 144 : index
      %get3A_263 = tpu.vector_load %arg6[%get3A_262] {strides = array<i32>} : memref<256xi32, #tpu.memory_space<vmem>>, vector<16xi32>,
      %min3A_264 = arith.constant 999999 : i32
      %min3A_265 = vector.broadcast %min3A_264 : i32 to vector<16xi32>
      %min3A_266 = arith.minsi %get3A_263, %min3A_265 : vector<16xi32>
      %swap3A_267 = arith.constant 1 : i32
      %swap3A_268 = arith.index_cast %swap3A_267 : i32 to index
      %swap3A_269 = arith.constant 16 : index
      %swap3A_270 = tpu.vector_load %arg7[%swap3A_268, %swap3A_269] {strides = array<i32>} : memref<2x128xi32, #tpu.memory_space<vmem>>, vector<16xi32>,
      tpu.vector_store %arg7[%swap3A_268, %swap3A_269], %min3A_266 {strides = array<i32>} : memref<2x128xi32, #tpu.memory_space<vmem>>, vector<16xi32>,
      %ge3A_271 = arith.constant 1000000 : i32
      %ge3A_272 = vector.broadcast %ge3A_271 : i32 to vector<16xi32>
      %ge3A_273 = arith.cmpi sge, %get3A_263, %ge3A_272 : vector<16xi32>
      %sub3A_274 = arith.constant 1000000 : i32
      %sub3A_275 = vector.broadcast %sub3A_274 : i32 to vector<16xi32>
      %sub3A_276 = arith.subi %get3A_263, %sub3A_275 : vector<16xi32>
      %min3A_277 = arith.constant 65535 : i32
      %min3A_278 = vector.broadcast %min3A_277 : i32 to vector<16xi32>
      %min3A_279 = arith.minsi %sub3A_276, %min3A_278 : vector<16xi32>
      %add3A_280 = arith.constant 144 : i32
      %add3A_281 = vector.broadcast %add3A_280 : i32 to vector<16xi32>
      %add3A_282 = arith.addi %iota3A, %add3A_281 : vector<16xi32>
      %select_n3A_283 = arith.select %ge3A_273, %min3A_279, %add3A_282 : vector<16xi1>, vector<16xi32>
      %swap3A_284 = arith.constant 1 : i32
      %swap3A_285 = arith.index_cast %swap3A_284 : i32 to index
      %swap3A_286 = arith.constant 16 : index
      %swap3A_287 = tpu.vector_load %arg8[%swap3A_285, %swap3A_286] {strides = array<i32>} : memref<2x128xi32, #tpu.memory_space<vmem>>, vector<16xi32>,
      tpu.vector_store %arg8[%swap3A_285, %swap3A_286], %select_n3A_283 {strides = array<i32>} : memref<2x128xi32, #tpu.memory_space<vmem>>, vector<16xi32>,
      %get3A_288 = arith.constant 160 : index
      %get3A_289 = tpu.vector_load %arg6[%get3A_288] {strides = array<i32>} : memref<256xi32, #tpu.memory_space<vmem>>, vector<16xi32>,
      %min3A_290 = arith.constant 999999 : i32
      %min3A_291 = vector.broadcast %min3A_290 : i32 to vector<16xi32>
      %min3A_292 = arith.minsi %get3A_289, %min3A_291 : vector<16xi32>
      %swap3A_293 = arith.constant 1 : i32
      %swap3A_294 = arith.index_cast %swap3A_293 : i32 to index
      %swap3A_295 = arith.constant 32 : index
      %swap3A_296 = tpu.vector_load %arg7[%swap3A_294, %swap3A_295] {strides = array<i32>} : memref<2x128xi32, #tpu.memory_space<vmem>>, vector<16xi32>,
      tpu.vector_store %arg7[%swap3A_294, %swap3A_295], %min3A_292 {strides = array<i32>} : memref<2x128xi32, #tpu.memory_space<vmem>>, vector<16xi32>,
      %ge3A_297 = arith.constant 1000000 : i32
      %ge3A_298 = vector.broadcast %ge3A_297 : i32 to vector<16xi32>
      %ge3A_299 = arith.cmpi sge, %get3A_289, %ge3A_298 : vector<16xi32>
      %sub3A_300 = arith.constant 1000000 : i32
      %sub3A_301 = vector.broadcast %sub3A_300 : i32 to vector<16xi32>
      %sub3A_302 = arith.subi %get3A_289, %sub3A_301 : vector<16xi32>
      %min3A_303 = arith.constant 65535 : i32
      %min3A_304 = vector.broadcast %min3A_303 : i32 to vector<16xi32>
      %min3A_305 = arith.minsi %sub3A_302, %min3A_304 : vector<16xi32>
      %add3A_306 = arith.constant 160 : i32
      %add3A_307 = vector.broadcast %add3A_306 : i32 to vector<16xi32>
      %add3A_308 = arith.addi %iota3A, %add3A_307 : vector<16xi32>
      %select_n3A_309 = arith.select %ge3A_299, %min3A_305, %add3A_308 : vector<16xi1>, vector<16xi32>
      %swap3A_310 = arith.constant 1 : i32
      %swap3A_311 = arith.index_cast %swap3A_310 : i32 to index
      %swap3A_312 = arith.constant 32 : index
      %swap3A_313 = tpu.vector_load %arg8[%swap3A_311, %swap3A_312] {strides = array<i32>} : memref<2x128xi32, #tpu.memory_space<vmem>>, vector<16xi32>,
      tpu.vector_store %arg8[%swap3A_311, %swap3A_312], %select_n3A_309 {strides = array<i32>} : memref<2x128xi32, #tpu.memory_space<vmem>>, vector<16xi32>,
      %get3A_314 = arith.constant 176 : index
      %get3A_315 = tpu.vector_load %arg6[%get3A_314] {strides = array<i32>} : memref<256xi32, #tpu.memory_space<vmem>>, vector<16xi32>,
      %min3A_316 = arith.constant 999999 : i32
      %min3A_317 = vector.broadcast %min3A_316 : i32 to vector<16xi32>
      %min3A_318 = arith.minsi %get3A_315, %min3A_317 : vector<16xi32>
      %swap3A_319 = arith.constant 1 : i32
      %swap3A_320 = arith.index_cast %swap3A_319 : i32 to index
      %swap3A_321 = arith.constant 48 : index
      %swap3A_322 = tpu.vector_load %arg7[%swap3A_320, %swap3A_321] {strides = array<i32>} : memref<2x128xi32, #tpu.memory_space<vmem>>, vector<16xi32>,
      tpu.vector_store %arg7[%swap3A_320, %swap3A_321], %min3A_318 {strides = array<i32>} : memref<2x128xi32, #tpu.memory_space<vmem>>, vector<16xi32>,
      %ge3A_323 = arith.constant 1000000 : i32
      %ge3A_324 = vector.broadcast %ge3A_323 : i32 to vector<16xi32>
      %ge3A_325 = arith.cmpi sge, %get3A_315, %ge3A_324 : vector<16xi32>
      %sub3A_326 = arith.constant 1000000 : i32
      %sub3A_327 = vector.broadcast %sub3A_326 : i32 to vector<16xi32>
      %sub3A_328 = arith.subi %get3A_315, %sub3A_327 : vector<16xi32>
      %min3A_329 = arith.constant 65535 : i32
      %min3A_330 = vector.broadcast %min3A_329 : i32 to vector<16xi32>
      %min3A_331 = arith.minsi %sub3A_328, %min3A_330 : vector<16xi32>
      %add3A_332 = arith.constant 176 : i32
      %add3A_333 = vector.broadcast %add3A_332 : i32 to vector<16xi32>
      %add3A_334 = arith.addi %iota3A, %add3A_333 : vector<16xi32>
      %select_n3A_335 = arith.select %ge3A_325, %min3A_331, %add3A_334 : vector<16xi1>, vector<16xi32>
      %swap3A_336 = arith.constant 1 : i32
      %swap3A_337 = arith.index_cast %swap3A_336 : i32 to index
      %swap3A_338 = arith.constant 48 : index
      %swap3A_339 = tpu.vector_load %arg8[%swap3A_337, %swap3A_338] {strides = array<i32>} : memref<2x128xi32, #tpu.memory_space<vmem>>, vector<16xi32>,
      tpu.vector_store %arg8[%swap3A_337, %swap3A_338], %select_n3A_335 {strides = array<i32>} : memref<2x128xi32, #tpu.memory_space<vmem>>, vector<16xi32>,
      %get3A_340 = arith.constant 192 : index
      %get3A_341 = tpu.vector_load %arg6[%get3A_340] {strides = array<i32>} : memref<256xi32, #tpu.memory_space<vmem>>, vector<16xi32>,
      %min3A_342 = arith.constant 999999 : i32
      %min3A_343 = vector.broadcast %min3A_342 : i32 to vector<16xi32>
      %min3A_344 = arith.minsi %get3A_341, %min3A_343 : vector<16xi32>
      %swap3A_345 = arith.constant 1 : i32
      %swap3A_346 = arith.index_cast %swap3A_345 : i32 to index
      %swap3A_347 = arith.constant 64 : index
      %swap3A_348 = tpu.vector_load %arg7[%swap3A_346, %swap3A_347] {strides = array<i32>} : memref<2x128xi32, #tpu.memory_space<vmem>>, vector<16xi32>,
      tpu.vector_store %arg7[%swap3A_346, %swap3A_347], %min3A_344 {strides = array<i32>} : memref<2x128xi32, #tpu.memory_space<vmem>>, vector<16xi32>,
      %ge3A_349 = arith.constant 1000000 : i32
      %ge3A_350 = vector.broadcast %ge3A_349 : i32 to vector<16xi32>
      %ge3A_351 = arith.cmpi sge, %get3A_341, %ge3A_350 : vector<16xi32>
      %sub3A_352 = arith.constant 1000000 : i32
      %sub3A_353 = vector.broadcast %sub3A_352 : i32 to vector<16xi32>
      %sub3A_354 = arith.subi %get3A_341, %sub3A_353 : vector<16xi32>
      %min3A_355 = arith.constant 65535 : i32
      %min3A_356 = vector.broadcast %min3A_355 : i32 to vector<16xi32>
      %min3A_357 = arith.minsi %sub3A_354, %min3A_356 : vector<16xi32>
      %add3A_358 = arith.constant 192 : i32
      %add3A_359 = vector.broadcast %add3A_358 : i32 to vector<16xi32>
      %add3A_360 = arith.addi %iota3A, %add3A_359 : vector<16xi32>
      %select_n3A_361 = arith.select %ge3A_351, %min3A_357, %add3A_360 : vector<16xi1>, vector<16xi32>
      %swap3A_362 = arith.constant 1 : i32
      %swap3A_363 = arith.index_cast %swap3A_362 : i32 to index
      %swap3A_364 = arith.constant 64 : index
      %swap3A_365 = tpu.vector_load %arg8[%swap3A_363, %swap3A_364] {strides = array<i32>} : memref<2x128xi32, #tpu.memory_space<vmem>>, vector<16xi32>,
      tpu.vector_store %arg8[%swap3A_363, %swap3A_364], %select_n3A_361 {strides = array<i32>} : memref<2x128xi32, #tpu.memory_space<vmem>>, vector<16xi32>,
      %get3A_366 = arith.constant 208 : index
      %get3A_367 = tpu.vector_load %arg6[%get3A_366] {strides = array<i32>} : memref<256xi32, #tpu.memory_space<vmem>>, vector<16xi32>,
      %min3A_368 = arith.constant 999999 : i32
      %min3A_369 = vector.broadcast %min3A_368 : i32 to vector<16xi32>
      %min3A_370 = arith.minsi %get3A_367, %min3A_369 : vector<16xi32>
      %swap3A_371 = arith.constant 1 : i32
      %swap3A_372 = arith.index_cast %swap3A_371 : i32 to index
      %swap3A_373 = arith.constant 80 : index
      %swap3A_374 = tpu.vector_load %arg7[%swap3A_372, %swap3A_373] {strides = array<i32>} : memref<2x128xi32, #tpu.memory_space<vmem>>, vector<16xi32>,
      tpu.vector_store %arg7[%swap3A_372, %swap3A_373], %min3A_370 {strides = array<i32>} : memref<2x128xi32, #tpu.memory_space<vmem>>, vector<16xi32>,
      %ge3A_375 = arith.constant 1000000 : i32
      %ge3A_376 = vector.broadcast %ge3A_375 : i32 to vector<16xi32>
      %ge3A_377 = arith.cmpi sge, %get3A_367, %ge3A_376 : vector<16xi32>
      %sub3A_378 = arith.constant 1000000 : i32
      %sub3A_379 = vector.broadcast %sub3A_378 : i32 to vector<16xi32>
      %sub3A_380 = arith.subi %get3A_367, %sub3A_379 : vector<16xi32>
      %min3A_381 = arith.constant 65535 : i32
      %min3A_382 = vector.broadcast %min3A_381 : i32 to vector<16xi32>
      %min3A_383 = arith.minsi %sub3A_380, %min3A_382 : vector<16xi32>
      %add3A_384 = arith.constant 208 : i32
      %add3A_385 = vector.broadcast %add3A_384 : i32 to vector<16xi32>
      %add3A_386 = arith.addi %iota3A, %add3A_385 : vector<16xi32>
      %select_n3A_387 = arith.select %ge3A_377, %min3A_383, %add3A_386 : vector<16xi1>, vector<16xi32>
      %swap3A_388 = arith.constant 1 : i32
      %swap3A_389 = arith.index_cast %swap3A_388 : i32 to index
      %swap3A_390 = arith.constant 80 : index
      %swap3A_391 = tpu.vector_load %arg8[%swap3A_389, %swap3A_390] {strides = array<i32>} : memref<2x128xi32, #tpu.memory_space<vmem>>, vector<16xi32>,
      tpu.vector_store %arg8[%swap3A_389, %swap3A_390], %select_n3A_387 {strides = array<i32>} : memref<2x128xi32, #tpu.memory_space<vmem>>, vector<16xi32>,
      %get3A_392 = arith.constant 224 : index
      %get3A_393 = tpu.vector_load %arg6[%get3A_392] {strides = array<i32>} : memref<256xi32, #tpu.memory_space<vmem>>, vector<16xi32>,
      %min3A_394 = arith.constant 999999 : i32
      %min3A_395 = vector.broadcast %min3A_394 : i32 to vector<16xi32>
      %min3A_396 = arith.minsi %get3A_393, %min3A_395 : vector<16xi32>
      %swap3A_397 = arith.constant 1 : i32
      %swap3A_398 = arith.index_cast %swap3A_397 : i32 to index
      %swap3A_399 = arith.constant 96 : index
      %swap3A_400 = tpu.vector_load %arg7[%swap3A_398, %swap3A_399] {strides = array<i32>} : memref<2x128xi32, #tpu.memory_space<vmem>>, vector<16xi32>,
      tpu.vector_store %arg7[%swap3A_398, %swap3A_399], %min3A_396 {strides = array<i32>} : memref<2x128xi32, #tpu.memory_space<vmem>>, vector<16xi32>,
      %ge3A_401 = arith.constant 1000000 : i32
      %ge3A_402 = vector.broadcast %ge3A_401 : i32 to vector<16xi32>
      %ge3A_403 = arith.cmpi sge, %get3A_393, %ge3A_402 : vector<16xi32>
      %sub3A_404 = arith.constant 1000000 : i32
      %sub3A_405 = vector.broadcast %sub3A_404 : i32 to vector<16xi32>
      %sub3A_406 = arith.subi %get3A_393, %sub3A_405 : vector<16xi32>
      %min3A_407 = arith.constant 65535 : i32
      %min3A_408 = vector.broadcast %min3A_407 : i32 to vector<16xi32>
      %min3A_409 = arith.minsi %sub3A_406, %min3A_408 : vector<16xi32>
      %add3A_410 = arith.constant 224 : i32
      %add3A_411 = vector.broadcast %add3A_410 : i32 to vector<16xi32>
      %add3A_412 = arith.addi %iota3A, %add3A_411 : vector<16xi32>
      %select_n3A_413 = arith.select %ge3A_403, %min3A_409, %add3A_412 : vector<16xi1>, vector<16xi32>
      %swap3A_414 = arith.constant 1 : i32
      %swap3A_415 = arith.index_cast %swap3A_414 : i32 to index
      %swap3A_416 = arith.constant 96 : index
      %swap3A_417 = tpu.vector_load %arg8[%swap3A_415, %swap3A_416] {strides = array<i32>} : memref<2x128xi32, #tpu.memory_space<vmem>>, vector<16xi32>,
      tpu.vector_store %arg8[%swap3A_415, %swap3A_416], %select_n3A_413 {strides = array<i32>} : memref<2x128xi32, #tpu.memory_space<vmem>>, vector<16xi32>,
      %get3A_418 = arith.constant 240 : index
      %get3A_419 = tpu.vector_load %arg6[%get3A_418] {strides = array<i32>} : memref<256xi32, #tpu.memory_space<vmem>>, vector<16xi32>,
      %min3A_420 = arith.constant 999999 : i32
      %min3A_421 = vector.broadcast %min3A_420 : i32 to vector<16xi32>
      %min3A_422 = arith.minsi %get3A_419, %min3A_421 : vector<16xi32>
      %swap3A_423 = arith.constant 1 : i32
      %swap3A_424 = arith.index_cast %swap3A_423 : i32 to index
      %swap3A_425 = arith.constant 112 : index
      %swap3A_426 = tpu.vector_load %arg7[%swap3A_424, %swap3A_425] {strides = array<i32>} : memref<2x128xi32, #tpu.memory_space<vmem>>, vector<16xi32>,
      tpu.vector_store %arg7[%swap3A_424, %swap3A_425], %min3A_422 {strides = array<i32>} : memref<2x128xi32, #tpu.memory_space<vmem>>, vector<16xi32>,
      %ge3A_427 = arith.constant 1000000 : i32
      %ge3A_428 = vector.broadcast %ge3A_427 : i32 to vector<16xi32>
      %ge3A_429 = arith.cmpi sge, %get3A_419, %ge3A_428 : vector<16xi32>
      %sub3A_430 = arith.constant 1000000 : i32
      %sub3A_431 = vector.broadcast %sub3A_430 : i32 to vector<16xi32>
      %sub3A_432 = arith.subi %get3A_419, %sub3A_431 : vector<16xi32>
      %min3A_433 = arith.constant 65535 : i32
      %min3A_434 = vector.broadcast %min3A_433 : i32 to vector<16xi32>
      %min3A_435 = arith.minsi %sub3A_432, %min3A_434 : vector<16xi32>
      %add3A_436 = arith.constant 240 : i32
      %add3A_437 = vector.broadcast %add3A_436 : i32 to vector<16xi32>
      %add3A_438 = arith.addi %iota3A, %add3A_437 : vector<16xi32>
      %select_n3A_439 = arith.select %ge3A_429, %min3A_435, %add3A_438 : vector<16xi1>, vector<16xi32>
      %swap3A_440 = arith.constant 1 : i32
      %swap3A_441 = arith.index_cast %swap3A_440 : i32 to index
      %swap3A_442 = arith.constant 112 : index
      %swap3A_443 = tpu.vector_load %arg8[%swap3A_441, %swap3A_442] {strides = array<i32>} : memref<2x128xi32, #tpu.memory_space<vmem>>, vector<16xi32>,
      tpu.vector_store %arg8[%swap3A_441, %swap3A_442], %select_n3A_439 {strides = array<i32>} : memref<2x128xi32, #tpu.memory_space<vmem>>, vector<16xi32>,
      %gt3A = arith.constant 0 : i32
      %gt3A_444 = arith.cmpi sgt, %scan3A_20, %gt3A : i32
      %convert_element_type3A = arith.extui %gt3A_444 : i1 to i32
      %cond3A = arith.constant 0 : i32
      %cond3A_445 = arith.cmpi ne, %convert_element_type3A, %cond3A : i32
      scf.if %cond3A_445 {
        %dma_wait3A_1065 = arith.constant 0 : i32
        %dma_wait3A_1066 = tpu.memref_slice %arg5[%add3A_31, %dma_wait3A_1065] : memref<819200x64xf32, #tpu.memory_space<hbm>> -> memref<256x64xf32, #tpu.memory_space<hbm>>
        %dma_wait3A_1067 = arith.constant 0 : i32
        %dma_wait3A_1068 = tpu.memref_slice %arg5[%add3A_31, %dma_wait3A_1067] : memref<819200x64xf32, #tpu.memory_space<hbm>> -> memref<256x64xf32, #tpu.memory_space<hbm>>
        tpu.wait_dma2 semaphore(%arg12 : memref<!tpu.dma_semaphore, #tpu.memory_space<semaphore_mem>>) src(%arg9 : memref<256x64xf32, #tpu.memory_space<vmem>>) dst(%dma_wait3A_1068 : memref<256x64xf32, #tpu.memory_space<hbm>>)
      } else {
      }
      %dma_start3A_446 = arith.constant 0 : i32
      %dma_start3A_447 = arith.constant 0 : i32
      %dma_start3A_448 = arith.constant 0 : i32
      %dma_start3A_449 = tpu.memref_slice %arg9[%dma_start3A_447, %dma_start3A_448] : memref<256x64xf32, #tpu.memory_space<vmem>> -> memref<128x64xf32, #tpu.memory_space<vmem>>
      %dma_start3A_450 = arith.constant 0 : i32
      %dma_start3A_451 = tpu.memref_slice %arg7[%dma_start3A_446, %dma_start3A_450] : memref<2x128xi32, #tpu.memory_space<vmem>> -> memref<1x128xi32, #tpu.memory_space<vmem>>
      %dma_start3A_452 = tpu.memref_squeeze %dma_start3A_451 : memref<1x128xi32, #tpu.memory_space<vmem>> -> memref<128xi32, #tpu.memory_space<vmem>>
      %dma_start3A_453 = arith.constant 0 : i32
      %dma_start3A_454 = arith.constant 0 : i32
      %dma_start3A_455 = tpu.memref_slice %arg3[%dma_start3A_453, %dma_start3A_454] : memref<1000000x64xf32, #tpu.memory_space<hbm>> -> memref<1000000x64xf32, #tpu.memory_space<hbm>>
      tpu.enqueue_indirect_dma source(%dma_start3A_455 : memref<1000000x64xf32, #tpu.memory_space<hbm>>) target(%dma_start3A_449 : memref<128x64xf32, #tpu.memory_space<vmem>>) offsets(%dma_start3A_452 : memref<128xi32, #tpu.memory_space<vmem>>) semaphore(%arg20 : memref<!tpu.dma_semaphore, #tpu.memory_space<semaphore_mem>>)
      %dma_start3A_456 = arith.constant 0 : i32
      %dma_start3A_457 = arith.constant 0 : i32
      %dma_start3A_458 = arith.constant 0 : i32
      %dma_start3A_459 = tpu.memref_slice %arg10[%dma_start3A_457, %dma_start3A_458] : memref<256x64xf32, #tpu.memory_space<vmem>> -> memref<128x64xf32, #tpu.memory_space<vmem>>
      %dma_start3A_460 = arith.constant 0 : i32
      %dma_start3A_461 = tpu.memref_slice %arg8[%dma_start3A_456, %dma_start3A_460] : memref<2x128xi32, #tpu.memory_space<vmem>> -> memref<1x128xi32, #tpu.memory_space<vmem>>
      %dma_start3A_462 = tpu.memref_squeeze %dma_start3A_461 : memref<1x128xi32, #tpu.memory_space<vmem>> -> memref<128xi32, #tpu.memory_space<vmem>>
      %dma_start3A_463 = arith.constant 0 : i32
      %dma_start3A_464 = arith.constant 0 : i32
      %dma_start3A_465 = tpu.memref_slice %arg4[%dma_start3A_463, %dma_start3A_464] : memref<65536x64xf32, #tpu.memory_space<hbm>> -> memref<65536x64xf32, #tpu.memory_space<hbm>>
      tpu.enqueue_indirect_dma source(%dma_start3A_465 : memref<65536x64xf32, #tpu.memory_space<hbm>>) target(%dma_start3A_459 : memref<128x64xf32, #tpu.memory_space<vmem>>) offsets(%dma_start3A_462 : memref<128xi32, #tpu.memory_space<vmem>>) semaphore(%arg21 : memref<!tpu.dma_semaphore, #tpu.memory_space<semaphore_mem>>)
      %dma_start3A_466 = arith.constant 1 : i32
      %dma_start3A_467 = arith.constant 128 : i32
      %dma_start3A_468 = arith.constant 0 : i32
      %dma_start3A_469 = tpu.memref_slice %arg9[%dma_start3A_467, %dma_start3A_468] : memref<256x64xf32, #tpu.memory_space<vmem>> -> memref<128x64xf32, #tpu.memory_space<vmem>>
      %dma_start3A_470 = arith.constant 0 : i32
      %dma_start3A_471 = tpu.memref_slice %arg7[%dma_start3A_466, %dma_start3A_470] : memref<2x128xi32, #tpu.memory_space<vmem>> -> memref<1x128xi32, #tpu.memory_space<vmem>>
      %dma_start3A_472 = tpu.memref_squeeze %dma_start3A_471 : memref<1x128xi32, #tpu.memory_space<vmem>> -> memref<128xi32, #tpu.memory_space<vmem>>
      %dma_start3A_473 = arith.constant 0 : i32
      %dma_start3A_474 = arith.constant 0 : i32
      %dma_start3A_475 = tpu.memref_slice %arg3[%dma_start3A_473, %dma_start3A_474] : memref<1000000x64xf32, #tpu.memory_space<hbm>> -> memref<1000000x64xf32, #tpu.memory_space<hbm>>
      tpu.enqueue_indirect_dma source(%dma_start3A_475 : memref<1000000x64xf32, #tpu.memory_space<hbm>>) target(%dma_start3A_469 : memref<128x64xf32, #tpu.memory_space<vmem>>) offsets(%dma_start3A_472 : memref<128xi32, #tpu.memory_space<vmem>>) semaphore(%arg20 : memref<!tpu.dma_semaphore, #tpu.memory_space<semaphore_mem>>)
      %dma_start3A_476 = arith.constant 1 : i32
      %dma_start3A_477 = arith.constant 128 : i32
      %dma_start3A_478 = arith.constant 0 : i32
      %dma_start3A_479 = tpu.memref_slice %arg10[%dma_start3A_477, %dma_start3A_478] : memref<256x64xf32, #tpu.memory_space<vmem>> -> memref<128x64xf32, #tpu.memory_space<vmem>>
      %dma_start3A_480 = arith.constant 0 : i32
      %dma_start3A_481 = tpu.memref_slice %arg8[%dma_start3A_476, %dma_start3A_480] : memref<2x128xi32, #tpu.memory_space<vmem>> -> memref<1x128xi32, #tpu.memory_space<vmem>>
      %dma_start3A_482 = tpu.memref_squeeze %dma_start3A_481 : memref<1x128xi32, #tpu.memory_space<vmem>> -> memref<128xi32, #tpu.memory_space<vmem>>
      %dma_start3A_483 = arith.constant 0 : i32
      %dma_start3A_484 = arith.constant 0 : i32
      %dma_start3A_485 = tpu.memref_slice %arg4[%dma_start3A_483, %dma_start3A_484] : memref<65536x64xf32, #tpu.memory_space<hbm>> -> memref<65536x64xf32, #tpu.memory_space<hbm>>
      tpu.enqueue_indirect_dma source(%dma_start3A_485 : memref<65536x64xf32, #tpu.memory_space<hbm>>) target(%dma_start3A_479 : memref<128x64xf32, #tpu.memory_space<vmem>>) offsets(%dma_start3A_482 : memref<128xi32, #tpu.memory_space<vmem>>) semaphore(%arg21 : memref<!tpu.dma_semaphore, #tpu.memory_space<semaphore_mem>>)
      %convert_element_type3A_486 = arith.extui %lt3A_28 : i1 to i32
      %cond3A_487 = arith.constant 0 : i32
      %cond3A_488 = arith.cmpi ne, %convert_element_type3A_486, %cond3A_487 : i32
      scf.if %cond3A_488 {
        %dma_start3A_1065 = tpu.memref_slice %arg2[%add3A_27] : memref<819200xi32, #tpu.memory_space<hbm>> -> memref<256xi32, #tpu.memory_space<hbm>>
        %dma_start3A_1066 = tpu.memref_slice %arg2[%add3A_27] : memref<819200xi32, #tpu.memory_space<hbm>> -> memref<256xi32, #tpu.memory_space<hbm>>
        tpu.enqueue_dma source(%dma_start3A_1066 : memref<256xi32, #tpu.memory_space<hbm>>) target(%arg13 : memref<256xi32, #tpu.memory_space<vmem>>) target_semaphore(%arg18 : memref<!tpu.dma_semaphore, #tpu.memory_space<semaphore_mem>>)
      } else {
      }
      %dma_wait3A_489 = arith.constant 0 : i32
      %dma_wait3A_490 = arith.constant 0 : i32
      %dma_wait3A_491 = arith.constant 0 : i32
      %dma_wait3A_492 = tpu.memref_slice %arg9[%dma_wait3A_490, %dma_wait3A_491] : memref<256x64xf32, #tpu.memory_space<vmem>> -> memref<128x64xf32, #tpu.memory_space<vmem>>
      %dma_wait3A_493 = arith.constant 0 : i32
      %dma_wait3A_494 = tpu.memref_slice %arg7[%dma_wait3A_489, %dma_wait3A_493] : memref<2x128xi32, #tpu.memory_space<vmem>> -> memref<1x128xi32, #tpu.memory_space<vmem>>
      %dma_wait3A_495 = tpu.memref_squeeze %dma_wait3A_494 : memref<1x128xi32, #tpu.memory_space<vmem>> -> memref<128xi32, #tpu.memory_space<vmem>>
      %dma_wait3A_496 = arith.constant 0 : i32
      %dma_wait3A_497 = arith.constant 0 : i32
      %dma_wait3A_498 = tpu.memref_slice %arg3[%dma_wait3A_496, %dma_wait3A_497] : memref<1000000x64xf32, #tpu.memory_space<hbm>> -> memref<1000000x64xf32, #tpu.memory_space<hbm>>
      tpu.wait_indirect_dma semaphore(%arg20 : memref<!tpu.dma_semaphore, #tpu.memory_space<semaphore_mem>>) src(%dma_wait3A_498 : memref<1000000x64xf32, #tpu.memory_space<hbm>>) dst(%dma_wait3A_492 : memref<128x64xf32, #tpu.memory_space<vmem>>)
      %dma_wait3A_499 = arith.constant 0 : i32
      %dma_wait3A_500 = arith.constant 0 : i32
      %dma_wait3A_501 = arith.constant 0 : i32
      %dma_wait3A_502 = tpu.memref_slice %arg10[%dma_wait3A_500, %dma_wait3A_501] : memref<256x64xf32, #tpu.memory_space<vmem>> -> memref<128x64xf32, #tpu.memory_space<vmem>>
      %dma_wait3A_503 = arith.constant 0 : i32
      %dma_wait3A_504 = tpu.memref_slice %arg8[%dma_wait3A_499, %dma_wait3A_503] : memref<2x128xi32, #tpu.memory_space<vmem>> -> memref<1x128xi32, #tpu.memory_space<vmem>>
      %dma_wait3A_505 = tpu.memref_squeeze %dma_wait3A_504 : memref<1x128xi32, #tpu.memory_space<vmem>> -> memref<128xi32, #tpu.memory_space<vmem>>
      %dma_wait3A_506 = arith.constant 0 : i32
      %dma_wait3A_507 = arith.constant 0 : i32
      %dma_wait3A_508 = tpu.memref_slice %arg4[%dma_wait3A_506, %dma_wait3A_507] : memref<65536x64xf32, #tpu.memory_space<hbm>> -> memref<65536x64xf32, #tpu.memory_space<hbm>>
      tpu.wait_indirect_dma semaphore(%arg21 : memref<!tpu.dma_semaphore, #tpu.memory_space<semaphore_mem>>) src(%dma_wait3A_508 : memref<65536x64xf32, #tpu.memory_space<hbm>>) dst(%dma_wait3A_502 : memref<128x64xf32, #tpu.memory_space<vmem>>)
      %dma_wait3A_509 = arith.constant 1 : i32
      %dma_wait3A_510 = arith.constant 128 : i32
      %dma_wait3A_511 = arith.constant 0 : i32
      %dma_wait3A_512 = tpu.memref_slice %arg9[%dma_wait3A_510, %dma_wait3A_511] : memref<256x64xf32, #tpu.memory_space<vmem>> -> memref<128x64xf32, #tpu.memory_space<vmem>>
      %dma_wait3A_513 = arith.constant 0 : i32
      %dma_wait3A_514 = tpu.memref_slice %arg7[%dma_wait3A_509, %dma_wait3A_513] : memref<2x128xi32, #tpu.memory_space<vmem>> -> memref<1x128xi32, #tpu.memory_space<vmem>>
      %dma_wait3A_515 = tpu.memref_squeeze %dma_wait3A_514 : memref<1x128xi32, #tpu.memory_space<vmem>> -> memref<128xi32, #tpu.memory_space<vmem>>
      %dma_wait3A_516 = arith.constant 0 : i32
      %dma_wait3A_517 = arith.constant 0 : i32
      %dma_wait3A_518 = tpu.memref_slice %arg3[%dma_wait3A_516, %dma_wait3A_517] : memref<1000000x64xf32, #tpu.memory_space<hbm>> -> memref<1000000x64xf32, #tpu.memory_space<hbm>>
      tpu.wait_indirect_dma semaphore(%arg20 : memref<!tpu.dma_semaphore, #tpu.memory_space<semaphore_mem>>) src(%dma_wait3A_518 : memref<1000000x64xf32, #tpu.memory_space<hbm>>) dst(%dma_wait3A_512 : memref<128x64xf32, #tpu.memory_space<vmem>>)
      %dma_wait3A_519 = arith.constant 1 : i32
      %dma_wait3A_520 = arith.constant 128 : i32
      %dma_wait3A_521 = arith.constant 0 : i32
      %dma_wait3A_522 = tpu.memref_slice %arg10[%dma_wait3A_520, %dma_wait3A_521] : memref<256x64xf32, #tpu.memory_space<vmem>> -> memref<128x64xf32, #tpu.memory_space<vmem>>
      %dma_wait3A_523 = arith.constant 0 : i32
      %dma_wait3A_524 = tpu.memref_slice %arg8[%dma_wait3A_519, %dma_wait3A_523] : memref<2x128xi32, #tpu.memory_space<vmem>> -> memref<1x128xi32, #tpu.memory_space<vmem>>
      %dma_wait3A_525 = tpu.memref_squeeze %dma_wait3A_524 : memref<1x128xi32, #tpu.memory_space<vmem>> -> memref<128xi32, #tpu.memory_space<vmem>>
      %dma_wait3A_526 = arith.constant 0 : i32
      %dma_wait3A_527 = arith.constant 0 : i32
      %dma_wait3A_528 = tpu.memref_slice %arg4[%dma_wait3A_526, %dma_wait3A_527] : memref<65536x64xf32, #tpu.memory_space<hbm>> -> memref<65536x64xf32, #tpu.memory_space<hbm>>
      tpu.wait_indirect_dma semaphore(%arg21 : memref<!tpu.dma_semaphore, #tpu.memory_space<semaphore_mem>>) src(%dma_wait3A_528 : memref<65536x64xf32, #tpu.memory_space<hbm>>) dst(%dma_wait3A_522 : memref<128x64xf32, #tpu.memory_space<vmem>>)
      %scan3A_529 = arith.constant 0 : i32
      %scan3A_530 = arith.constant 0 : i32
      %scan3A_531 = arith.constant 16 : i32
      %scan3A_532 = arith.addi %scan3A_530, %scan3A_531 : i32
      %scan3A_533 = arith.constant 1 : i32
      scf.for %scan3A_1065 = %scan3A_530 to %scan3A_532 step %scan3A_533  : i32 {
        %mul3A_1066 = arith.constant 16 : i32
        %mul3A_1067 = arith.muli %scan3A_1065, %mul3A_1066 : i32
        %get3A_1068 = arith.index_cast %mul3A_1067 : i32 to index
        %get3A_1069 = tpu.vector_load %arg6[%get3A_1068] {strides = array<i32>} : memref<256xi32, #tpu.memory_space<vmem>>, vector<16xi32>,
        %ge3A_1070 = arith.constant 1000000 : i32
        %ge3A_1071 = vector.broadcast %ge3A_1070 : i32 to vector<16xi32>
        %ge3A_1072 = arith.cmpi sge, %get3A_1069, %ge3A_1071 : vector<16xi32>
        %reduce_max3A = arith.constant true
        %reduce_max3A_1073 = vector.broadcast %reduce_max3A : i1 to vector<16xi1>
        %reduce_max3A_1074 = arith.constant -2147483648 : i32
        %reduce_max3A_1075 = vector.broadcast %reduce_max3A_1074 : i32 to vector<16xi32>
        %reduce_max3A_1076 = arith.xori %get3A_1069, %reduce_max3A_1075 : vector<16xi32>
        %reduce_max3A_1077 = tpu.scan <max>, %reduce_max3A_1076 masked %reduce_max3A_1073 : vector<16xi32>, vector<16xi1> -> vector<16xi32>
        %reduce_max3A_1078 = arith.xori %reduce_max3A_1077, %reduce_max3A_1075 : vector<16xi32>
        %reduce_max3A_1079 = vector.extract %reduce_max3A_1078[15] : i32 from vector<16xi32>
        %ge3A_1080 = arith.constant 1000000 : i32
        %ge3A_1081 = arith.cmpi sge, %reduce_max3A_1079, %ge3A_1080 : i32
        %convert_element_type3A_1082 = arith.extui %ge3A_1081 : i1 to i32
        %cond3A_1083 = arith.constant 0 : i32
        %cond3A_1084 = arith.cmpi ne, %convert_element_type3A_1082, %cond3A_1083 : i32
        scf.if %cond3A_1084 {
          %mul3A_1085 = arith.constant 16 : i32
          %mul3A_1086 = arith.muli %scan3A_1065, %mul3A_1085 : i32
          %add3A_1087 = vector.broadcast %mul3A_1086 : i32 to vector<16xi32>
          %add3A_1088 = arith.addi %iota3A, %add3A_1087 : vector<16xi32>
          %broadcast_in_dim3A = arith.constant 0 : i32
          %broadcast_in_dim3A_1089 = vector.broadcast %broadcast_in_dim3A : i32 to vector<16xi32>
          %gather3A = tpu.vector_load_idx %arg10[%add3A_1088, %broadcast_in_dim3A_1089] masked %ge3A_1072 : memref<256x64xf32, #tpu.memory_space<vmem>>[vector<16xi32>, vector<16xi32>], vector<16xf32>, vector<16xi1>
          tpu.vector_store_idx %arg9[%add3A_1088, %broadcast_in_dim3A_1089], %gather3A masked %ge3A_1072 : memref<256x64xf32, #tpu.memory_space<vmem>>[vector<16xi32>, vector<16xi32>], vector<16xf32>, vector<16xi1>
          %broadcast_in_dim3A_1090 = arith.constant 1 : i32
          %broadcast_in_dim3A_1091 = vector.broadcast %broadcast_in_dim3A_1090 : i32 to vector<16xi32>
          %gather3A_1092 = tpu.vector_load_idx %arg10[%add3A_1088, %broadcast_in_dim3A_1091] masked %ge3A_1072 : memref<256x64xf32, #tpu.memory_space<vmem>>[vector<16xi32>, vector<16xi32>], vector<16xf32>, vector<16xi1>
          tpu.vector_store_idx %arg9[%add3A_1088, %broadcast_in_dim3A_1091], %gather3A_1092 masked %ge3A_1072 : memref<256x64xf32, #tpu.memory_space<vmem>>[vector<16xi32>, vector<16xi32>], vector<16xf32>, vector<16xi1>
          %broadcast_in_dim3A_1093 = arith.constant 2 : i32
          %broadcast_in_dim3A_1094 = vector.broadcast %broadcast_in_dim3A_1093 : i32 to vector<16xi32>
          %gather3A_1095 = tpu.vector_load_idx %arg10[%add3A_1088, %broadcast_in_dim3A_1094] masked %ge3A_1072 : memref<256x64xf32, #tpu.memory_space<vmem>>[vector<16xi32>, vector<16xi32>], vector<16xf32>, vector<16xi1>
          tpu.vector_store_idx %arg9[%add3A_1088, %broadcast_in_dim3A_1094], %gather3A_1095 masked %ge3A_1072 : memref<256x64xf32, #tpu.memory_space<vmem>>[vector<16xi32>, vector<16xi32>], vector<16xf32>, vector<16xi1>
          %broadcast_in_dim3A_1096 = arith.constant 3 : i32
          %broadcast_in_dim3A_1097 = vector.broadcast %broadcast_in_dim3A_1096 : i32 to vector<16xi32>
          %gather3A_1098 = tpu.vector_load_idx %arg10[%add3A_1088, %broadcast_in_dim3A_1097] masked %ge3A_1072 : memref<256x64xf32, #tpu.memory_space<vmem>>[vector<16xi32>, vector<16xi32>], vector<16xf32>, vector<16xi1>
          tpu.vector_store_idx %arg9[%add3A_1088, %broadcast_in_dim3A_1097], %gather3A_1098 masked %ge3A_1072 : memref<256x64xf32, #tpu.memory_space<vmem>>[vector<16xi32>, vector<16xi32>], vector<16xf32>, vector<16xi1>
          %broadcast_in_dim3A_1099 = arith.constant 4 : i32
          %broadcast_in_dim3A_1100 = vector.broadcast %broadcast_in_dim3A_1099 : i32 to vector<16xi32>
          %gather3A_1101 = tpu.vector_load_idx %arg10[%add3A_1088, %broadcast_in_dim3A_1100] masked %ge3A_1072 : memref<256x64xf32, #tpu.memory_space<vmem>>[vector<16xi32>, vector<16xi32>], vector<16xf32>, vector<16xi1>
          tpu.vector_store_idx %arg9[%add3A_1088, %broadcast_in_dim3A_1100], %gather3A_1101 masked %ge3A_1072 : memref<256x64xf32, #tpu.memory_space<vmem>>[vector<16xi32>, vector<16xi32>], vector<16xf32>, vector<16xi1>
          %broadcast_in_dim3A_1102 = arith.constant 5 : i32
          %broadcast_in_dim3A_1103 = vector.broadcast %broadcast_in_dim3A_1102 : i32 to vector<16xi32>
          %gather3A_1104 = tpu.vector_load_idx %arg10[%add3A_1088, %broadcast_in_dim3A_1103] masked %ge3A_1072 : memref<256x64xf32, #tpu.memory_space<vmem>>[vector<16xi32>, vector<16xi32>], vector<16xf32>, vector<16xi1>
          tpu.vector_store_idx %arg9[%add3A_1088, %broadcast_in_dim3A_1103], %gather3A_1104 masked %ge3A_1072 : memref<256x64xf32, #tpu.memory_space<vmem>>[vector<16xi32>, vector<16xi32>], vector<16xf32>, vector<16xi1>
          %broadcast_in_dim3A_1105 = arith.constant 6 : i32
          %broadcast_in_dim3A_1106 = vector.broadcast %broadcast_in_dim3A_1105 : i32 to vector<16xi32>
          %gather3A_1107 = tpu.vector_load_idx %arg10[%add3A_1088, %broadcast_in_dim3A_1106] masked %ge3A_1072 : memref<256x64xf32, #tpu.memory_space<vmem>>[vector<16xi32>, vector<16xi32>], vector<16xf32>, vector<16xi1>
          tpu.vector_store_idx %arg9[%add3A_1088, %broadcast_in_dim3A_1106], %gather3A_1107 masked %ge3A_1072 : memref<256x64xf32, #tpu.memory_space<vmem>>[vector<16xi32>, vector<16xi32>], vector<16xf32>, vector<16xi1>
          %broadcast_in_dim3A_1108 = arith.constant 7 : i32
          %broadcast_in_dim3A_1109 = vector.broadcast %broadcast_in_dim3A_1108 : i32 to vector<16xi32>
          %gather3A_1110 = tpu.vector_load_idx %arg10[%add3A_1088, %broadcast_in_dim3A_1109] masked %ge3A_1072 : memref<256x64xf32, #tpu.memory_space<vmem>>[vector<16xi32>, vector<16xi32>], vector<16xf32>, vector<16xi1>
          tpu.vector_store_idx %arg9[%add3A_1088, %broadcast_in_dim3A_1109], %gather3A_1110 masked %ge3A_1072 : memref<256x64xf32, #tpu.memory_space<vmem>>[vector<16xi32>, vector<16xi32>], vector<16xf32>, vector<16xi1>
          %broadcast_in_dim3A_1111 = arith.constant 8 : i32
          %broadcast_in_dim3A_1112 = vector.broadcast %broadcast_in_dim3A_1111 : i32 to vector<16xi32>
          %gather3A_1113 = tpu.vector_load_idx %arg10[%add3A_1088, %broadcast_in_dim3A_1112] masked %ge3A_1072 : memref<256x64xf32, #tpu.memory_space<vmem>>[vector<16xi32>, vector<16xi32>], vector<16xf32>, vector<16xi1>
          tpu.vector_store_idx %arg9[%add3A_1088, %broadcast_in_dim3A_1112], %gather3A_1113 masked %ge3A_1072 : memref<256x64xf32, #tpu.memory_space<vmem>>[vector<16xi32>, vector<16xi32>], vector<16xf32>, vector<16xi1>
          %broadcast_in_dim3A_1114 = arith.constant 9 : i32
          %broadcast_in_dim3A_1115 = vector.broadcast %broadcast_in_dim3A_1114 : i32 to vector<16xi32>
          %gather3A_1116 = tpu.vector_load_idx %arg10[%add3A_1088, %broadcast_in_dim3A_1115] masked %ge3A_1072 : memref<256x64xf32, #tpu.memory_space<vmem>>[vector<16xi32>, vector<16xi32>], vector<16xf32>, vector<16xi1>
          tpu.vector_store_idx %arg9[%add3A_1088, %broadcast_in_dim3A_1115], %gather3A_1116 masked %ge3A_1072 : memref<256x64xf32, #tpu.memory_space<vmem>>[vector<16xi32>, vector<16xi32>], vector<16xf32>, vector<16xi1>
          %broadcast_in_dim3A_1117 = arith.constant 10 : i32
          %broadcast_in_dim3A_1118 = vector.broadcast %broadcast_in_dim3A_1117 : i32 to vector<16xi32>
          %gather3A_1119 = tpu.vector_load_idx %arg10[%add3A_1088, %broadcast_in_dim3A_1118] masked %ge3A_1072 : memref<256x64xf32, #tpu.memory_space<vmem>>[vector<16xi32>, vector<16xi32>], vector<16xf32>, vector<16xi1>
          tpu.vector_store_idx %arg9[%add3A_1088, %broadcast_in_dim3A_1118], %gather3A_1119 masked %ge3A_1072 : memref<256x64xf32, #tpu.memory_space<vmem>>[vector<16xi32>, vector<16xi32>], vector<16xf32>, vector<16xi1>
          %broadcast_in_dim3A_1120 = arith.constant 11 : i32
          %broadcast_in_dim3A_1121 = vector.broadcast %broadcast_in_dim3A_1120 : i32 to vector<16xi32>
          %gather3A_1122 = tpu.vector_load_idx %arg10[%add3A_1088, %broadcast_in_dim3A_1121] masked %ge3A_1072 : memref<256x64xf32, #tpu.memory_space<vmem>>[vector<16xi32>, vector<16xi32>], vector<16xf32>, vector<16xi1>
          tpu.vector_store_idx %arg9[%add3A_1088, %broadcast_in_dim3A_1121], %gather3A_1122 masked %ge3A_1072 : memref<256x64xf32, #tpu.memory_space<vmem>>[vector<16xi32>, vector<16xi32>], vector<16xf32>, vector<16xi1>
          %broadcast_in_dim3A_1123 = arith.constant 12 : i32
          %broadcast_in_dim3A_1124 = vector.broadcast %broadcast_in_dim3A_1123 : i32 to vector<16xi32>
          %gather3A_1125 = tpu.vector_load_idx %arg10[%add3A_1088, %broadcast_in_dim3A_1124] masked %ge3A_1072 : memref<256x64xf32, #tpu.memory_space<vmem>>[vector<16xi32>, vector<16xi32>], vector<16xf32>, vector<16xi1>
          tpu.vector_store_idx %arg9[%add3A_1088, %broadcast_in_dim3A_1124], %gather3A_1125 masked %ge3A_1072 : memref<256x64xf32, #tpu.memory_space<vmem>>[vector<16xi32>, vector<16xi32>], vector<16xf32>, vector<16xi1>
          %broadcast_in_dim3A_1126 = arith.constant 13 : i32
          %broadcast_in_dim3A_1127 = vector.broadcast %broadcast_in_dim3A_1126 : i32 to vector<16xi32>
          %gather3A_1128 = tpu.vector_load_idx %arg10[%add3A_1088, %broadcast_in_dim3A_1127] masked %ge3A_1072 : memref<256x64xf32, #tpu.memory_space<vmem>>[vector<16xi32>, vector<16xi32>], vector<16xf32>, vector<16xi1>
          tpu.vector_store_idx %arg9[%add3A_1088, %broadcast_in_dim3A_1127], %gather3A_1128 masked %ge3A_1072 : memref<256x64xf32, #tpu.memory_space<vmem>>[vector<16xi32>, vector<16xi32>], vector<16xf32>, vector<16xi1>
          %broadcast_in_dim3A_1129 = arith.constant 14 : i32
          %broadcast_in_dim3A_1130 = vector.broadcast %broadcast_in_dim3A_1129 : i32 to vector<16xi32>
          %gather3A_1131 = tpu.vector_load_idx %arg10[%add3A_1088, %broadcast_in_dim3A_1130] masked %ge3A_1072 : memref<256x64xf32, #tpu.memory_space<vmem>>[vector<16xi32>, vector<16xi32>], vector<16xf32>, vector<16xi1>
          tpu.vector_store_idx %arg9[%add3A_1088, %broadcast_in_dim3A_1130], %gather3A_1131 masked %ge3A_1072 : memref<256x64xf32, #tpu.memory_space<vmem>>[vector<16xi32>, vector<16xi32>], vector<16xf32>, vector<16xi1>
          %broadcast_in_dim3A_1132 = arith.constant 15 : i32
          %broadcast_in_dim3A_1133 = vector.broadcast %broadcast_in_dim3A_1132 : i32 to vector<16xi32>
          %gather3A_1134 = tpu.vector_load_idx %arg10[%add3A_1088, %broadcast_in_dim3A_1133] masked %ge3A_1072 : memref<256x64xf32, #tpu.memory_space<vmem>>[vector<16xi32>, vector<16xi32>], vector<16xf32>, vector<16xi1>
          tpu.vector_store_idx %arg9[%add3A_1088, %broadcast_in_dim3A_1133], %gather3A_1134 masked %ge3A_1072 : memref<256x64xf32, #tpu.memory_space<vmem>>[vector<16xi32>, vector<16xi32>], vector<16xf32>, vector<16xi1>
          %broadcast_in_dim3A_1135 = arith.constant 16 : i32
          %broadcast_in_dim3A_1136 = vector.broadcast %broadcast_in_dim3A_1135 : i32 to vector<16xi32>
          %gather3A_1137 = tpu.vector_load_idx %arg10[%add3A_1088, %broadcast_in_dim3A_1136] masked %ge3A_1072 : memref<256x64xf32, #tpu.memory_space<vmem>>[vector<16xi32>, vector<16xi32>], vector<16xf32>, vector<16xi1>
          tpu.vector_store_idx %arg9[%add3A_1088, %broadcast_in_dim3A_1136], %gather3A_1137 masked %ge3A_1072 : memref<256x64xf32, #tpu.memory_space<vmem>>[vector<16xi32>, vector<16xi32>], vector<16xf32>, vector<16xi1>
          %broadcast_in_dim3A_1138 = arith.constant 17 : i32
          %broadcast_in_dim3A_1139 = vector.broadcast %broadcast_in_dim3A_1138 : i32 to vector<16xi32>
          %gather3A_1140 = tpu.vector_load_idx %arg10[%add3A_1088, %broadcast_in_dim3A_1139] masked %ge3A_1072 : memref<256x64xf32, #tpu.memory_space<vmem>>[vector<16xi32>, vector<16xi32>], vector<16xf32>, vector<16xi1>
          tpu.vector_store_idx %arg9[%add3A_1088, %broadcast_in_dim3A_1139], %gather3A_1140 masked %ge3A_1072 : memref<256x64xf32, #tpu.memory_space<vmem>>[vector<16xi32>, vector<16xi32>], vector<16xf32>, vector<16xi1>
          %broadcast_in_dim3A_1141 = arith.constant 18 : i32
          %broadcast_in_dim3A_1142 = vector.broadcast %broadcast_in_dim3A_1141 : i32 to vector<16xi32>
          %gather3A_1143 = tpu.vector_load_idx %arg10[%add3A_1088, %broadcast_in_dim3A_1142] masked %ge3A_1072 : memref<256x64xf32, #tpu.memory_space<vmem>>[vector<16xi32>, vector<16xi32>], vector<16xf32>, vector<16xi1>
          tpu.vector_store_idx %arg9[%add3A_1088, %broadcast_in_dim3A_1142], %gather3A_1143 masked %ge3A_1072 : memref<256x64xf32, #tpu.memory_space<vmem>>[vector<16xi32>, vector<16xi32>], vector<16xf32>, vector<16xi1>
          %broadcast_in_dim3A_1144 = arith.constant 19 : i32
          %broadcast_in_dim3A_1145 = vector.broadcast %broadcast_in_dim3A_1144 : i32 to vector<16xi32>
          %gather3A_1146 = tpu.vector_load_idx %arg10[%add3A_1088, %broadcast_in_dim3A_1145] masked %ge3A_1072 : memref<256x64xf32, #tpu.memory_space<vmem>>[vector<16xi32>, vector<16xi32>], vector<16xf32>, vector<16xi1>
          tpu.vector_store_idx %arg9[%add3A_1088, %broadcast_in_dim3A_1145], %gather3A_1146 masked %ge3A_1072 : memref<256x64xf32, #tpu.memory_space<vmem>>[vector<16xi32>, vector<16xi32>], vector<16xf32>, vector<16xi1>
          %broadcast_in_dim3A_1147 = arith.constant 20 : i32
          %broadcast_in_dim3A_1148 = vector.broadcast %broadcast_in_dim3A_1147 : i32 to vector<16xi32>
          %gather3A_1149 = tpu.vector_load_idx %arg10[%add3A_1088, %broadcast_in_dim3A_1148] masked %ge3A_1072 : memref<256x64xf32, #tpu.memory_space<vmem>>[vector<16xi32>, vector<16xi32>], vector<16xf32>, vector<16xi1>
          tpu.vector_store_idx %arg9[%add3A_1088, %broadcast_in_dim3A_1148], %gather3A_1149 masked %ge3A_1072 : memref<256x64xf32, #tpu.memory_space<vmem>>[vector<16xi32>, vector<16xi32>], vector<16xf32>, vector<16xi1>
          %broadcast_in_dim3A_1150 = arith.constant 21 : i32
          %broadcast_in_dim3A_1151 = vector.broadcast %broadcast_in_dim3A_1150 : i32 to vector<16xi32>
          %gather3A_1152 = tpu.vector_load_idx %arg10[%add3A_1088, %broadcast_in_dim3A_1151] masked %ge3A_1072 : memref<256x64xf32, #tpu.memory_space<vmem>>[vector<16xi32>, vector<16xi32>], vector<16xf32>, vector<16xi1>
          tpu.vector_store_idx %arg9[%add3A_1088, %broadcast_in_dim3A_1151], %gather3A_1152 masked %ge3A_1072 : memref<256x64xf32, #tpu.memory_space<vmem>>[vector<16xi32>, vector<16xi32>], vector<16xf32>, vector<16xi1>
          %broadcast_in_dim3A_1153 = arith.constant 22 : i32
          %broadcast_in_dim3A_1154 = vector.broadcast %broadcast_in_dim3A_1153 : i32 to vector<16xi32>
          %gather3A_1155 = tpu.vector_load_idx %arg10[%add3A_1088, %broadcast_in_dim3A_1154] masked %ge3A_1072 : memref<256x64xf32, #tpu.memory_space<vmem>>[vector<16xi32>, vector<16xi32>], vector<16xf32>, vector<16xi1>
          tpu.vector_store_idx %arg9[%add3A_1088, %broadcast_in_dim3A_1154], %gather3A_1155 masked %ge3A_1072 : memref<256x64xf32, #tpu.memory_space<vmem>>[vector<16xi32>, vector<16xi32>], vector<16xf32>, vector<16xi1>
          %broadcast_in_dim3A_1156 = arith.constant 23 : i32
          %broadcast_in_dim3A_1157 = vector.broadcast %broadcast_in_dim3A_1156 : i32 to vector<16xi32>
          %gather3A_1158 = tpu.vector_load_idx %arg10[%add3A_1088, %broadcast_in_dim3A_1157] masked %ge3A_1072 : memref<256x64xf32, #tpu.memory_space<vmem>>[vector<16xi32>, vector<16xi32>], vector<16xf32>, vector<16xi1>
          tpu.vector_store_idx %arg9[%add3A_1088, %broadcast_in_dim3A_1157], %gather3A_1158 masked %ge3A_1072 : memref<256x64xf32, #tpu.memory_space<vmem>>[vector<16xi32>, vector<16xi32>], vector<16xf32>, vector<16xi1>
          %broadcast_in_dim3A_1159 = arith.constant 24 : i32
          %broadcast_in_dim3A_1160 = vector.broadcast %broadcast_in_dim3A_1159 : i32 to vector<16xi32>
          %gather3A_1161 = tpu.vector_load_idx %arg10[%add3A_1088, %broadcast_in_dim3A_1160] masked %ge3A_1072 : memref<256x64xf32, #tpu.memory_space<vmem>>[vector<16xi32>, vector<16xi32>], vector<16xf32>, vector<16xi1>
          tpu.vector_store_idx %arg9[%add3A_1088, %broadcast_in_dim3A_1160], %gather3A_1161 masked %ge3A_1072 : memref<256x64xf32, #tpu.memory_space<vmem>>[vector<16xi32>, vector<16xi32>], vector<16xf32>, vector<16xi1>
          %broadcast_in_dim3A_1162 = arith.constant 25 : i32
          %broadcast_in_dim3A_1163 = vector.broadcast %broadcast_in_dim3A_1162 : i32 to vector<16xi32>
          %gather3A_1164 = tpu.vector_load_idx %arg10[%add3A_1088, %broadcast_in_dim3A_1163] masked %ge3A_1072 : memref<256x64xf32, #tpu.memory_space<vmem>>[vector<16xi32>, vector<16xi32>], vector<16xf32>, vector<16xi1>
          tpu.vector_store_idx %arg9[%add3A_1088, %broadcast_in_dim3A_1163], %gather3A_1164 masked %ge3A_1072 : memref<256x64xf32, #tpu.memory_space<vmem>>[vector<16xi32>, vector<16xi32>], vector<16xf32>, vector<16xi1>
          %broadcast_in_dim3A_1165 = arith.constant 26 : i32
          %broadcast_in_dim3A_1166 = vector.broadcast %broadcast_in_dim3A_1165 : i32 to vector<16xi32>
          %gather3A_1167 = tpu.vector_load_idx %arg10[%add3A_1088, %broadcast_in_dim3A_1166] masked %ge3A_1072 : memref<256x64xf32, #tpu.memory_space<vmem>>[vector<16xi32>, vector<16xi32>], vector<16xf32>, vector<16xi1>
          tpu.vector_store_idx %arg9[%add3A_1088, %broadcast_in_dim3A_1166], %gather3A_1167 masked %ge3A_1072 : memref<256x64xf32, #tpu.memory_space<vmem>>[vector<16xi32>, vector<16xi32>], vector<16xf32>, vector<16xi1>
          %broadcast_in_dim3A_1168 = arith.constant 27 : i32
          %broadcast_in_dim3A_1169 = vector.broadcast %broadcast_in_dim3A_1168 : i32 to vector<16xi32>
          %gather3A_1170 = tpu.vector_load_idx %arg10[%add3A_1088, %broadcast_in_dim3A_1169] masked %ge3A_1072 : memref<256x64xf32, #tpu.memory_space<vmem>>[vector<16xi32>, vector<16xi32>], vector<16xf32>, vector<16xi1>
          tpu.vector_store_idx %arg9[%add3A_1088, %broadcast_in_dim3A_1169], %gather3A_1170 masked %ge3A_1072 : memref<256x64xf32, #tpu.memory_space<vmem>>[vector<16xi32>, vector<16xi32>], vector<16xf32>, vector<16xi1>
          %broadcast_in_dim3A_1171 = arith.constant 28 : i32
          %broadcast_in_dim3A_1172 = vector.broadcast %broadcast_in_dim3A_1171 : i32 to vector<16xi32>
          %gather3A_1173 = tpu.vector_load_idx %arg10[%add3A_1088, %broadcast_in_dim3A_1172] masked %ge3A_1072 : memref<256x64xf32, #tpu.memory_space<vmem>>[vector<16xi32>, vector<16xi32>], vector<16xf32>, vector<16xi1>
          tpu.vector_store_idx %arg9[%add3A_1088, %broadcast_in_dim3A_1172], %gather3A_1173 masked %ge3A_1072 : memref<256x64xf32, #tpu.memory_space<vmem>>[vector<16xi32>, vector<16xi32>], vector<16xf32>, vector<16xi1>
          %broadcast_in_dim3A_1174 = arith.constant 29 : i32
          %broadcast_in_dim3A_1175 = vector.broadcast %broadcast_in_dim3A_1174 : i32 to vector<16xi32>
          %gather3A_1176 = tpu.vector_load_idx %arg10[%add3A_1088, %broadcast_in_dim3A_1175] masked %ge3A_1072 : memref<256x64xf32, #tpu.memory_space<vmem>>[vector<16xi32>, vector<16xi32>], vector<16xf32>, vector<16xi1>
          tpu.vector_store_idx %arg9[%add3A_1088, %broadcast_in_dim3A_1175], %gather3A_1176 masked %ge3A_1072 : memref<256x64xf32, #tpu.memory_space<vmem>>[vector<16xi32>, vector<16xi32>], vector<16xf32>, vector<16xi1>
          %broadcast_in_dim3A_1177 = arith.constant 30 : i32
          %broadcast_in_dim3A_1178 = vector.broadcast %broadcast_in_dim3A_1177 : i32 to vector<16xi32>
          %gather3A_1179 = tpu.vector_load_idx %arg10[%add3A_1088, %broadcast_in_dim3A_1178] masked %ge3A_1072 : memref<256x64xf32, #tpu.memory_space<vmem>>[vector<16xi32>, vector<16xi32>], vector<16xf32>, vector<16xi1>
          tpu.vector_store_idx %arg9[%add3A_1088, %broadcast_in_dim3A_1178], %gather3A_1179 masked %ge3A_1072 : memref<256x64xf32, #tpu.memory_space<vmem>>[vector<16xi32>, vector<16xi32>], vector<16xf32>, vector<16xi1>
          %broadcast_in_dim3A_1180 = arith.constant 31 : i32
          %broadcast_in_dim3A_1181 = vector.broadcast %broadcast_in_dim3A_1180 : i32 to vector<16xi32>
          %gather3A_1182 = tpu.vector_load_idx %arg10[%add3A_1088, %broadcast_in_dim3A_1181] masked %ge3A_1072 : memref<256x64xf32, #tpu.memory_space<vmem>>[vector<16xi32>, vector<16xi32>], vector<16xf32>, vector<16xi1>
          tpu.vector_store_idx %arg9[%add3A_1088, %broadcast_in_dim3A_1181], %gather3A_1182 masked %ge3A_1072 : memref<256x64xf32, #tpu.memory_space<vmem>>[vector<16xi32>, vector<16xi32>], vector<16xf32>, vector<16xi1>
          %broadcast_in_dim3A_1183 = arith.constant 32 : i32
          %broadcast_in_dim3A_1184 = vector.broadcast %broadcast_in_dim3A_1183 : i32 to vector<16xi32>
          %gather3A_1185 = tpu.vector_load_idx %arg10[%add3A_1088, %broadcast_in_dim3A_1184] masked %ge3A_1072 : memref<256x64xf32, #tpu.memory_space<vmem>>[vector<16xi32>, vector<16xi32>], vector<16xf32>, vector<16xi1>
          tpu.vector_store_idx %arg9[%add3A_1088, %broadcast_in_dim3A_1184], %gather3A_1185 masked %ge3A_1072 : memref<256x64xf32, #tpu.memory_space<vmem>>[vector<16xi32>, vector<16xi32>], vector<16xf32>, vector<16xi1>
          %broadcast_in_dim3A_1186 = arith.constant 33 : i32
          %broadcast_in_dim3A_1187 = vector.broadcast %broadcast_in_dim3A_1186 : i32 to vector<16xi32>
          %gather3A_1188 = tpu.vector_load_idx %arg10[%add3A_1088, %broadcast_in_dim3A_1187] masked %ge3A_1072 : memref<256x64xf32, #tpu.memory_space<vmem>>[vector<16xi32>, vector<16xi32>], vector<16xf32>, vector<16xi1>
          tpu.vector_store_idx %arg9[%add3A_1088, %broadcast_in_dim3A_1187], %gather3A_1188 masked %ge3A_1072 : memref<256x64xf32, #tpu.memory_space<vmem>>[vector<16xi32>, vector<16xi32>], vector<16xf32>, vector<16xi1>
          %broadcast_in_dim3A_1189 = arith.constant 34 : i32
          %broadcast_in_dim3A_1190 = vector.broadcast %broadcast_in_dim3A_1189 : i32 to vector<16xi32>
          %gather3A_1191 = tpu.vector_load_idx %arg10[%add3A_1088, %broadcast_in_dim3A_1190] masked %ge3A_1072 : memref<256x64xf32, #tpu.memory_space<vmem>>[vector<16xi32>, vector<16xi32>], vector<16xf32>, vector<16xi1>
          tpu.vector_store_idx %arg9[%add3A_1088, %broadcast_in_dim3A_1190], %gather3A_1191 masked %ge3A_1072 : memref<256x64xf32, #tpu.memory_space<vmem>>[vector<16xi32>, vector<16xi32>], vector<16xf32>, vector<16xi1>
          %broadcast_in_dim3A_1192 = arith.constant 35 : i32
          %broadcast_in_dim3A_1193 = vector.broadcast %broadcast_in_dim3A_1192 : i32 to vector<16xi32>
          %gather3A_1194 = tpu.vector_load_idx %arg10[%add3A_1088, %broadcast_in_dim3A_1193] masked %ge3A_1072 : memref<256x64xf32, #tpu.memory_space<vmem>>[vector<16xi32>, vector<16xi32>], vector<16xf32>, vector<16xi1>
          tpu.vector_store_idx %arg9[%add3A_1088, %broadcast_in_dim3A_1193], %gather3A_1194 masked %ge3A_1072 : memref<256x64xf32, #tpu.memory_space<vmem>>[vector<16xi32>, vector<16xi32>], vector<16xf32>, vector<16xi1>
          %broadcast_in_dim3A_1195 = arith.constant 36 : i32
          %broadcast_in_dim3A_1196 = vector.broadcast %broadcast_in_dim3A_1195 : i32 to vector<16xi32>
          %gather3A_1197 = tpu.vector_load_idx %arg10[%add3A_1088, %broadcast_in_dim3A_1196] masked %ge3A_1072 : memref<256x64xf32, #tpu.memory_space<vmem>>[vector<16xi32>, vector<16xi32>], vector<16xf32>, vector<16xi1>
          tpu.vector_store_idx %arg9[%add3A_1088, %broadcast_in_dim3A_1196], %gather3A_1197 masked %ge3A_1072 : memref<256x64xf32, #tpu.memory_space<vmem>>[vector<16xi32>, vector<16xi32>], vector<16xf32>, vector<16xi1>
          %broadcast_in_dim3A_1198 = arith.constant 37 : i32
          %broadcast_in_dim3A_1199 = vector.broadcast %broadcast_in_dim3A_1198 : i32 to vector<16xi32>
          %gather3A_1200 = tpu.vector_load_idx %arg10[%add3A_1088, %broadcast_in_dim3A_1199] masked %ge3A_1072 : memref<256x64xf32, #tpu.memory_space<vmem>>[vector<16xi32>, vector<16xi32>], vector<16xf32>, vector<16xi1>
          tpu.vector_store_idx %arg9[%add3A_1088, %broadcast_in_dim3A_1199], %gather3A_1200 masked %ge3A_1072 : memref<256x64xf32, #tpu.memory_space<vmem>>[vector<16xi32>, vector<16xi32>], vector<16xf32>, vector<16xi1>
          %broadcast_in_dim3A_1201 = arith.constant 38 : i32
          %broadcast_in_dim3A_1202 = vector.broadcast %broadcast_in_dim3A_1201 : i32 to vector<16xi32>
          %gather3A_1203 = tpu.vector_load_idx %arg10[%add3A_1088, %broadcast_in_dim3A_1202] masked %ge3A_1072 : memref<256x64xf32, #tpu.memory_space<vmem>>[vector<16xi32>, vector<16xi32>], vector<16xf32>, vector<16xi1>
          tpu.vector_store_idx %arg9[%add3A_1088, %broadcast_in_dim3A_1202], %gather3A_1203 masked %ge3A_1072 : memref<256x64xf32, #tpu.memory_space<vmem>>[vector<16xi32>, vector<16xi32>], vector<16xf32>, vector<16xi1>
          %broadcast_in_dim3A_1204 = arith.constant 39 : i32
          %broadcast_in_dim3A_1205 = vector.broadcast %broadcast_in_dim3A_1204 : i32 to vector<16xi32>
          %gather3A_1206 = tpu.vector_load_idx %arg10[%add3A_1088, %broadcast_in_dim3A_1205] masked %ge3A_1072 : memref<256x64xf32, #tpu.memory_space<vmem>>[vector<16xi32>, vector<16xi32>], vector<16xf32>, vector<16xi1>
          tpu.vector_store_idx %arg9[%add3A_1088, %broadcast_in_dim3A_1205], %gather3A_1206 masked %ge3A_1072 : memref<256x64xf32, #tpu.memory_space<vmem>>[vector<16xi32>, vector<16xi32>], vector<16xf32>, vector<16xi1>
          %broadcast_in_dim3A_1207 = arith.constant 40 : i32
          %broadcast_in_dim3A_1208 = vector.broadcast %broadcast_in_dim3A_1207 : i32 to vector<16xi32>
          %gather3A_1209 = tpu.vector_load_idx %arg10[%add3A_1088, %broadcast_in_dim3A_1208] masked %ge3A_1072 : memref<256x64xf32, #tpu.memory_space<vmem>>[vector<16xi32>, vector<16xi32>], vector<16xf32>, vector<16xi1>
          tpu.vector_store_idx %arg9[%add3A_1088, %broadcast_in_dim3A_1208], %gather3A_1209 masked %ge3A_1072 : memref<256x64xf32, #tpu.memory_space<vmem>>[vector<16xi32>, vector<16xi32>], vector<16xf32>, vector<16xi1>
          %broadcast_in_dim3A_1210 = arith.constant 41 : i32
          %broadcast_in_dim3A_1211 = vector.broadcast %broadcast_in_dim3A_1210 : i32 to vector<16xi32>
          %gather3A_1212 = tpu.vector_load_idx %arg10[%add3A_1088, %broadcast_in_dim3A_1211] masked %ge3A_1072 : memref<256x64xf32, #tpu.memory_space<vmem>>[vector<16xi32>, vector<16xi32>], vector<16xf32>, vector<16xi1>
          tpu.vector_store_idx %arg9[%add3A_1088, %broadcast_in_dim3A_1211], %gather3A_1212 masked %ge3A_1072 : memref<256x64xf32, #tpu.memory_space<vmem>>[vector<16xi32>, vector<16xi32>], vector<16xf32>, vector<16xi1>
          %broadcast_in_dim3A_1213 = arith.constant 42 : i32
          %broadcast_in_dim3A_1214 = vector.broadcast %broadcast_in_dim3A_1213 : i32 to vector<16xi32>
          %gather3A_1215 = tpu.vector_load_idx %arg10[%add3A_1088, %broadcast_in_dim3A_1214] masked %ge3A_1072 : memref<256x64xf32, #tpu.memory_space<vmem>>[vector<16xi32>, vector<16xi32>], vector<16xf32>, vector<16xi1>
          tpu.vector_store_idx %arg9[%add3A_1088, %broadcast_in_dim3A_1214], %gather3A_1215 masked %ge3A_1072 : memref<256x64xf32, #tpu.memory_space<vmem>>[vector<16xi32>, vector<16xi32>], vector<16xf32>, vector<16xi1>
          %broadcast_in_dim3A_1216 = arith.constant 43 : i32
          %broadcast_in_dim3A_1217 = vector.broadcast %broadcast_in_dim3A_1216 : i32 to vector<16xi32>
          %gather3A_1218 = tpu.vector_load_idx %arg10[%add3A_1088, %broadcast_in_dim3A_1217] masked %ge3A_1072 : memref<256x64xf32, #tpu.memory_space<vmem>>[vector<16xi32>, vector<16xi32>], vector<16xf32>, vector<16xi1>
          tpu.vector_store_idx %arg9[%add3A_1088, %broadcast_in_dim3A_1217], %gather3A_1218 masked %ge3A_1072 : memref<256x64xf32, #tpu.memory_space<vmem>>[vector<16xi32>, vector<16xi32>], vector<16xf32>, vector<16xi1>
          %broadcast_in_dim3A_1219 = arith.constant 44 : i32
          %broadcast_in_dim3A_1220 = vector.broadcast %broadcast_in_dim3A_1219 : i32 to vector<16xi32>
          %gather3A_1221 = tpu.vector_load_idx %arg10[%add3A_1088, %broadcast_in_dim3A_1220] masked %ge3A_1072 : memref<256x64xf32, #tpu.memory_space<vmem>>[vector<16xi32>, vector<16xi32>], vector<16xf32>, vector<16xi1>
          tpu.vector_store_idx %arg9[%add3A_1088, %broadcast_in_dim3A_1220], %gather3A_1221 masked %ge3A_1072 : memref<256x64xf32, #tpu.memory_space<vmem>>[vector<16xi32>, vector<16xi32>], vector<16xf32>, vector<16xi1>
          %broadcast_in_dim3A_1222 = arith.constant 45 : i32
          %broadcast_in_dim3A_1223 = vector.broadcast %broadcast_in_dim3A_1222 : i32 to vector<16xi32>
          %gather3A_1224 = tpu.vector_load_idx %arg10[%add3A_1088, %broadcast_in_dim3A_1223] masked %ge3A_1072 : memref<256x64xf32, #tpu.memory_space<vmem>>[vector<16xi32>, vector<16xi32>], vector<16xf32>, vector<16xi1>
          tpu.vector_store_idx %arg9[%add3A_1088, %broadcast_in_dim3A_1223], %gather3A_1224 masked %ge3A_1072 : memref<256x64xf32, #tpu.memory_space<vmem>>[vector<16xi32>, vector<16xi32>], vector<16xf32>, vector<16xi1>
          %broadcast_in_dim3A_1225 = arith.constant 46 : i32
          %broadcast_in_dim3A_1226 = vector.broadcast %broadcast_in_dim3A_1225 : i32 to vector<16xi32>
          %gather3A_1227 = tpu.vector_load_idx %arg10[%add3A_1088, %broadcast_in_dim3A_1226] masked %ge3A_1072 : memref<256x64xf32, #tpu.memory_space<vmem>>[vector<16xi32>, vector<16xi32>], vector<16xf32>, vector<16xi1>
          tpu.vector_store_idx %arg9[%add3A_1088, %broadcast_in_dim3A_1226], %gather3A_1227 masked %ge3A_1072 : memref<256x64xf32, #tpu.memory_space<vmem>>[vector<16xi32>, vector<16xi32>], vector<16xf32>, vector<16xi1>
          %broadcast_in_dim3A_1228 = arith.constant 47 : i32
          %broadcast_in_dim3A_1229 = vector.broadcast %broadcast_in_dim3A_1228 : i32 to vector<16xi32>
          %gather3A_1230 = tpu.vector_load_idx %arg10[%add3A_1088, %broadcast_in_dim3A_1229] masked %ge3A_1072 : memref<256x64xf32, #tpu.memory_space<vmem>>[vector<16xi32>, vector<16xi32>], vector<16xf32>, vector<16xi1>
          tpu.vector_store_idx %arg9[%add3A_1088, %broadcast_in_dim3A_1229], %gather3A_1230 masked %ge3A_1072 : memref<256x64xf32, #tpu.memory_space<vmem>>[vector<16xi32>, vector<16xi32>], vector<16xf32>, vector<16xi1>
          %broadcast_in_dim3A_1231 = arith.constant 48 : i32
          %broadcast_in_dim3A_1232 = vector.broadcast %broadcast_in_dim3A_1231 : i32 to vector<16xi32>
          %gather3A_1233 = tpu.vector_load_idx %arg10[%add3A_1088, %broadcast_in_dim3A_1232] masked %ge3A_1072 : memref<256x64xf32, #tpu.memory_space<vmem>>[vector<16xi32>, vector<16xi32>], vector<16xf32>, vector<16xi1>
          tpu.vector_store_idx %arg9[%add3A_1088, %broadcast_in_dim3A_1232], %gather3A_1233 masked %ge3A_1072 : memref<256x64xf32, #tpu.memory_space<vmem>>[vector<16xi32>, vector<16xi32>], vector<16xf32>, vector<16xi1>
          %broadcast_in_dim3A_1234 = arith.constant 49 : i32
          %broadcast_in_dim3A_1235 = vector.broadcast %broadcast_in_dim3A_1234 : i32 to vector<16xi32>
          %gather3A_1236 = tpu.vector_load_idx %arg10[%add3A_1088, %broadcast_in_dim3A_1235] masked %ge3A_1072 : memref<256x64xf32, #tpu.memory_space<vmem>>[vector<16xi32>, vector<16xi32>], vector<16xf32>, vector<16xi1>
          tpu.vector_store_idx %arg9[%add3A_1088, %broadcast_in_dim3A_1235], %gather3A_1236 masked %ge3A_1072 : memref<256x64xf32, #tpu.memory_space<vmem>>[vector<16xi32>, vector<16xi32>], vector<16xf32>, vector<16xi1>
          %broadcast_in_dim3A_1237 = arith.constant 50 : i32
          %broadcast_in_dim3A_1238 = vector.broadcast %broadcast_in_dim3A_1237 : i32 to vector<16xi32>
          %gather3A_1239 = tpu.vector_load_idx %arg10[%add3A_1088, %broadcast_in_dim3A_1238] masked %ge3A_1072 : memref<256x64xf32, #tpu.memory_space<vmem>>[vector<16xi32>, vector<16xi32>], vector<16xf32>, vector<16xi1>
          tpu.vector_store_idx %arg9[%add3A_1088, %broadcast_in_dim3A_1238], %gather3A_1239 masked %ge3A_1072 : memref<256x64xf32, #tpu.memory_space<vmem>>[vector<16xi32>, vector<16xi32>], vector<16xf32>, vector<16xi1>
          %broadcast_in_dim3A_1240 = arith.constant 51 : i32
          %broadcast_in_dim3A_1241 = vector.broadcast %broadcast_in_dim3A_1240 : i32 to vector<16xi32>
          %gather3A_1242 = tpu.vector_load_idx %arg10[%add3A_1088, %broadcast_in_dim3A_1241] masked %ge3A_1072 : memref<256x64xf32, #tpu.memory_space<vmem>>[vector<16xi32>, vector<16xi32>], vector<16xf32>, vector<16xi1>
          tpu.vector_store_idx %arg9[%add3A_1088, %broadcast_in_dim3A_1241], %gather3A_1242 masked %ge3A_1072 : memref<256x64xf32, #tpu.memory_space<vmem>>[vector<16xi32>, vector<16xi32>], vector<16xf32>, vector<16xi1>
          %broadcast_in_dim3A_1243 = arith.constant 52 : i32
          %broadcast_in_dim3A_1244 = vector.broadcast %broadcast_in_dim3A_1243 : i32 to vector<16xi32>
          %gather3A_1245 = tpu.vector_load_idx %arg10[%add3A_1088, %broadcast_in_dim3A_1244] masked %ge3A_1072 : memref<256x64xf32, #tpu.memory_space<vmem>>[vector<16xi32>, vector<16xi32>], vector<16xf32>, vector<16xi1>
          tpu.vector_store_idx %arg9[%add3A_1088, %broadcast_in_dim3A_1244], %gather3A_1245 masked %ge3A_1072 : memref<256x64xf32, #tpu.memory_space<vmem>>[vector<16xi32>, vector<16xi32>], vector<16xf32>, vector<16xi1>
          %broadcast_in_dim3A_1246 = arith.constant 53 : i32
          %broadcast_in_dim3A_1247 = vector.broadcast %broadcast_in_dim3A_1246 : i32 to vector<16xi32>
          %gather3A_1248 = tpu.vector_load_idx %arg10[%add3A_1088, %broadcast_in_dim3A_1247] masked %ge3A_1072 : memref<256x64xf32, #tpu.memory_space<vmem>>[vector<16xi32>, vector<16xi32>], vector<16xf32>, vector<16xi1>
          tpu.vector_store_idx %arg9[%add3A_1088, %broadcast_in_dim3A_1247], %gather3A_1248 masked %ge3A_1072 : memref<256x64xf32, #tpu.memory_space<vmem>>[vector<16xi32>, vector<16xi32>], vector<16xf32>, vector<16xi1>
          %broadcast_in_dim3A_1249 = arith.constant 54 : i32
          %broadcast_in_dim3A_1250 = vector.broadcast %broadcast_in_dim3A_1249 : i32 to vector<16xi32>
          %gather3A_1251 = tpu.vector_load_idx %arg10[%add3A_1088, %broadcast_in_dim3A_1250] masked %ge3A_1072 : memref<256x64xf32, #tpu.memory_space<vmem>>[vector<16xi32>, vector<16xi32>], vector<16xf32>, vector<16xi1>
          tpu.vector_store_idx %arg9[%add3A_1088, %broadcast_in_dim3A_1250], %gather3A_1251 masked %ge3A_1072 : memref<256x64xf32, #tpu.memory_space<vmem>>[vector<16xi32>, vector<16xi32>], vector<16xf32>, vector<16xi1>
          %broadcast_in_dim3A_1252 = arith.constant 55 : i32
          %broadcast_in_dim3A_1253 = vector.broadcast %broadcast_in_dim3A_1252 : i32 to vector<16xi32>
          %gather3A_1254 = tpu.vector_load_idx %arg10[%add3A_1088, %broadcast_in_dim3A_1253] masked %ge3A_1072 : memref<256x64xf32, #tpu.memory_space<vmem>>[vector<16xi32>, vector<16xi32>], vector<16xf32>, vector<16xi1>
          tpu.vector_store_idx %arg9[%add3A_1088, %broadcast_in_dim3A_1253], %gather3A_1254 masked %ge3A_1072 : memref<256x64xf32, #tpu.memory_space<vmem>>[vector<16xi32>, vector<16xi32>], vector<16xf32>, vector<16xi1>
          %broadcast_in_dim3A_1255 = arith.constant 56 : i32
          %broadcast_in_dim3A_1256 = vector.broadcast %broadcast_in_dim3A_1255 : i32 to vector<16xi32>
          %gather3A_1257 = tpu.vector_load_idx %arg10[%add3A_1088, %broadcast_in_dim3A_1256] masked %ge3A_1072 : memref<256x64xf32, #tpu.memory_space<vmem>>[vector<16xi32>, vector<16xi32>], vector<16xf32>, vector<16xi1>
          tpu.vector_store_idx %arg9[%add3A_1088, %broadcast_in_dim3A_1256], %gather3A_1257 masked %ge3A_1072 : memref<256x64xf32, #tpu.memory_space<vmem>>[vector<16xi32>, vector<16xi32>], vector<16xf32>, vector<16xi1>
          %broadcast_in_dim3A_1258 = arith.constant 57 : i32
          %broadcast_in_dim3A_1259 = vector.broadcast %broadcast_in_dim3A_1258 : i32 to vector<16xi32>
          %gather3A_1260 = tpu.vector_load_idx %arg10[%add3A_1088, %broadcast_in_dim3A_1259] masked %ge3A_1072 : memref<256x64xf32, #tpu.memory_space<vmem>>[vector<16xi32>, vector<16xi32>], vector<16xf32>, vector<16xi1>
          tpu.vector_store_idx %arg9[%add3A_1088, %broadcast_in_dim3A_1259], %gather3A_1260 masked %ge3A_1072 : memref<256x64xf32, #tpu.memory_space<vmem>>[vector<16xi32>, vector<16xi32>], vector<16xf32>, vector<16xi1>
          %broadcast_in_dim3A_1261 = arith.constant 58 : i32
          %broadcast_in_dim3A_1262 = vector.broadcast %broadcast_in_dim3A_1261 : i32 to vector<16xi32>
          %gather3A_1263 = tpu.vector_load_idx %arg10[%add3A_1088, %broadcast_in_dim3A_1262] masked %ge3A_1072 : memref<256x64xf32, #tpu.memory_space<vmem>>[vector<16xi32>, vector<16xi32>], vector<16xf32>, vector<16xi1>
          tpu.vector_store_idx %arg9[%add3A_1088, %broadcast_in_dim3A_1262], %gather3A_1263 masked %ge3A_1072 : memref<256x64xf32, #tpu.memory_space<vmem>>[vector<16xi32>, vector<16xi32>], vector<16xf32>, vector<16xi1>
          %broadcast_in_dim3A_1264 = arith.constant 59 : i32
          %broadcast_in_dim3A_1265 = vector.broadcast %broadcast_in_dim3A_1264 : i32 to vector<16xi32>
          %gather3A_1266 = tpu.vector_load_idx %arg10[%add3A_1088, %broadcast_in_dim3A_1265] masked %ge3A_1072 : memref<256x64xf32, #tpu.memory_space<vmem>>[vector<16xi32>, vector<16xi32>], vector<16xf32>, vector<16xi1>
          tpu.vector_store_idx %arg9[%add3A_1088, %broadcast_in_dim3A_1265], %gather3A_1266 masked %ge3A_1072 : memref<256x64xf32, #tpu.memory_space<vmem>>[vector<16xi32>, vector<16xi32>], vector<16xf32>, vector<16xi1>
          %broadcast_in_dim3A_1267 = arith.constant 60 : i32
          %broadcast_in_dim3A_1268 = vector.broadcast %broadcast_in_dim3A_1267 : i32 to vector<16xi32>
          %gather3A_1269 = tpu.vector_load_idx %arg10[%add3A_1088, %broadcast_in_dim3A_1268] masked %ge3A_1072 : memref<256x64xf32, #tpu.memory_space<vmem>>[vector<16xi32>, vector<16xi32>], vector<16xf32>, vector<16xi1>
          tpu.vector_store_idx %arg9[%add3A_1088, %broadcast_in_dim3A_1268], %gather3A_1269 masked %ge3A_1072 : memref<256x64xf32, #tpu.memory_space<vmem>>[vector<16xi32>, vector<16xi32>], vector<16xf32>, vector<16xi1>
          %broadcast_in_dim3A_1270 = arith.constant 61 : i32
          %broadcast_in_dim3A_1271 = vector.broadcast %broadcast_in_dim3A_1270 : i32 to vector<16xi32>
          %gather3A_1272 = tpu.vector_load_idx %arg10[%add3A_1088, %broadcast_in_dim3A_1271] masked %ge3A_1072 : memref<256x64xf32, #tpu.memory_space<vmem>>[vector<16xi32>, vector<16xi32>], vector<16xf32>, vector<16xi1>
          tpu.vector_store_idx %arg9[%add3A_1088, %broadcast_in_dim3A_1271], %gather3A_1272 masked %ge3A_1072 : memref<256x64xf32, #tpu.memory_space<vmem>>[vector<16xi32>, vector<16xi32>], vector<16xf32>, vector<16xi1>
          %broadcast_in_dim3A_1273 = arith.constant 62 : i32
          %broadcast_in_dim3A_1274 = vector.broadcast %broadcast_in_dim3A_1273 : i32 to vector<16xi32>
          %gather3A_1275 = tpu.vector_load_idx %arg10[%add3A_1088, %broadcast_in_dim3A_1274] masked %ge3A_1072 : memref<256x64xf32, #tpu.memory_space<vmem>>[vector<16xi32>, vector<16xi32>], vector<16xf32>, vector<16xi1>
          tpu.vector_store_idx %arg9[%add3A_1088, %broadcast_in_dim3A_1274], %gather3A_1275 masked %ge3A_1072 : memref<256x64xf32, #tpu.memory_space<vmem>>[vector<16xi32>, vector<16xi32>], vector<16xf32>, vector<16xi1>
          %broadcast_in_dim3A_1276 = arith.constant 63 : i32
          %broadcast_in_dim3A_1277 = vector.broadcast %broadcast_in_dim3A_1276 : i32 to vector<16xi32>
          %gather3A_1278 = tpu.vector_load_idx %arg10[%add3A_1088, %broadcast_in_dim3A_1277] masked %ge3A_1072 : memref<256x64xf32, #tpu.memory_space<vmem>>[vector<16xi32>, vector<16xi32>], vector<16xf32>, vector<16xi1>
          tpu.vector_store_idx %arg9[%add3A_1088, %broadcast_in_dim3A_1277], %gather3A_1278 masked %ge3A_1072 : memref<256x64xf32, #tpu.memory_space<vmem>>[vector<16xi32>, vector<16xi32>], vector<16xf32>, vector<16xi1>
        } else {
        }
      }
      %scan3A_534 = arith.constant 16 : i32
      %dma_start3A_535 = arith.constant 0 : i32
      %dma_start3A_536 = tpu.memref_slice %arg5[%add3A_31, %dma_start3A_535] : memref<819200x64xf32, #tpu.memory_space<hbm>> -> memref<256x64xf32, #tpu.memory_space<hbm>>
      %dma_start3A_537 = arith.constant 0 : i32
      %dma_start3A_538 = tpu.memref_slice %arg5[%add3A_31, %dma_start3A_537] : memref<819200x64xf32, #tpu.memory_space<hbm>> -> memref<256x64xf32, #tpu.memory_space<hbm>>
      tpu.enqueue_dma source(%arg9 : memref<256x64xf32, #tpu.memory_space<vmem>>) target(%dma_start3A_538 : memref<256x64xf32, #tpu.memory_space<hbm>>) target_semaphore(%arg12 : memref<!tpu.dma_semaphore, #tpu.memory_space<semaphore_mem>>)
      %add3A_539 = arith.constant 1 : i32
      %add3A_540 = arith.addi %add3A_24, %add3A_539 : i32
      %mul3A_541 = arith.constant 256 : i32
      %mul3A_542 = arith.muli %add3A_540, %mul3A_541 : i32
      %add3A_543 = arith.addi %mul3A_2, %mul3A_542 : i32
      %lt3A_544 = arith.constant 49 : i32
      %lt3A_545 = arith.cmpi slt, %scan3A_20, %lt3A_544 : i32
      %mul3A_546 = arith.constant 256 : i32
      %mul3A_547 = arith.muli %add3A_24, %mul3A_546 : i32
      %add3A_548 = arith.addi %mul3A_2, %mul3A_547 : i32
      %dma_wait3A_549 = tpu.memref_slice %arg2[%add3A_548] : memref<819200xi32, #tpu.memory_space<hbm>> -> memref<256xi32, #tpu.memory_space<hbm>>
      %dma_wait3A_550 = tpu.memref_slice %arg2[%add3A_548] : memref<819200xi32, #tpu.memory_space<hbm>> -> memref<256xi32, #tpu.memory_space<hbm>>
      tpu.wait_dma2 semaphore(%arg18 : memref<!tpu.dma_semaphore, #tpu.memory_space<semaphore_mem>>) src(%dma_wait3A_550 : memref<256xi32, #tpu.memory_space<hbm>>) dst(%arg13 : memref<256xi32, #tpu.memory_space<vmem>>)
      %get3A_551 = arith.constant 0 : index
      %get3A_552 = tpu.vector_load %arg13[%get3A_551] {strides = array<i32>} : memref<256xi32, #tpu.memory_space<vmem>>, vector<16xi32>,
      %min3A_553 = arith.constant 999999 : i32
      %min3A_554 = vector.broadcast %min3A_553 : i32 to vector<16xi32>
      %min3A_555 = arith.minsi %get3A_552, %min3A_554 : vector<16xi32>
      %swap3A_556 = arith.constant 0 : i32
      %swap3A_557 = arith.index_cast %swap3A_556 : i32 to index
      %swap3A_558 = arith.constant 0 : index
      %swap3A_559 = tpu.vector_load %arg14[%swap3A_557, %swap3A_558] {strides = array<i32>} : memref<2x128xi32, #tpu.memory_space<vmem>>, vector<16xi32>,
      tpu.vector_store %arg14[%swap3A_557, %swap3A_558], %min3A_555 {strides = array<i32>} : memref<2x128xi32, #tpu.memory_space<vmem>>, vector<16xi32>,
      %ge3A_560 = arith.constant 1000000 : i32
      %ge3A_561 = vector.broadcast %ge3A_560 : i32 to vector<16xi32>
      %ge3A_562 = arith.cmpi sge, %get3A_552, %ge3A_561 : vector<16xi32>
      %sub3A_563 = arith.constant 1000000 : i32
      %sub3A_564 = vector.broadcast %sub3A_563 : i32 to vector<16xi32>
      %sub3A_565 = arith.subi %get3A_552, %sub3A_564 : vector<16xi32>
      %min3A_566 = arith.constant 65535 : i32
      %min3A_567 = vector.broadcast %min3A_566 : i32 to vector<16xi32>
      %min3A_568 = arith.minsi %sub3A_565, %min3A_567 : vector<16xi32>
      %add3A_569 = arith.constant 0 : i32
      %add3A_570 = vector.broadcast %add3A_569 : i32 to vector<16xi32>
      %add3A_571 = arith.addi %iota3A, %add3A_570 : vector<16xi32>
      %select_n3A_572 = arith.select %ge3A_562, %min3A_568, %add3A_571 : vector<16xi1>, vector<16xi32>
      %swap3A_573 = arith.constant 0 : i32
      %swap3A_574 = arith.index_cast %swap3A_573 : i32 to index
      %swap3A_575 = arith.constant 0 : index
      %swap3A_576 = tpu.vector_load %arg15[%swap3A_574, %swap3A_575] {strides = array<i32>} : memref<2x128xi32, #tpu.memory_space<vmem>>, vector<16xi32>,
      tpu.vector_store %arg15[%swap3A_574, %swap3A_575], %select_n3A_572 {strides = array<i32>} : memref<2x128xi32, #tpu.memory_space<vmem>>, vector<16xi32>,
      %get3A_577 = arith.constant 16 : index
      %get3A_578 = tpu.vector_load %arg13[%get3A_577] {strides = array<i32>} : memref<256xi32, #tpu.memory_space<vmem>>, vector<16xi32>,
      %min3A_579 = arith.constant 999999 : i32
      %min3A_580 = vector.broadcast %min3A_579 : i32 to vector<16xi32>
      %min3A_581 = arith.minsi %get3A_578, %min3A_580 : vector<16xi32>
      %swap3A_582 = arith.constant 0 : i32
      %swap3A_583 = arith.index_cast %swap3A_582 : i32 to index
      %swap3A_584 = arith.constant 16 : index
      %swap3A_585 = tpu.vector_load %arg14[%swap3A_583, %swap3A_584] {strides = array<i32>} : memref<2x128xi32, #tpu.memory_space<vmem>>, vector<16xi32>,
      tpu.vector_store %arg14[%swap3A_583, %swap3A_584], %min3A_581 {strides = array<i32>} : memref<2x128xi32, #tpu.memory_space<vmem>>, vector<16xi32>,
      %ge3A_586 = arith.constant 1000000 : i32
      %ge3A_587 = vector.broadcast %ge3A_586 : i32 to vector<16xi32>
      %ge3A_588 = arith.cmpi sge, %get3A_578, %ge3A_587 : vector<16xi32>
      %sub3A_589 = arith.constant 1000000 : i32
      %sub3A_590 = vector.broadcast %sub3A_589 : i32 to vector<16xi32>
      %sub3A_591 = arith.subi %get3A_578, %sub3A_590 : vector<16xi32>
      %min3A_592 = arith.constant 65535 : i32
      %min3A_593 = vector.broadcast %min3A_592 : i32 to vector<16xi32>
      %min3A_594 = arith.minsi %sub3A_591, %min3A_593 : vector<16xi32>
      %add3A_595 = arith.constant 16 : i32
      %add3A_596 = vector.broadcast %add3A_595 : i32 to vector<16xi32>
      %add3A_597 = arith.addi %iota3A, %add3A_596 : vector<16xi32>
      %select_n3A_598 = arith.select %ge3A_588, %min3A_594, %add3A_597 : vector<16xi1>, vector<16xi32>
      %swap3A_599 = arith.constant 0 : i32
      %swap3A_600 = arith.index_cast %swap3A_599 : i32 to index
      %swap3A_601 = arith.constant 16 : index
      %swap3A_602 = tpu.vector_load %arg15[%swap3A_600, %swap3A_601] {strides = array<i32>} : memref<2x128xi32, #tpu.memory_space<vmem>>, vector<16xi32>,
      tpu.vector_store %arg15[%swap3A_600, %swap3A_601], %select_n3A_598 {strides = array<i32>} : memref<2x128xi32, #tpu.memory_space<vmem>>, vector<16xi32>,
      %get3A_603 = arith.constant 32 : index
      %get3A_604 = tpu.vector_load %arg13[%get3A_603] {strides = array<i32>} : memref<256xi32, #tpu.memory_space<vmem>>, vector<16xi32>,
      %min3A_605 = arith.constant 999999 : i32
      %min3A_606 = vector.broadcast %min3A_605 : i32 to vector<16xi32>
      %min3A_607 = arith.minsi %get3A_604, %min3A_606 : vector<16xi32>
      %swap3A_608 = arith.constant 0 : i32
      %swap3A_609 = arith.index_cast %swap3A_608 : i32 to index
      %swap3A_610 = arith.constant 32 : index
      %swap3A_611 = tpu.vector_load %arg14[%swap3A_609, %swap3A_610] {strides = array<i32>} : memref<2x128xi32, #tpu.memory_space<vmem>>, vector<16xi32>,
      tpu.vector_store %arg14[%swap3A_609, %swap3A_610], %min3A_607 {strides = array<i32>} : memref<2x128xi32, #tpu.memory_space<vmem>>, vector<16xi32>,
      %ge3A_612 = arith.constant 1000000 : i32
      %ge3A_613 = vector.broadcast %ge3A_612 : i32 to vector<16xi32>
      %ge3A_614 = arith.cmpi sge, %get3A_604, %ge3A_613 : vector<16xi32>
      %sub3A_615 = arith.constant 1000000 : i32
      %sub3A_616 = vector.broadcast %sub3A_615 : i32 to vector<16xi32>
      %sub3A_617 = arith.subi %get3A_604, %sub3A_616 : vector<16xi32>
      %min3A_618 = arith.constant 65535 : i32
      %min3A_619 = vector.broadcast %min3A_618 : i32 to vector<16xi32>
      %min3A_620 = arith.minsi %sub3A_617, %min3A_619 : vector<16xi32>
      %add3A_621 = arith.constant 32 : i32
      %add3A_622 = vector.broadcast %add3A_621 : i32 to vector<16xi32>
      %add3A_623 = arith.addi %iota3A, %add3A_622 : vector<16xi32>
      %select_n3A_624 = arith.select %ge3A_614, %min3A_620, %add3A_623 : vector<16xi1>, vector<16xi32>
      %swap3A_625 = arith.constant 0 : i32
      %swap3A_626 = arith.index_cast %swap3A_625 : i32 to index
      %swap3A_627 = arith.constant 32 : index
      %swap3A_628 = tpu.vector_load %arg15[%swap3A_626, %swap3A_627] {strides = array<i32>} : memref<2x128xi32, #tpu.memory_space<vmem>>, vector<16xi32>,
      tpu.vector_store %arg15[%swap3A_626, %swap3A_627], %select_n3A_624 {strides = array<i32>} : memref<2x128xi32, #tpu.memory_space<vmem>>, vector<16xi32>,
      %get3A_629 = arith.constant 48 : index
      %get3A_630 = tpu.vector_load %arg13[%get3A_629] {strides = array<i32>} : memref<256xi32, #tpu.memory_space<vmem>>, vector<16xi32>,
      %min3A_631 = arith.constant 999999 : i32
      %min3A_632 = vector.broadcast %min3A_631 : i32 to vector<16xi32>
      %min3A_633 = arith.minsi %get3A_630, %min3A_632 : vector<16xi32>
      %swap3A_634 = arith.constant 0 : i32
      %swap3A_635 = arith.index_cast %swap3A_634 : i32 to index
      %swap3A_636 = arith.constant 48 : index
      %swap3A_637 = tpu.vector_load %arg14[%swap3A_635, %swap3A_636] {strides = array<i32>} : memref<2x128xi32, #tpu.memory_space<vmem>>, vector<16xi32>,
      tpu.vector_store %arg14[%swap3A_635, %swap3A_636], %min3A_633 {strides = array<i32>} : memref<2x128xi32, #tpu.memory_space<vmem>>, vector<16xi32>,
      %ge3A_638 = arith.constant 1000000 : i32
      %ge3A_639 = vector.broadcast %ge3A_638 : i32 to vector<16xi32>
      %ge3A_640 = arith.cmpi sge, %get3A_630, %ge3A_639 : vector<16xi32>
      %sub3A_641 = arith.constant 1000000 : i32
      %sub3A_642 = vector.broadcast %sub3A_641 : i32 to vector<16xi32>
      %sub3A_643 = arith.subi %get3A_630, %sub3A_642 : vector<16xi32>
      %min3A_644 = arith.constant 65535 : i32
      %min3A_645 = vector.broadcast %min3A_644 : i32 to vector<16xi32>
      %min3A_646 = arith.minsi %sub3A_643, %min3A_645 : vector<16xi32>
      %add3A_647 = arith.constant 48 : i32
      %add3A_648 = vector.broadcast %add3A_647 : i32 to vector<16xi32>
      %add3A_649 = arith.addi %iota3A, %add3A_648 : vector<16xi32>
      %select_n3A_650 = arith.select %ge3A_640, %min3A_646, %add3A_649 : vector<16xi1>, vector<16xi32>
      %swap3A_651 = arith.constant 0 : i32
      %swap3A_652 = arith.index_cast %swap3A_651 : i32 to index
      %swap3A_653 = arith.constant 48 : index
      %swap3A_654 = tpu.vector_load %arg15[%swap3A_652, %swap3A_653] {strides = array<i32>} : memref<2x128xi32, #tpu.memory_space<vmem>>, vector<16xi32>,
      tpu.vector_store %arg15[%swap3A_652, %swap3A_653], %select_n3A_650 {strides = array<i32>} : memref<2x128xi32, #tpu.memory_space<vmem>>, vector<16xi32>,
      %get3A_655 = arith.constant 64 : index
      %get3A_656 = tpu.vector_load %arg13[%get3A_655] {strides = array<i32>} : memref<256xi32, #tpu.memory_space<vmem>>, vector<16xi32>,
      %min3A_657 = arith.constant 999999 : i32
      %min3A_658 = vector.broadcast %min3A_657 : i32 to vector<16xi32>
      %min3A_659 = arith.minsi %get3A_656, %min3A_658 : vector<16xi32>
      %swap3A_660 = arith.constant 0 : i32
      %swap3A_661 = arith.index_cast %swap3A_660 : i32 to index
      %swap3A_662 = arith.constant 64 : index
      %swap3A_663 = tpu.vector_load %arg14[%swap3A_661, %swap3A_662] {strides = array<i32>} : memref<2x128xi32, #tpu.memory_space<vmem>>, vector<16xi32>,
      tpu.vector_store %arg14[%swap3A_661, %swap3A_662], %min3A_659 {strides = array<i32>} : memref<2x128xi32, #tpu.memory_space<vmem>>, vector<16xi32>,
      %ge3A_664 = arith.constant 1000000 : i32
      %ge3A_665 = vector.broadcast %ge3A_664 : i32 to vector<16xi32>
      %ge3A_666 = arith.cmpi sge, %get3A_656, %ge3A_665 : vector<16xi32>
      %sub3A_667 = arith.constant 1000000 : i32
      %sub3A_668 = vector.broadcast %sub3A_667 : i32 to vector<16xi32>
      %sub3A_669 = arith.subi %get3A_656, %sub3A_668 : vector<16xi32>
      %min3A_670 = arith.constant 65535 : i32
      %min3A_671 = vector.broadcast %min3A_670 : i32 to vector<16xi32>
      %min3A_672 = arith.minsi %sub3A_669, %min3A_671 : vector<16xi32>
      %add3A_673 = arith.constant 64 : i32
      %add3A_674 = vector.broadcast %add3A_673 : i32 to vector<16xi32>
      %add3A_675 = arith.addi %iota3A, %add3A_674 : vector<16xi32>
      %select_n3A_676 = arith.select %ge3A_666, %min3A_672, %add3A_675 : vector<16xi1>, vector<16xi32>
      %swap3A_677 = arith.constant 0 : i32
      %swap3A_678 = arith.index_cast %swap3A_677 : i32 to index
      %swap3A_679 = arith.constant 64 : index
      %swap3A_680 = tpu.vector_load %arg15[%swap3A_678, %swap3A_679] {strides = array<i32>} : memref<2x128xi32, #tpu.memory_space<vmem>>, vector<16xi32>,
      tpu.vector_store %arg15[%swap3A_678, %swap3A_679], %select_n3A_676 {strides = array<i32>} : memref<2x128xi32, #tpu.memory_space<vmem>>, vector<16xi32>,
      %get3A_681 = arith.constant 80 : index
      %get3A_682 = tpu.vector_load %arg13[%get3A_681] {strides = array<i32>} : memref<256xi32, #tpu.memory_space<vmem>>, vector<16xi32>,
      %min3A_683 = arith.constant 999999 : i32
      %min3A_684 = vector.broadcast %min3A_683 : i32 to vector<16xi32>
      %min3A_685 = arith.minsi %get3A_682, %min3A_684 : vector<16xi32>
      %swap3A_686 = arith.constant 0 : i32
      %swap3A_687 = arith.index_cast %swap3A_686 : i32 to index
      %swap3A_688 = arith.constant 80 : index
      %swap3A_689 = tpu.vector_load %arg14[%swap3A_687, %swap3A_688] {strides = array<i32>} : memref<2x128xi32, #tpu.memory_space<vmem>>, vector<16xi32>,
      tpu.vector_store %arg14[%swap3A_687, %swap3A_688], %min3A_685 {strides = array<i32>} : memref<2x128xi32, #tpu.memory_space<vmem>>, vector<16xi32>,
      %ge3A_690 = arith.constant 1000000 : i32
      %ge3A_691 = vector.broadcast %ge3A_690 : i32 to vector<16xi32>
      %ge3A_692 = arith.cmpi sge, %get3A_682, %ge3A_691 : vector<16xi32>
      %sub3A_693 = arith.constant 1000000 : i32
      %sub3A_694 = vector.broadcast %sub3A_693 : i32 to vector<16xi32>
      %sub3A_695 = arith.subi %get3A_682, %sub3A_694 : vector<16xi32>
      %min3A_696 = arith.constant 65535 : i32
      %min3A_697 = vector.broadcast %min3A_696 : i32 to vector<16xi32>
      %min3A_698 = arith.minsi %sub3A_695, %min3A_697 : vector<16xi32>
      %add3A_699 = arith.constant 80 : i32
      %add3A_700 = vector.broadcast %add3A_699 : i32 to vector<16xi32>
      %add3A_701 = arith.addi %iota3A, %add3A_700 : vector<16xi32>
      %select_n3A_702 = arith.select %ge3A_692, %min3A_698, %add3A_701 : vector<16xi1>, vector<16xi32>
      %swap3A_703 = arith.constant 0 : i32
      %swap3A_704 = arith.index_cast %swap3A_703 : i32 to index
      %swap3A_705 = arith.constant 80 : index
      %swap3A_706 = tpu.vector_load %arg15[%swap3A_704, %swap3A_705] {strides = array<i32>} : memref<2x128xi32, #tpu.memory_space<vmem>>, vector<16xi32>,
      tpu.vector_store %arg15[%swap3A_704, %swap3A_705], %select_n3A_702 {strides = array<i32>} : memref<2x128xi32, #tpu.memory_space<vmem>>, vector<16xi32>,
      %get3A_707 = arith.constant 96 : index
      %get3A_708 = tpu.vector_load %arg13[%get3A_707] {strides = array<i32>} : memref<256xi32, #tpu.memory_space<vmem>>, vector<16xi32>,
      %min3A_709 = arith.constant 999999 : i32
      %min3A_710 = vector.broadcast %min3A_709 : i32 to vector<16xi32>
      %min3A_711 = arith.minsi %get3A_708, %min3A_710 : vector<16xi32>
      %swap3A_712 = arith.constant 0 : i32
      %swap3A_713 = arith.index_cast %swap3A_712 : i32 to index
      %swap3A_714 = arith.constant 96 : index
      %swap3A_715 = tpu.vector_load %arg14[%swap3A_713, %swap3A_714] {strides = array<i32>} : memref<2x128xi32, #tpu.memory_space<vmem>>, vector<16xi32>,
      tpu.vector_store %arg14[%swap3A_713, %swap3A_714], %min3A_711 {strides = array<i32>} : memref<2x128xi32, #tpu.memory_space<vmem>>, vector<16xi32>,
      %ge3A_716 = arith.constant 1000000 : i32
      %ge3A_717 = vector.broadcast %ge3A_716 : i32 to vector<16xi32>
      %ge3A_718 = arith.cmpi sge, %get3A_708, %ge3A_717 : vector<16xi32>
      %sub3A_719 = arith.constant 1000000 : i32
      %sub3A_720 = vector.broadcast %sub3A_719 : i32 to vector<16xi32>
      %sub3A_721 = arith.subi %get3A_708, %sub3A_720 : vector<16xi32>
      %min3A_722 = arith.constant 65535 : i32
      %min3A_723 = vector.broadcast %min3A_722 : i32 to vector<16xi32>
      %min3A_724 = arith.minsi %sub3A_721, %min3A_723 : vector<16xi32>
      %add3A_725 = arith.constant 96 : i32
      %add3A_726 = vector.broadcast %add3A_725 : i32 to vector<16xi32>
      %add3A_727 = arith.addi %iota3A, %add3A_726 : vector<16xi32>
      %select_n3A_728 = arith.select %ge3A_718, %min3A_724, %add3A_727 : vector<16xi1>, vector<16xi32>
      %swap3A_729 = arith.constant 0 : i32
      %swap3A_730 = arith.index_cast %swap3A_729 : i32 to index
      %swap3A_731 = arith.constant 96 : index
      %swap3A_732 = tpu.vector_load %arg15[%swap3A_730, %swap3A_731] {strides = array<i32>} : memref<2x128xi32, #tpu.memory_space<vmem>>, vector<16xi32>,
      tpu.vector_store %arg15[%swap3A_730, %swap3A_731], %select_n3A_728 {strides = array<i32>} : memref<2x128xi32, #tpu.memory_space<vmem>>, vector<16xi32>,
      %get3A_733 = arith.constant 112 : index
      %get3A_734 = tpu.vector_load %arg13[%get3A_733] {strides = array<i32>} : memref<256xi32, #tpu.memory_space<vmem>>, vector<16xi32>,
      %min3A_735 = arith.constant 999999 : i32
      %min3A_736 = vector.broadcast %min3A_735 : i32 to vector<16xi32>
      %min3A_737 = arith.minsi %get3A_734, %min3A_736 : vector<16xi32>
      %swap3A_738 = arith.constant 0 : i32
      %swap3A_739 = arith.index_cast %swap3A_738 : i32 to index
      %swap3A_740 = arith.constant 112 : index
      %swap3A_741 = tpu.vector_load %arg14[%swap3A_739, %swap3A_740] {strides = array<i32>} : memref<2x128xi32, #tpu.memory_space<vmem>>, vector<16xi32>,
      tpu.vector_store %arg14[%swap3A_739, %swap3A_740], %min3A_737 {strides = array<i32>} : memref<2x128xi32, #tpu.memory_space<vmem>>, vector<16xi32>,
      %ge3A_742 = arith.constant 1000000 : i32
      %ge3A_743 = vector.broadcast %ge3A_742 : i32 to vector<16xi32>
      %ge3A_744 = arith.cmpi sge, %get3A_734, %ge3A_743 : vector<16xi32>
      %sub3A_745 = arith.constant 1000000 : i32
      %sub3A_746 = vector.broadcast %sub3A_745 : i32 to vector<16xi32>
      %sub3A_747 = arith.subi %get3A_734, %sub3A_746 : vector<16xi32>
      %min3A_748 = arith.constant 65535 : i32
      %min3A_749 = vector.broadcast %min3A_748 : i32 to vector<16xi32>
      %min3A_750 = arith.minsi %sub3A_747, %min3A_749 : vector<16xi32>
      %add3A_751 = arith.constant 112 : i32
      %add3A_752 = vector.broadcast %add3A_751 : i32 to vector<16xi32>
      %add3A_753 = arith.addi %iota3A, %add3A_752 : vector<16xi32>
      %select_n3A_754 = arith.select %ge3A_744, %min3A_750, %add3A_753 : vector<16xi1>, vector<16xi32>
      %swap3A_755 = arith.constant 0 : i32
      %swap3A_756 = arith.index_cast %swap3A_755 : i32 to index
      %swap3A_757 = arith.constant 112 : index
      %swap3A_758 = tpu.vector_load %arg15[%swap3A_756, %swap3A_757] {strides = array<i32>} : memref<2x128xi32, #tpu.memory_space<vmem>>, vector<16xi32>,
      tpu.vector_store %arg15[%swap3A_756, %swap3A_757], %select_n3A_754 {strides = array<i32>} : memref<2x128xi32, #tpu.memory_space<vmem>>, vector<16xi32>,
      %get3A_759 = arith.constant 128 : index
      %get3A_760 = tpu.vector_load %arg13[%get3A_759] {strides = array<i32>} : memref<256xi32, #tpu.memory_space<vmem>>, vector<16xi32>,
      %min3A_761 = arith.constant 999999 : i32
      %min3A_762 = vector.broadcast %min3A_761 : i32 to vector<16xi32>
      %min3A_763 = arith.minsi %get3A_760, %min3A_762 : vector<16xi32>
      %swap3A_764 = arith.constant 1 : i32
      %swap3A_765 = arith.index_cast %swap3A_764 : i32 to index
      %swap3A_766 = arith.constant 0 : index
      %swap3A_767 = tpu.vector_load %arg14[%swap3A_765, %swap3A_766] {strides = array<i32>} : memref<2x128xi32, #tpu.memory_space<vmem>>, vector<16xi32>,
      tpu.vector_store %arg14[%swap3A_765, %swap3A_766], %min3A_763 {strides = array<i32>} : memref<2x128xi32, #tpu.memory_space<vmem>>, vector<16xi32>,
      %ge3A_768 = arith.constant 1000000 : i32
      %ge3A_769 = vector.broadcast %ge3A_768 : i32 to vector<16xi32>
      %ge3A_770 = arith.cmpi sge, %get3A_760, %ge3A_769 : vector<16xi32>
      %sub3A_771 = arith.constant 1000000 : i32
      %sub3A_772 = vector.broadcast %sub3A_771 : i32 to vector<16xi32>
      %sub3A_773 = arith.subi %get3A_760, %sub3A_772 : vector<16xi32>
      %min3A_774 = arith.constant 65535 : i32
      %min3A_775 = vector.broadcast %min3A_774 : i32 to vector<16xi32>
      %min3A_776 = arith.minsi %sub3A_773, %min3A_775 : vector<16xi32>
      %add3A_777 = arith.constant 128 : i32
      %add3A_778 = vector.broadcast %add3A_777 : i32 to vector<16xi32>
      %add3A_779 = arith.addi %iota3A, %add3A_778 : vector<16xi32>
      %select_n3A_780 = arith.select %ge3A_770, %min3A_776, %add3A_779 : vector<16xi1>, vector<16xi32>
      %swap3A_781 = arith.constant 1 : i32
      %swap3A_782 = arith.index_cast %swap3A_781 : i32 to index
      %swap3A_783 = arith.constant 0 : index
      %swap3A_784 = tpu.vector_load %arg15[%swap3A_782, %swap3A_783] {strides = array<i32>} : memref<2x128xi32, #tpu.memory_space<vmem>>, vector<16xi32>,
      tpu.vector_store %arg15[%swap3A_782, %swap3A_783], %select_n3A_780 {strides = array<i32>} : memref<2x128xi32, #tpu.memory_space<vmem>>, vector<16xi32>,
      %get3A_785 = arith.constant 144 : index
      %get3A_786 = tpu.vector_load %arg13[%get3A_785] {strides = array<i32>} : memref<256xi32, #tpu.memory_space<vmem>>, vector<16xi32>,
      %min3A_787 = arith.constant 999999 : i32
      %min3A_788 = vector.broadcast %min3A_787 : i32 to vector<16xi32>
      %min3A_789 = arith.minsi %get3A_786, %min3A_788 : vector<16xi32>
      %swap3A_790 = arith.constant 1 : i32
      %swap3A_791 = arith.index_cast %swap3A_790 : i32 to index
      %swap3A_792 = arith.constant 16 : index
      %swap3A_793 = tpu.vector_load %arg14[%swap3A_791, %swap3A_792] {strides = array<i32>} : memref<2x128xi32, #tpu.memory_space<vmem>>, vector<16xi32>,
      tpu.vector_store %arg14[%swap3A_791, %swap3A_792], %min3A_789 {strides = array<i32>} : memref<2x128xi32, #tpu.memory_space<vmem>>, vector<16xi32>,
      %ge3A_794 = arith.constant 1000000 : i32
      %ge3A_795 = vector.broadcast %ge3A_794 : i32 to vector<16xi32>
      %ge3A_796 = arith.cmpi sge, %get3A_786, %ge3A_795 : vector<16xi32>
      %sub3A_797 = arith.constant 1000000 : i32
      %sub3A_798 = vector.broadcast %sub3A_797 : i32 to vector<16xi32>
      %sub3A_799 = arith.subi %get3A_786, %sub3A_798 : vector<16xi32>
      %min3A_800 = arith.constant 65535 : i32
      %min3A_801 = vector.broadcast %min3A_800 : i32 to vector<16xi32>
      %min3A_802 = arith.minsi %sub3A_799, %min3A_801 : vector<16xi32>
      %add3A_803 = arith.constant 144 : i32
      %add3A_804 = vector.broadcast %add3A_803 : i32 to vector<16xi32>
      %add3A_805 = arith.addi %iota3A, %add3A_804 : vector<16xi32>
      %select_n3A_806 = arith.select %ge3A_796, %min3A_802, %add3A_805 : vector<16xi1>, vector<16xi32>
      %swap3A_807 = arith.constant 1 : i32
      %swap3A_808 = arith.index_cast %swap3A_807 : i32 to index
      %swap3A_809 = arith.constant 16 : index
      %swap3A_810 = tpu.vector_load %arg15[%swap3A_808, %swap3A_809] {strides = array<i32>} : memref<2x128xi32, #tpu.memory_space<vmem>>, vector<16xi32>,
      tpu.vector_store %arg15[%swap3A_808, %swap3A_809], %select_n3A_806 {strides = array<i32>} : memref<2x128xi32, #tpu.memory_space<vmem>>, vector<16xi32>,
      %get3A_811 = arith.constant 160 : index
      %get3A_812 = tpu.vector_load %arg13[%get3A_811] {strides = array<i32>} : memref<256xi32, #tpu.memory_space<vmem>>, vector<16xi32>,
      %min3A_813 = arith.constant 999999 : i32
      %min3A_814 = vector.broadcast %min3A_813 : i32 to vector<16xi32>
      %min3A_815 = arith.minsi %get3A_812, %min3A_814 : vector<16xi32>
      %swap3A_816 = arith.constant 1 : i32
      %swap3A_817 = arith.index_cast %swap3A_816 : i32 to index
      %swap3A_818 = arith.constant 32 : index
      %swap3A_819 = tpu.vector_load %arg14[%swap3A_817, %swap3A_818] {strides = array<i32>} : memref<2x128xi32, #tpu.memory_space<vmem>>, vector<16xi32>,
      tpu.vector_store %arg14[%swap3A_817, %swap3A_818], %min3A_815 {strides = array<i32>} : memref<2x128xi32, #tpu.memory_space<vmem>>, vector<16xi32>,
      %ge3A_820 = arith.constant 1000000 : i32
      %ge3A_821 = vector.broadcast %ge3A_820 : i32 to vector<16xi32>
      %ge3A_822 = arith.cmpi sge, %get3A_812, %ge3A_821 : vector<16xi32>
      %sub3A_823 = arith.constant 1000000 : i32
      %sub3A_824 = vector.broadcast %sub3A_823 : i32 to vector<16xi32>
      %sub3A_825 = arith.subi %get3A_812, %sub3A_824 : vector<16xi32>
      %min3A_826 = arith.constant 65535 : i32
      %min3A_827 = vector.broadcast %min3A_826 : i32 to vector<16xi32>
      %min3A_828 = arith.minsi %sub3A_825, %min3A_827 : vector<16xi32>
      %add3A_829 = arith.constant 160 : i32
      %add3A_830 = vector.broadcast %add3A_829 : i32 to vector<16xi32>
      %add3A_831 = arith.addi %iota3A, %add3A_830 : vector<16xi32>
      %select_n3A_832 = arith.select %ge3A_822, %min3A_828, %add3A_831 : vector<16xi1>, vector<16xi32>
      %swap3A_833 = arith.constant 1 : i32
      %swap3A_834 = arith.index_cast %swap3A_833 : i32 to index
      %swap3A_835 = arith.constant 32 : index
      %swap3A_836 = tpu.vector_load %arg15[%swap3A_834, %swap3A_835] {strides = array<i32>} : memref<2x128xi32, #tpu.memory_space<vmem>>, vector<16xi32>,
      tpu.vector_store %arg15[%swap3A_834, %swap3A_835], %select_n3A_832 {strides = array<i32>} : memref<2x128xi32, #tpu.memory_space<vmem>>, vector<16xi32>,
      %get3A_837 = arith.constant 176 : index
      %get3A_838 = tpu.vector_load %arg13[%get3A_837] {strides = array<i32>} : memref<256xi32, #tpu.memory_space<vmem>>, vector<16xi32>,
      %min3A_839 = arith.constant 999999 : i32
      %min3A_840 = vector.broadcast %min3A_839 : i32 to vector<16xi32>
      %min3A_841 = arith.minsi %get3A_838, %min3A_840 : vector<16xi32>
      %swap3A_842 = arith.constant 1 : i32
      %swap3A_843 = arith.index_cast %swap3A_842 : i32 to index
      %swap3A_844 = arith.constant 48 : index
      %swap3A_845 = tpu.vector_load %arg14[%swap3A_843, %swap3A_844] {strides = array<i32>} : memref<2x128xi32, #tpu.memory_space<vmem>>, vector<16xi32>,
      tpu.vector_store %arg14[%swap3A_843, %swap3A_844], %min3A_841 {strides = array<i32>} : memref<2x128xi32, #tpu.memory_space<vmem>>, vector<16xi32>,
      %ge3A_846 = arith.constant 1000000 : i32
      %ge3A_847 = vector.broadcast %ge3A_846 : i32 to vector<16xi32>
      %ge3A_848 = arith.cmpi sge, %get3A_838, %ge3A_847 : vector<16xi32>
      %sub3A_849 = arith.constant 1000000 : i32
      %sub3A_850 = vector.broadcast %sub3A_849 : i32 to vector<16xi32>
      %sub3A_851 = arith.subi %get3A_838, %sub3A_850 : vector<16xi32>
      %min3A_852 = arith.constant 65535 : i32
      %min3A_853 = vector.broadcast %min3A_852 : i32 to vector<16xi32>
      %min3A_854 = arith.minsi %sub3A_851, %min3A_853 : vector<16xi32>
      %add3A_855 = arith.constant 176 : i32
      %add3A_856 = vector.broadcast %add3A_855 : i32 to vector<16xi32>
      %add3A_857 = arith.addi %iota3A, %add3A_856 : vector<16xi32>
      %select_n3A_858 = arith.select %ge3A_848, %min3A_854, %add3A_857 : vector<16xi1>, vector<16xi32>
      %swap3A_859 = arith.constant 1 : i32
      %swap3A_860 = arith.index_cast %swap3A_859 : i32 to index
      %swap3A_861 = arith.constant 48 : index
      %swap3A_862 = tpu.vector_load %arg15[%swap3A_860, %swap3A_861] {strides = array<i32>} : memref<2x128xi32, #tpu.memory_space<vmem>>, vector<16xi32>,
      tpu.vector_store %arg15[%swap3A_860, %swap3A_861], %select_n3A_858 {strides = array<i32>} : memref<2x128xi32, #tpu.memory_space<vmem>>, vector<16xi32>,
      %get3A_863 = arith.constant 192 : index
      %get3A_864 = tpu.vector_load %arg13[%get3A_863] {strides = array<i32>} : memref<256xi32, #tpu.memory_space<vmem>>, vector<16xi32>,
      %min3A_865 = arith.constant 999999 : i32
      %min3A_866 = vector.broadcast %min3A_865 : i32 to vector<16xi32>
      %min3A_867 = arith.minsi %get3A_864, %min3A_866 : vector<16xi32>
      %swap3A_868 = arith.constant 1 : i32
      %swap3A_869 = arith.index_cast %swap3A_868 : i32 to index
      %swap3A_870 = arith.constant 64 : index
      %swap3A_871 = tpu.vector_load %arg14[%swap3A_869, %swap3A_870] {strides = array<i32>} : memref<2x128xi32, #tpu.memory_space<vmem>>, vector<16xi32>,
      tpu.vector_store %arg14[%swap3A_869, %swap3A_870], %min3A_867 {strides = array<i32>} : memref<2x128xi32, #tpu.memory_space<vmem>>, vector<16xi32>,
      %ge3A_872 = arith.constant 1000000 : i32
      %ge3A_873 = vector.broadcast %ge3A_872 : i32 to vector<16xi32>
      %ge3A_874 = arith.cmpi sge, %get3A_864, %ge3A_873 : vector<16xi32>
      %sub3A_875 = arith.constant 1000000 : i32
      %sub3A_876 = vector.broadcast %sub3A_875 : i32 to vector<16xi32>
      %sub3A_877 = arith.subi %get3A_864, %sub3A_876 : vector<16xi32>
      %min3A_878 = arith.constant 65535 : i32
      %min3A_879 = vector.broadcast %min3A_878 : i32 to vector<16xi32>
      %min3A_880 = arith.minsi %sub3A_877, %min3A_879 : vector<16xi32>
      %add3A_881 = arith.constant 192 : i32
      %add3A_882 = vector.broadcast %add3A_881 : i32 to vector<16xi32>
      %add3A_883 = arith.addi %iota3A, %add3A_882 : vector<16xi32>
      %select_n3A_884 = arith.select %ge3A_874, %min3A_880, %add3A_883 : vector<16xi1>, vector<16xi32>
      %swap3A_885 = arith.constant 1 : i32
      %swap3A_886 = arith.index_cast %swap3A_885 : i32 to index
      %swap3A_887 = arith.constant 64 : index
      %swap3A_888 = tpu.vector_load %arg15[%swap3A_886, %swap3A_887] {strides = array<i32>} : memref<2x128xi32, #tpu.memory_space<vmem>>, vector<16xi32>,
      tpu.vector_store %arg15[%swap3A_886, %swap3A_887], %select_n3A_884 {strides = array<i32>} : memref<2x128xi32, #tpu.memory_space<vmem>>, vector<16xi32>,
      %get3A_889 = arith.constant 208 : index
      %get3A_890 = tpu.vector_load %arg13[%get3A_889] {strides = array<i32>} : memref<256xi32, #tpu.memory_space<vmem>>, vector<16xi32>,
      %min3A_891 = arith.constant 999999 : i32
      %min3A_892 = vector.broadcast %min3A_891 : i32 to vector<16xi32>
      %min3A_893 = arith.minsi %get3A_890, %min3A_892 : vector<16xi32>
      %swap3A_894 = arith.constant 1 : i32
      %swap3A_895 = arith.index_cast %swap3A_894 : i32 to index
      %swap3A_896 = arith.constant 80 : index
      %swap3A_897 = tpu.vector_load %arg14[%swap3A_895, %swap3A_896] {strides = array<i32>} : memref<2x128xi32, #tpu.memory_space<vmem>>, vector<16xi32>,
      tpu.vector_store %arg14[%swap3A_895, %swap3A_896], %min3A_893 {strides = array<i32>} : memref<2x128xi32, #tpu.memory_space<vmem>>, vector<16xi32>,
      %ge3A_898 = arith.constant 1000000 : i32
      %ge3A_899 = vector.broadcast %ge3A_898 : i32 to vector<16xi32>
      %ge3A_900 = arith.cmpi sge, %get3A_890, %ge3A_899 : vector<16xi32>
      %sub3A_901 = arith.constant 1000000 : i32
      %sub3A_902 = vector.broadcast %sub3A_901 : i32 to vector<16xi32>
      %sub3A_903 = arith.subi %get3A_890, %sub3A_902 : vector<16xi32>
      %min3A_904 = arith.constant 65535 : i32
      %min3A_905 = vector.broadcast %min3A_904 : i32 to vector<16xi32>
      %min3A_906 = arith.minsi %sub3A_903, %min3A_905 : vector<16xi32>
      %add3A_907 = arith.constant 208 : i32
      %add3A_908 = vector.broadcast %add3A_907 : i32 to vector<16xi32>
      %add3A_909 = arith.addi %iota3A, %add3A_908 : vector<16xi32>
      %select_n3A_910 = arith.select %ge3A_900, %min3A_906, %add3A_909 : vector<16xi1>, vector<16xi32>
      %swap3A_911 = arith.constant 1 : i32
      %swap3A_912 = arith.index_cast %swap3A_911 : i32 to index
      %swap3A_913 = arith.constant 80 : index
      %swap3A_914 = tpu.vector_load %arg15[%swap3A_912, %swap3A_913] {strides = array<i32>} : memref<2x128xi32, #tpu.memory_space<vmem>>, vector<16xi32>,
      tpu.vector_store %arg15[%swap3A_912, %swap3A_913], %select_n3A_910 {strides = array<i32>} : memref<2x128xi32, #tpu.memory_space<vmem>>, vector<16xi32>,
      %get3A_915 = arith.constant 224 : index
      %get3A_916 = tpu.vector_load %arg13[%get3A_915] {strides = array<i32>} : memref<256xi32, #tpu.memory_space<vmem>>, vector<16xi32>,
      %min3A_917 = arith.constant 999999 : i32
      %min3A_918 = vector.broadcast %min3A_917 : i32 to vector<16xi32>
      %min3A_919 = arith.minsi %get3A_916, %min3A_918 : vector<16xi32>
      %swap3A_920 = arith.constant 1 : i32
      %swap3A_921 = arith.index_cast %swap3A_920 : i32 to index
      %swap3A_922 = arith.constant 96 : index
      %swap3A_923 = tpu.vector_load %arg14[%swap3A_921, %swap3A_922] {strides = array<i32>} : memref<2x128xi32, #tpu.memory_space<vmem>>, vector<16xi32>,
      tpu.vector_store %arg14[%swap3A_921, %swap3A_922], %min3A_919 {strides = array<i32>} : memref<2x128xi32, #tpu.memory_space<vmem>>, vector<16xi32>,
      %ge3A_924 = arith.constant 1000000 : i32
      %ge3A_925 = vector.broadcast %ge3A_924 : i32 to vector<16xi32>
      %ge3A_926 = arith.cmpi sge, %get3A_916, %ge3A_925 : vector<16xi32>
      %sub3A_927 = arith.constant 1000000 : i32
      %sub3A_928 = vector.broadcast %sub3A_927 : i32 to vector<16xi32>
      %sub3A_929 = arith.subi %get3A_916, %sub3A_928 : vector<16xi32>
      %min3A_930 = arith.constant 65535 : i32
      %min3A_931 = vector.broadcast %min3A_930 : i32 to vector<16xi32>
      %min3A_932 = arith.minsi %sub3A_929, %min3A_931 : vector<16xi32>
      %add3A_933 = arith.constant 224 : i32
      %add3A_934 = vector.broadcast %add3A_933 : i32 to vector<16xi32>
      %add3A_935 = arith.addi %iota3A, %add3A_934 : vector<16xi32>
      %select_n3A_936 = arith.select %ge3A_926, %min3A_932, %add3A_935 : vector<16xi1>, vector<16xi32>
      %swap3A_937 = arith.constant 1 : i32
      %swap3A_938 = arith.index_cast %swap3A_937 : i32 to index
      %swap3A_939 = arith.constant 96 : index
      %swap3A_940 = tpu.vector_load %arg15[%swap3A_938, %swap3A_939] {strides = array<i32>} : memref<2x128xi32, #tpu.memory_space<vmem>>, vector<16xi32>,
      tpu.vector_store %arg15[%swap3A_938, %swap3A_939], %select_n3A_936 {strides = array<i32>} : memref<2x128xi32, #tpu.memory_space<vmem>>, vector<16xi32>,
      %get3A_941 = arith.constant 240 : index
      %get3A_942 = tpu.vector_load %arg13[%get3A_941] {strides = array<i32>} : memref<256xi32, #tpu.memory_space<vmem>>, vector<16xi32>,
      %min3A_943 = arith.constant 999999 : i32
      %min3A_944 = vector.broadcast %min3A_943 : i32 to vector<16xi32>
      %min3A_945 = arith.minsi %get3A_942, %min3A_944 : vector<16xi32>
      %swap3A_946 = arith.constant 1 : i32
      %swap3A_947 = arith.index_cast %swap3A_946 : i32 to index
      %swap3A_948 = arith.constant 112 : index
      %swap3A_949 = tpu.vector_load %arg14[%swap3A_947, %swap3A_948] {strides = array<i32>} : memref<2x128xi32, #tpu.memory_space<vmem>>, vector<16xi32>,
      tpu.vector_store %arg14[%swap3A_947, %swap3A_948], %min3A_945 {strides = array<i32>} : memref<2x128xi32, #tpu.memory_space<vmem>>, vector<16xi32>,
      %ge3A_950 = arith.constant 1000000 : i32
      %ge3A_951 = vector.broadcast %ge3A_950 : i32 to vector<16xi32>
      %ge3A_952 = arith.cmpi sge, %get3A_942, %ge3A_951 : vector<16xi32>
      %sub3A_953 = arith.constant 1000000 : i32
      %sub3A_954 = vector.broadcast %sub3A_953 : i32 to vector<16xi32>
      %sub3A_955 = arith.subi %get3A_942, %sub3A_954 : vector<16xi32>
      %min3A_956 = arith.constant 65535 : i32
      %min3A_957 = vector.broadcast %min3A_956 : i32 to vector<16xi32>
      %min3A_958 = arith.minsi %sub3A_955, %min3A_957 : vector<16xi32>
      %add3A_959 = arith.constant 240 : i32
      %add3A_960 = vector.broadcast %add3A_959 : i32 to vector<16xi32>
      %add3A_961 = arith.addi %iota3A, %add3A_960 : vector<16xi32>
      %select_n3A_962 = arith.select %ge3A_952, %min3A_958, %add3A_961 : vector<16xi1>, vector<16xi32>
      %swap3A_963 = arith.constant 1 : i32
      %swap3A_964 = arith.index_cast %swap3A_963 : i32 to index
      %swap3A_965 = arith.constant 112 : index
      %swap3A_966 = tpu.vector_load %arg15[%swap3A_964, %swap3A_965] {strides = array<i32>} : memref<2x128xi32, #tpu.memory_space<vmem>>, vector<16xi32>,
      tpu.vector_store %arg15[%swap3A_964, %swap3A_965], %select_n3A_962 {strides = array<i32>} : memref<2x128xi32, #tpu.memory_space<vmem>>, vector<16xi32>,
      %gt3A_967 = arith.constant 0 : i32
      %gt3A_968 = arith.cmpi sgt, %scan3A_20, %gt3A_967 : i32
      %convert_element_type3A_969 = arith.extui %gt3A_968 : i1 to i32
      %cond3A_970 = arith.constant 0 : i32
      %cond3A_971 = arith.cmpi ne, %convert_element_type3A_969, %cond3A_970 : i32
      scf.if %cond3A_971 {
        %dma_wait3A_1065 = arith.constant 0 : i32
        %dma_wait3A_1066 = tpu.memref_slice %arg5[%add3A_548, %dma_wait3A_1065] : memref<819200x64xf32, #tpu.memory_space<hbm>> -> memref<256x64xf32, #tpu.memory_space<hbm>>
        %dma_wait3A_1067 = arith.constant 0 : i32
        %dma_wait3A_1068 = tpu.memref_slice %arg5[%add3A_548, %dma_wait3A_1067] : memref<819200x64xf32, #tpu.memory_space<hbm>> -> memref<256x64xf32, #tpu.memory_space<hbm>>
        tpu.wait_dma2 semaphore(%arg19 : memref<!tpu.dma_semaphore, #tpu.memory_space<semaphore_mem>>) src(%arg16 : memref<256x64xf32, #tpu.memory_space<vmem>>) dst(%dma_wait3A_1068 : memref<256x64xf32, #tpu.memory_space<hbm>>)
      } else {
      }
      %dma_start3A_972 = arith.constant 0 : i32
      %dma_start3A_973 = arith.constant 0 : i32
      %dma_start3A_974 = arith.constant 0 : i32
      %dma_start3A_975 = tpu.memref_slice %arg16[%dma_start3A_973, %dma_start3A_974] : memref<256x64xf32, #tpu.memory_space<vmem>> -> memref<128x64xf32, #tpu.memory_space<vmem>>
      %dma_start3A_976 = arith.constant 0 : i32
      %dma_start3A_977 = tpu.memref_slice %arg14[%dma_start3A_972, %dma_start3A_976] : memref<2x128xi32, #tpu.memory_space<vmem>> -> memref<1x128xi32, #tpu.memory_space<vmem>>
      %dma_start3A_978 = tpu.memref_squeeze %dma_start3A_977 : memref<1x128xi32, #tpu.memory_space<vmem>> -> memref<128xi32, #tpu.memory_space<vmem>>
      %dma_start3A_979 = arith.constant 0 : i32
      %dma_start3A_980 = arith.constant 0 : i32
      %dma_start3A_981 = tpu.memref_slice %arg3[%dma_start3A_979, %dma_start3A_980] : memref<1000000x64xf32, #tpu.memory_space<hbm>> -> memref<1000000x64xf32, #tpu.memory_space<hbm>>
      tpu.enqueue_indirect_dma source(%dma_start3A_981 : memref<1000000x64xf32, #tpu.memory_space<hbm>>) target(%dma_start3A_975 : memref<128x64xf32, #tpu.memory_space<vmem>>) offsets(%dma_start3A_978 : memref<128xi32, #tpu.memory_space<vmem>>) semaphore(%arg20 : memref<!tpu.dma_semaphore, #tpu.memory_space<semaphore_mem>>)
      %dma_start3A_982 = arith.constant 0 : i32
      %dma_start3A_983 = arith.constant 0 : i32
      %dma_start3A_984 = arith.constant 0 : i32
      %dma_start3A_985 = tpu.memref_slice %arg17[%dma_start3A_983, %dma_start3A_984] : memref<256x64xf32, #tpu.memory_space<vmem>> -> memref<128x64xf32, #tpu.memory_space<vmem>>
      %dma_start3A_986 = arith.constant 0 : i32
      %dma_start3A_987 = tpu.memref_slice %arg15[%dma_start3A_982, %dma_start3A_986] : memref<2x128xi32, #tpu.memory_space<vmem>> -> memref<1x128xi32, #tpu.memory_space<vmem>>
      %dma_start3A_988 = tpu.memref_squeeze %dma_start3A_987 : memref<1x128xi32, #tpu.memory_space<vmem>> -> memref<128xi32, #tpu.memory_space<vmem>>
      %dma_start3A_989 = arith.constant 0 : i32
      %dma_start3A_990 = arith.constant 0 : i32
      %dma_start3A_991 = tpu.memref_slice %arg4[%dma_start3A_989, %dma_start3A_990] : memref<65536x64xf32, #tpu.memory_space<hbm>> -> memref<65536x64xf32, #tpu.memory_space<hbm>>
      tpu.enqueue_indirect_dma source(%dma_start3A_991 : memref<65536x64xf32, #tpu.memory_space<hbm>>) target(%dma_start3A_985 : memref<128x64xf32, #tpu.memory_space<vmem>>) offsets(%dma_start3A_988 : memref<128xi32, #tpu.memory_space<vmem>>) semaphore(%arg21 : memref<!tpu.dma_semaphore, #tpu.memory_space<semaphore_mem>>)
      %dma_start3A_992 = arith.constant 1 : i32
      %dma_start3A_993 = arith.constant 128 : i32
      %dma_start3A_994 = arith.constant 0 : i32
      %dma_start3A_995 = tpu.memref_slice %arg16[%dma_start3A_993, %dma_start3A_994] : memref<256x64xf32, #tpu.memory_space<vmem>> -> memref<128x64xf32, #tpu.memory_space<vmem>>
      %dma_start3A_996 = arith.constant 0 : i32
      %dma_start3A_997 = tpu.memref_slice %arg14[%dma_start3A_992, %dma_start3A_996] : memref<2x128xi32, #tpu.memory_space<vmem>> -> memref<1x128xi32, #tpu.memory_space<vmem>>
      %dma_start3A_998 = tpu.memref_squeeze %dma_start3A_997 : memref<1x128xi32, #tpu.memory_space<vmem>> -> memref<128xi32, #tpu.memory_space<vmem>>
      %dma_start3A_999 = arith.constant 0 : i32
      %dma_start3A_1000 = arith.constant 0 : i32
      %dma_start3A_1001 = tpu.memref_slice %arg3[%dma_start3A_999, %dma_start3A_1000] : memref<1000000x64xf32, #tpu.memory_space<hbm>> -> memref<1000000x64xf32, #tpu.memory_space<hbm>>
      tpu.enqueue_indirect_dma source(%dma_start3A_1001 : memref<1000000x64xf32, #tpu.memory_space<hbm>>) target(%dma_start3A_995 : memref<128x64xf32, #tpu.memory_space<vmem>>) offsets(%dma_start3A_998 : memref<128xi32, #tpu.memory_space<vmem>>) semaphore(%arg20 : memref<!tpu.dma_semaphore, #tpu.memory_space<semaphore_mem>>)
      %dma_start3A_1002 = arith.constant 1 : i32
      %dma_start3A_1003 = arith.constant 128 : i32
      %dma_start3A_1004 = arith.constant 0 : i32
      %dma_start3A_1005 = tpu.memref_slice %arg17[%dma_start3A_1003, %dma_start3A_1004] : memref<256x64xf32, #tpu.memory_space<vmem>> -> memref<128x64xf32, #tpu.memory_space<vmem>>
      %dma_start3A_1006 = arith.constant 0 : i32
      %dma_start3A_1007 = tpu.memref_slice %arg15[%dma_start3A_1002, %dma_start3A_1006] : memref<2x128xi32, #tpu.memory_space<vmem>> -> memref<1x128xi32, #tpu.memory_space<vmem>>
      %dma_start3A_1008 = tpu.memref_squeeze %dma_start3A_1007 : memref<1x128xi32, #tpu.memory_space<vmem>> -> memref<128xi32, #tpu.memory_space<vmem>>
      %dma_start3A_1009 = arith.constant 0 : i32
      %dma_start3A_1010 = arith.constant 0 : i32
      %dma_start3A_1011 = tpu.memref_slice %arg4[%dma_start3A_1009, %dma_start3A_1010] : memref<65536x64xf32, #tpu.memory_space<hbm>> -> memref<65536x64xf32, #tpu.memory_space<hbm>>
      tpu.enqueue_indirect_dma source(%dma_start3A_1011 : memref<65536x64xf32, #tpu.memory_space<hbm>>) target(%dma_start3A_1005 : memref<128x64xf32, #tpu.memory_space<vmem>>) offsets(%dma_start3A_1008 : memref<128xi32, #tpu.memory_space<vmem>>) semaphore(%arg21 : memref<!tpu.dma_semaphore, #tpu.memory_space<semaphore_mem>>)
      %convert_element_type3A_1012 = arith.extui %lt3A_545 : i1 to i32
      %cond3A_1013 = arith.constant 0 : i32
      %cond3A_1014 = arith.cmpi ne, %convert_element_type3A_1012, %cond3A_1013 : i32
      scf.if %cond3A_1014 {
        %dma_start3A_1065 = tpu.memref_slice %arg2[%add3A_543] : memref<819200xi32, #tpu.memory_space<hbm>> -> memref<256xi32, #tpu.memory_space<hbm>>
        %dma_start3A_1066 = tpu.memref_slice %arg2[%add3A_543] : memref<819200xi32, #tpu.memory_space<hbm>> -> memref<256xi32, #tpu.memory_space<hbm>>
        tpu.enqueue_dma source(%dma_start3A_1066 : memref<256xi32, #tpu.memory_space<hbm>>) target(%arg6 : memref<256xi32, #tpu.memory_space<vmem>>) target_semaphore(%arg11 : memref<!tpu.dma_semaphore, #tpu.memory_space<semaphore_mem>>)
      } else {
      }
      %dma_wait3A_1015 = arith.constant 0 : i32
      %dma_wait3A_1016 = arith.constant 0 : i32
      %dma_wait3A_1017 = arith.constant 0 : i32
      %dma_wait3A_1018 = tpu.memref_slice %arg16[%dma_wait3A_1016, %dma_wait3A_1017] : memref<256x64xf32, #tpu.memory_space<vmem>> -> memref<128x64xf32, #tpu.memory_space<vmem>>
      %dma_wait3A_1019 = arith.constant 0 : i32
      %dma_wait3A_1020 = tpu.memref_slice %arg14[%dma_wait3A_1015, %dma_wait3A_1019] : memref<2x128xi32, #tpu.memory_space<vmem>> -> memref<1x128xi32, #tpu.memory_space<vmem>>
      %dma_wait3A_1021 = tpu.memref_squeeze %dma_wait3A_1020 : memref<1x128xi32, #tpu.memory_space<vmem>> -> memref<128xi32, #tpu.memory_space<vmem>>
      %dma_wait3A_1022 = arith.constant 0 : i32
      %dma_wait3A_1023 = arith.constant 0 : i32
      %dma_wait3A_1024 = tpu.memref_slice %arg3[%dma_wait3A_1022, %dma_wait3A_1023] : memref<1000000x64xf32, #tpu.memory_space<hbm>> -> memref<1000000x64xf32, #tpu.memory_space<hbm>>
      tpu.wait_indirect_dma semaphore(%arg20 : memref<!tpu.dma_semaphore, #tpu.memory_space<semaphore_mem>>) src(%dma_wait3A_1024 : memref<1000000x64xf32, #tpu.memory_space<hbm>>) dst(%dma_wait3A_1018 : memref<128x64xf32, #tpu.memory_space<vmem>>)
      %dma_wait3A_1025 = arith.constant 0 : i32
      %dma_wait3A_1026 = arith.constant 0 : i32
      %dma_wait3A_1027 = arith.constant 0 : i32
      %dma_wait3A_1028 = tpu.memref_slice %arg17[%dma_wait3A_1026, %dma_wait3A_1027] : memref<256x64xf32, #tpu.memory_space<vmem>> -> memref<128x64xf32, #tpu.memory_space<vmem>>
      %dma_wait3A_1029 = arith.constant 0 : i32
      %dma_wait3A_1030 = tpu.memref_slice %arg15[%dma_wait3A_1025, %dma_wait3A_1029] : memref<2x128xi32, #tpu.memory_space<vmem>> -> memref<1x128xi32, #tpu.memory_space<vmem>>
      %dma_wait3A_1031 = tpu.memref_squeeze %dma_wait3A_1030 : memref<1x128xi32, #tpu.memory_space<vmem>> -> memref<128xi32, #tpu.memory_space<vmem>>
      %dma_wait3A_1032 = arith.constant 0 : i32
      %dma_wait3A_1033 = arith.constant 0 : i32
      %dma_wait3A_1034 = tpu.memref_slice %arg4[%dma_wait3A_1032, %dma_wait3A_1033] : memref<65536x64xf32, #tpu.memory_space<hbm>> -> memref<65536x64xf32, #tpu.memory_space<hbm>>
      tpu.wait_indirect_dma semaphore(%arg21 : memref<!tpu.dma_semaphore, #tpu.memory_space<semaphore_mem>>) src(%dma_wait3A_1034 : memref<65536x64xf32, #tpu.memory_space<hbm>>) dst(%dma_wait3A_1028 : memref<128x64xf32, #tpu.memory_space<vmem>>)
      %dma_wait3A_1035 = arith.constant 1 : i32
      %dma_wait3A_1036 = arith.constant 128 : i32
      %dma_wait3A_1037 = arith.constant 0 : i32
      %dma_wait3A_1038 = tpu.memref_slice %arg16[%dma_wait3A_1036, %dma_wait3A_1037] : memref<256x64xf32, #tpu.memory_space<vmem>> -> memref<128x64xf32, #tpu.memory_space<vmem>>
      %dma_wait3A_1039 = arith.constant 0 : i32
      %dma_wait3A_1040 = tpu.memref_slice %arg14[%dma_wait3A_1035, %dma_wait3A_1039] : memref<2x128xi32, #tpu.memory_space<vmem>> -> memref<1x128xi32, #tpu.memory_space<vmem>>
      %dma_wait3A_1041 = tpu.memref_squeeze %dma_wait3A_1040 : memref<1x128xi32, #tpu.memory_space<vmem>> -> memref<128xi32, #tpu.memory_space<vmem>>
      %dma_wait3A_1042 = arith.constant 0 : i32
      %dma_wait3A_1043 = arith.constant 0 : i32
      %dma_wait3A_1044 = tpu.memref_slice %arg3[%dma_wait3A_1042, %dma_wait3A_1043] : memref<1000000x64xf32, #tpu.memory_space<hbm>> -> memref<1000000x64xf32, #tpu.memory_space<hbm>>
      tpu.wait_indirect_dma semaphore(%arg20 : memref<!tpu.dma_semaphore, #tpu.memory_space<semaphore_mem>>) src(%dma_wait3A_1044 : memref<1000000x64xf32, #tpu.memory_space<hbm>>) dst(%dma_wait3A_1038 : memref<128x64xf32, #tpu.memory_space<vmem>>)
      %dma_wait3A_1045 = arith.constant 1 : i32
      %dma_wait3A_1046 = arith.constant 128 : i32
      %dma_wait3A_1047 = arith.constant 0 : i32
      %dma_wait3A_1048 = tpu.memref_slice %arg17[%dma_wait3A_1046, %dma_wait3A_1047] : memref<256x64xf32, #tpu.memory_space<vmem>> -> memref<128x64xf32, #tpu.memory_space<vmem>>
      %dma_wait3A_1049 = arith.constant 0 : i32
      %dma_wait3A_1050 = tpu.memref_slice %arg15[%dma_wait3A_1045, %dma_wait3A_1049] : memref<2x128xi32, #tpu.memory_space<vmem>> -> memref<1x128xi32, #tpu.memory_space<vmem>>
      %dma_wait3A_1051 = tpu.memref_squeeze %dma_wait3A_1050 : memref<1x128xi32, #tpu.memory_space<vmem>> -> memref<128xi32, #tpu.memory_space<vmem>>
      %dma_wait3A_1052 = arith.constant 0 : i32
      %dma_wait3A_1053 = arith.constant 0 : i32
      %dma_wait3A_1054 = tpu.memref_slice %arg4[%dma_wait3A_1052, %dma_wait3A_1053] : memref<65536x64xf32, #tpu.memory_space<hbm>> -> memref<65536x64xf32, #tpu.memory_space<hbm>>
      tpu.wait_indirect_dma semaphore(%arg21 : memref<!tpu.dma_semaphore, #tpu.memory_space<semaphore_mem>>) src(%dma_wait3A_1054 : memref<65536x64xf32, #tpu.memory_space<hbm>>) dst(%dma_wait3A_1048 : memref<128x64xf32, #tpu.memory_space<vmem>>)
      %scan3A_1055 = arith.constant 0 : i32
      %scan3A_1056 = arith.constant 0 : i32
      %scan3A_1057 = arith.constant 16 : i32
      %scan3A_1058 = arith.addi %scan3A_1056, %scan3A_1057 : i32
      %scan3A_1059 = arith.constant 1 : i32
      scf.for %scan3A_1065 = %scan3A_1056 to %scan3A_1058 step %scan3A_1059  : i32 {
        %mul3A_1066 = arith.constant 16 : i32
        %mul3A_1067 = arith.muli %scan3A_1065, %mul3A_1066 : i32
        %get3A_1068 = arith.index_cast %mul3A_1067 : i32 to index
        %get3A_1069 = tpu.vector_load %arg13[%get3A_1068] {strides = array<i32>} : memref<256xi32, #tpu.memory_space<vmem>>, vector<16xi32>,
        %ge3A_1070 = arith.constant 1000000 : i32
        %ge3A_1071 = vector.broadcast %ge3A_1070 : i32 to vector<16xi32>
        %ge3A_1072 = arith.cmpi sge, %get3A_1069, %ge3A_1071 : vector<16xi32>
        %reduce_max3A = arith.constant true
        %reduce_max3A_1073 = vector.broadcast %reduce_max3A : i1 to vector<16xi1>
        %reduce_max3A_1074 = arith.constant -2147483648 : i32
        %reduce_max3A_1075 = vector.broadcast %reduce_max3A_1074 : i32 to vector<16xi32>
        %reduce_max3A_1076 = arith.xori %get3A_1069, %reduce_max3A_1075 : vector<16xi32>
        %reduce_max3A_1077 = tpu.scan <max>, %reduce_max3A_1076 masked %reduce_max3A_1073 : vector<16xi32>, vector<16xi1> -> vector<16xi32>
        %reduce_max3A_1078 = arith.xori %reduce_max3A_1077, %reduce_max3A_1075 : vector<16xi32>
        %reduce_max3A_1079 = vector.extract %reduce_max3A_1078[15] : i32 from vector<16xi32>
        %ge3A_1080 = arith.constant 1000000 : i32
        %ge3A_1081 = arith.cmpi sge, %reduce_max3A_1079, %ge3A_1080 : i32
        %convert_element_type3A_1082 = arith.extui %ge3A_1081 : i1 to i32
        %cond3A_1083 = arith.constant 0 : i32
        %cond3A_1084 = arith.cmpi ne, %convert_element_type3A_1082, %cond3A_1083 : i32
        scf.if %cond3A_1084 {
          %mul3A_1085 = arith.constant 16 : i32
          %mul3A_1086 = arith.muli %scan3A_1065, %mul3A_1085 : i32
          %add3A_1087 = vector.broadcast %mul3A_1086 : i32 to vector<16xi32>
          %add3A_1088 = arith.addi %iota3A, %add3A_1087 : vector<16xi32>
          %broadcast_in_dim3A = arith.constant 0 : i32
          %broadcast_in_dim3A_1089 = vector.broadcast %broadcast_in_dim3A : i32 to vector<16xi32>
          %gather3A = tpu.vector_load_idx %arg17[%add3A_1088, %broadcast_in_dim3A_1089] masked %ge3A_1072 : memref<256x64xf32, #tpu.memory_space<vmem>>[vector<16xi32>, vector<16xi32>], vector<16xf32>, vector<16xi1>
          tpu.vector_store_idx %arg16[%add3A_1088, %broadcast_in_dim3A_1089], %gather3A masked %ge3A_1072 : memref<256x64xf32, #tpu.memory_space<vmem>>[vector<16xi32>, vector<16xi32>], vector<16xf32>, vector<16xi1>
          %broadcast_in_dim3A_1090 = arith.constant 1 : i32
          %broadcast_in_dim3A_1091 = vector.broadcast %broadcast_in_dim3A_1090 : i32 to vector<16xi32>
          %gather3A_1092 = tpu.vector_load_idx %arg17[%add3A_1088, %broadcast_in_dim3A_1091] masked %ge3A_1072 : memref<256x64xf32, #tpu.memory_space<vmem>>[vector<16xi32>, vector<16xi32>], vector<16xf32>, vector<16xi1>
          tpu.vector_store_idx %arg16[%add3A_1088, %broadcast_in_dim3A_1091], %gather3A_1092 masked %ge3A_1072 : memref<256x64xf32, #tpu.memory_space<vmem>>[vector<16xi32>, vector<16xi32>], vector<16xf32>, vector<16xi1>
          %broadcast_in_dim3A_1093 = arith.constant 2 : i32
          %broadcast_in_dim3A_1094 = vector.broadcast %broadcast_in_dim3A_1093 : i32 to vector<16xi32>
          %gather3A_1095 = tpu.vector_load_idx %arg17[%add3A_1088, %broadcast_in_dim3A_1094] masked %ge3A_1072 : memref<256x64xf32, #tpu.memory_space<vmem>>[vector<16xi32>, vector<16xi32>], vector<16xf32>, vector<16xi1>
          tpu.vector_store_idx %arg16[%add3A_1088, %broadcast_in_dim3A_1094], %gather3A_1095 masked %ge3A_1072 : memref<256x64xf32, #tpu.memory_space<vmem>>[vector<16xi32>, vector<16xi32>], vector<16xf32>, vector<16xi1>
          %broadcast_in_dim3A_1096 = arith.constant 3 : i32
          %broadcast_in_dim3A_1097 = vector.broadcast %broadcast_in_dim3A_1096 : i32 to vector<16xi32>
          %gather3A_1098 = tpu.vector_load_idx %arg17[%add3A_1088, %broadcast_in_dim3A_1097] masked %ge3A_1072 : memref<256x64xf32, #tpu.memory_space<vmem>>[vector<16xi32>, vector<16xi32>], vector<16xf32>, vector<16xi1>
          tpu.vector_store_idx %arg16[%add3A_1088, %broadcast_in_dim3A_1097], %gather3A_1098 masked %ge3A_1072 : memref<256x64xf32, #tpu.memory_space<vmem>>[vector<16xi32>, vector<16xi32>], vector<16xf32>, vector<16xi1>
          %broadcast_in_dim3A_1099 = arith.constant 4 : i32
          %broadcast_in_dim3A_1100 = vector.broadcast %broadcast_in_dim3A_1099 : i32 to vector<16xi32>
          %gather3A_1101 = tpu.vector_load_idx %arg17[%add3A_1088, %broadcast_in_dim3A_1100] masked %ge3A_1072 : memref<256x64xf32, #tpu.memory_space<vmem>>[vector<16xi32>, vector<16xi32>], vector<16xf32>, vector<16xi1>
          tpu.vector_store_idx %arg16[%add3A_1088, %broadcast_in_dim3A_1100], %gather3A_1101 masked %ge3A_1072 : memref<256x64xf32, #tpu.memory_space<vmem>>[vector<16xi32>, vector<16xi32>], vector<16xf32>, vector<16xi1>
          %broadcast_in_dim3A_1102 = arith.constant 5 : i32
          %broadcast_in_dim3A_1103 = vector.broadcast %broadcast_in_dim3A_1102 : i32 to vector<16xi32>
          %gather3A_1104 = tpu.vector_load_idx %arg17[%add3A_1088, %broadcast_in_dim3A_1103] masked %ge3A_1072 : memref<256x64xf32, #tpu.memory_space<vmem>>[vector<16xi32>, vector<16xi32>], vector<16xf32>, vector<16xi1>
          tpu.vector_store_idx %arg16[%add3A_1088, %broadcast_in_dim3A_1103], %gather3A_1104 masked %ge3A_1072 : memref<256x64xf32, #tpu.memory_space<vmem>>[vector<16xi32>, vector<16xi32>], vector<16xf32>, vector<16xi1>
          %broadcast_in_dim3A_1105 = arith.constant 6 : i32
          %broadcast_in_dim3A_1106 = vector.broadcast %broadcast_in_dim3A_1105 : i32 to vector<16xi32>
          %gather3A_1107 = tpu.vector_load_idx %arg17[%add3A_1088, %broadcast_in_dim3A_1106] masked %ge3A_1072 : memref<256x64xf32, #tpu.memory_space<vmem>>[vector<16xi32>, vector<16xi32>], vector<16xf32>, vector<16xi1>
          tpu.vector_store_idx %arg16[%add3A_1088, %broadcast_in_dim3A_1106], %gather3A_1107 masked %ge3A_1072 : memref<256x64xf32, #tpu.memory_space<vmem>>[vector<16xi32>, vector<16xi32>], vector<16xf32>, vector<16xi1>
          %broadcast_in_dim3A_1108 = arith.constant 7 : i32
          %broadcast_in_dim3A_1109 = vector.broadcast %broadcast_in_dim3A_1108 : i32 to vector<16xi32>
          %gather3A_1110 = tpu.vector_load_idx %arg17[%add3A_1088, %broadcast_in_dim3A_1109] masked %ge3A_1072 : memref<256x64xf32, #tpu.memory_space<vmem>>[vector<16xi32>, vector<16xi32>], vector<16xf32>, vector<16xi1>
          tpu.vector_store_idx %arg16[%add3A_1088, %broadcast_in_dim3A_1109], %gather3A_1110 masked %ge3A_1072 : memref<256x64xf32, #tpu.memory_space<vmem>>[vector<16xi32>, vector<16xi32>], vector<16xf32>, vector<16xi1>
          %broadcast_in_dim3A_1111 = arith.constant 8 : i32
          %broadcast_in_dim3A_1112 = vector.broadcast %broadcast_in_dim3A_1111 : i32 to vector<16xi32>
          %gather3A_1113 = tpu.vector_load_idx %arg17[%add3A_1088, %broadcast_in_dim3A_1112] masked %ge3A_1072 : memref<256x64xf32, #tpu.memory_space<vmem>>[vector<16xi32>, vector<16xi32>], vector<16xf32>, vector<16xi1>
          tpu.vector_store_idx %arg16[%add3A_1088, %broadcast_in_dim3A_1112], %gather3A_1113 masked %ge3A_1072 : memref<256x64xf32, #tpu.memory_space<vmem>>[vector<16xi32>, vector<16xi32>], vector<16xf32>, vector<16xi1>
          %broadcast_in_dim3A_1114 = arith.constant 9 : i32
          %broadcast_in_dim3A_1115 = vector.broadcast %broadcast_in_dim3A_1114 : i32 to vector<16xi32>
          %gather3A_1116 = tpu.vector_load_idx %arg17[%add3A_1088, %broadcast_in_dim3A_1115] masked %ge3A_1072 : memref<256x64xf32, #tpu.memory_space<vmem>>[vector<16xi32>, vector<16xi32>], vector<16xf32>, vector<16xi1>
          tpu.vector_store_idx %arg16[%add3A_1088, %broadcast_in_dim3A_1115], %gather3A_1116 masked %ge3A_1072 : memref<256x64xf32, #tpu.memory_space<vmem>>[vector<16xi32>, vector<16xi32>], vector<16xf32>, vector<16xi1>
          %broadcast_in_dim3A_1117 = arith.constant 10 : i32
          %broadcast_in_dim3A_1118 = vector.broadcast %broadcast_in_dim3A_1117 : i32 to vector<16xi32>
          %gather3A_1119 = tpu.vector_load_idx %arg17[%add3A_1088, %broadcast_in_dim3A_1118] masked %ge3A_1072 : memref<256x64xf32, #tpu.memory_space<vmem>>[vector<16xi32>, vector<16xi32>], vector<16xf32>, vector<16xi1>
          tpu.vector_store_idx %arg16[%add3A_1088, %broadcast_in_dim3A_1118], %gather3A_1119 masked %ge3A_1072 : memref<256x64xf32, #tpu.memory_space<vmem>>[vector<16xi32>, vector<16xi32>], vector<16xf32>, vector<16xi1>
          %broadcast_in_dim3A_1120 = arith.constant 11 : i32
          %broadcast_in_dim3A_1121 = vector.broadcast %broadcast_in_dim3A_1120 : i32 to vector<16xi32>
          %gather3A_1122 = tpu.vector_load_idx %arg17[%add3A_1088, %broadcast_in_dim3A_1121] masked %ge3A_1072 : memref<256x64xf32, #tpu.memory_space<vmem>>[vector<16xi32>, vector<16xi32>], vector<16xf32>, vector<16xi1>
          tpu.vector_store_idx %arg16[%add3A_1088, %broadcast_in_dim3A_1121], %gather3A_1122 masked %ge3A_1072 : memref<256x64xf32, #tpu.memory_space<vmem>>[vector<16xi32>, vector<16xi32>], vector<16xf32>, vector<16xi1>
          %broadcast_in_dim3A_1123 = arith.constant 12 : i32
          %broadcast_in_dim3A_1124 = vector.broadcast %broadcast_in_dim3A_1123 : i32 to vector<16xi32>
          %gather3A_1125 = tpu.vector_load_idx %arg17[%add3A_1088, %broadcast_in_dim3A_1124] masked %ge3A_1072 : memref<256x64xf32, #tpu.memory_space<vmem>>[vector<16xi32>, vector<16xi32>], vector<16xf32>, vector<16xi1>
          tpu.vector_store_idx %arg16[%add3A_1088, %broadcast_in_dim3A_1124], %gather3A_1125 masked %ge3A_1072 : memref<256x64xf32, #tpu.memory_space<vmem>>[vector<16xi32>, vector<16xi32>], vector<16xf32>, vector<16xi1>
          %broadcast_in_dim3A_1126 = arith.constant 13 : i32
          %broadcast_in_dim3A_1127 = vector.broadcast %broadcast_in_dim3A_1126 : i32 to vector<16xi32>
          %gather3A_1128 = tpu.vector_load_idx %arg17[%add3A_1088, %broadcast_in_dim3A_1127] masked %ge3A_1072 : memref<256x64xf32, #tpu.memory_space<vmem>>[vector<16xi32>, vector<16xi32>], vector<16xf32>, vector<16xi1>
          tpu.vector_store_idx %arg16[%add3A_1088, %broadcast_in_dim3A_1127], %gather3A_1128 masked %ge3A_1072 : memref<256x64xf32, #tpu.memory_space<vmem>>[vector<16xi32>, vector<16xi32>], vector<16xf32>, vector<16xi1>
          %broadcast_in_dim3A_1129 = arith.constant 14 : i32
          %broadcast_in_dim3A_1130 = vector.broadcast %broadcast_in_dim3A_1129 : i32 to vector<16xi32>
          %gather3A_1131 = tpu.vector_load_idx %arg17[%add3A_1088, %broadcast_in_dim3A_1130] masked %ge3A_1072 : memref<256x64xf32, #tpu.memory_space<vmem>>[vector<16xi32>, vector<16xi32>], vector<16xf32>, vector<16xi1>
          tpu.vector_store_idx %arg16[%add3A_1088, %broadcast_in_dim3A_1130], %gather3A_1131 masked %ge3A_1072 : memref<256x64xf32, #tpu.memory_space<vmem>>[vector<16xi32>, vector<16xi32>], vector<16xf32>, vector<16xi1>
          %broadcast_in_dim3A_1132 = arith.constant 15 : i32
          %broadcast_in_dim3A_1133 = vector.broadcast %broadcast_in_dim3A_1132 : i32 to vector<16xi32>
          %gather3A_1134 = tpu.vector_load_idx %arg17[%add3A_1088, %broadcast_in_dim3A_1133] masked %ge3A_1072 : memref<256x64xf32, #tpu.memory_space<vmem>>[vector<16xi32>, vector<16xi32>], vector<16xf32>, vector<16xi1>
          tpu.vector_store_idx %arg16[%add3A_1088, %broadcast_in_dim3A_1133], %gather3A_1134 masked %ge3A_1072 : memref<256x64xf32, #tpu.memory_space<vmem>>[vector<16xi32>, vector<16xi32>], vector<16xf32>, vector<16xi1>
          %broadcast_in_dim3A_1135 = arith.constant 16 : i32
          %broadcast_in_dim3A_1136 = vector.broadcast %broadcast_in_dim3A_1135 : i32 to vector<16xi32>
          %gather3A_1137 = tpu.vector_load_idx %arg17[%add3A_1088, %broadcast_in_dim3A_1136] masked %ge3A_1072 : memref<256x64xf32, #tpu.memory_space<vmem>>[vector<16xi32>, vector<16xi32>], vector<16xf32>, vector<16xi1>
          tpu.vector_store_idx %arg16[%add3A_1088, %broadcast_in_dim3A_1136], %gather3A_1137 masked %ge3A_1072 : memref<256x64xf32, #tpu.memory_space<vmem>>[vector<16xi32>, vector<16xi32>], vector<16xf32>, vector<16xi1>
          %broadcast_in_dim3A_1138 = arith.constant 17 : i32
          %broadcast_in_dim3A_1139 = vector.broadcast %broadcast_in_dim3A_1138 : i32 to vector<16xi32>
          %gather3A_1140 = tpu.vector_load_idx %arg17[%add3A_1088, %broadcast_in_dim3A_1139] masked %ge3A_1072 : memref<256x64xf32, #tpu.memory_space<vmem>>[vector<16xi32>, vector<16xi32>], vector<16xf32>, vector<16xi1>
          tpu.vector_store_idx %arg16[%add3A_1088, %broadcast_in_dim3A_1139], %gather3A_1140 masked %ge3A_1072 : memref<256x64xf32, #tpu.memory_space<vmem>>[vector<16xi32>, vector<16xi32>], vector<16xf32>, vector<16xi1>
          %broadcast_in_dim3A_1141 = arith.constant 18 : i32
          %broadcast_in_dim3A_1142 = vector.broadcast %broadcast_in_dim3A_1141 : i32 to vector<16xi32>
          %gather3A_1143 = tpu.vector_load_idx %arg17[%add3A_1088, %broadcast_in_dim3A_1142] masked %ge3A_1072 : memref<256x64xf32, #tpu.memory_space<vmem>>[vector<16xi32>, vector<16xi32>], vector<16xf32>, vector<16xi1>
          tpu.vector_store_idx %arg16[%add3A_1088, %broadcast_in_dim3A_1142], %gather3A_1143 masked %ge3A_1072 : memref<256x64xf32, #tpu.memory_space<vmem>>[vector<16xi32>, vector<16xi32>], vector<16xf32>, vector<16xi1>
          %broadcast_in_dim3A_1144 = arith.constant 19 : i32
          %broadcast_in_dim3A_1145 = vector.broadcast %broadcast_in_dim3A_1144 : i32 to vector<16xi32>
          %gather3A_1146 = tpu.vector_load_idx %arg17[%add3A_1088, %broadcast_in_dim3A_1145] masked %ge3A_1072 : memref<256x64xf32, #tpu.memory_space<vmem>>[vector<16xi32>, vector<16xi32>], vector<16xf32>, vector<16xi1>
          tpu.vector_store_idx %arg16[%add3A_1088, %broadcast_in_dim3A_1145], %gather3A_1146 masked %ge3A_1072 : memref<256x64xf32, #tpu.memory_space<vmem>>[vector<16xi32>, vector<16xi32>], vector<16xf32>, vector<16xi1>
          %broadcast_in_dim3A_1147 = arith.constant 20 : i32
          %broadcast_in_dim3A_1148 = vector.broadcast %broadcast_in_dim3A_1147 : i32 to vector<16xi32>
          %gather3A_1149 = tpu.vector_load_idx %arg17[%add3A_1088, %broadcast_in_dim3A_1148] masked %ge3A_1072 : memref<256x64xf32, #tpu.memory_space<vmem>>[vector<16xi32>, vector<16xi32>], vector<16xf32>, vector<16xi1>
          tpu.vector_store_idx %arg16[%add3A_1088, %broadcast_in_dim3A_1148], %gather3A_1149 masked %ge3A_1072 : memref<256x64xf32, #tpu.memory_space<vmem>>[vector<16xi32>, vector<16xi32>], vector<16xf32>, vector<16xi1>
          %broadcast_in_dim3A_1150 = arith.constant 21 : i32
          %broadcast_in_dim3A_1151 = vector.broadcast %broadcast_in_dim3A_1150 : i32 to vector<16xi32>
          %gather3A_1152 = tpu.vector_load_idx %arg17[%add3A_1088, %broadcast_in_dim3A_1151] masked %ge3A_1072 : memref<256x64xf32, #tpu.memory_space<vmem>>[vector<16xi32>, vector<16xi32>], vector<16xf32>, vector<16xi1>
          tpu.vector_store_idx %arg16[%add3A_1088, %broadcast_in_dim3A_1151], %gather3A_1152 masked %ge3A_1072 : memref<256x64xf32, #tpu.memory_space<vmem>>[vector<16xi32>, vector<16xi32>], vector<16xf32>, vector<16xi1>
          %broadcast_in_dim3A_1153 = arith.constant 22 : i32
          %broadcast_in_dim3A_1154 = vector.broadcast %broadcast_in_dim3A_1153 : i32 to vector<16xi32>
          %gather3A_1155 = tpu.vector_load_idx %arg17[%add3A_1088, %broadcast_in_dim3A_1154] masked %ge3A_1072 : memref<256x64xf32, #tpu.memory_space<vmem>>[vector<16xi32>, vector<16xi32>], vector<16xf32>, vector<16xi1>
          tpu.vector_store_idx %arg16[%add3A_1088, %broadcast_in_dim3A_1154], %gather3A_1155 masked %ge3A_1072 : memref<256x64xf32, #tpu.memory_space<vmem>>[vector<16xi32>, vector<16xi32>], vector<16xf32>, vector<16xi1>
          %broadcast_in_dim3A_1156 = arith.constant 23 : i32
          %broadcast_in_dim3A_1157 = vector.broadcast %broadcast_in_dim3A_1156 : i32 to vector<16xi32>
          %gather3A_1158 = tpu.vector_load_idx %arg17[%add3A_1088, %broadcast_in_dim3A_1157] masked %ge3A_1072 : memref<256x64xf32, #tpu.memory_space<vmem>>[vector<16xi32>, vector<16xi32>], vector<16xf32>, vector<16xi1>
          tpu.vector_store_idx %arg16[%add3A_1088, %broadcast_in_dim3A_1157], %gather3A_1158 masked %ge3A_1072 : memref<256x64xf32, #tpu.memory_space<vmem>>[vector<16xi32>, vector<16xi32>], vector<16xf32>, vector<16xi1>
          %broadcast_in_dim3A_1159 = arith.constant 24 : i32
          %broadcast_in_dim3A_1160 = vector.broadcast %broadcast_in_dim3A_1159 : i32 to vector<16xi32>
          %gather3A_1161 = tpu.vector_load_idx %arg17[%add3A_1088, %broadcast_in_dim3A_1160] masked %ge3A_1072 : memref<256x64xf32, #tpu.memory_space<vmem>>[vector<16xi32>, vector<16xi32>], vector<16xf32>, vector<16xi1>
          tpu.vector_store_idx %arg16[%add3A_1088, %broadcast_in_dim3A_1160], %gather3A_1161 masked %ge3A_1072 : memref<256x64xf32, #tpu.memory_space<vmem>>[vector<16xi32>, vector<16xi32>], vector<16xf32>, vector<16xi1>
          %broadcast_in_dim3A_1162 = arith.constant 25 : i32
          %broadcast_in_dim3A_1163 = vector.broadcast %broadcast_in_dim3A_1162 : i32 to vector<16xi32>
          %gather3A_1164 = tpu.vector_load_idx %arg17[%add3A_1088, %broadcast_in_dim3A_1163] masked %ge3A_1072 : memref<256x64xf32, #tpu.memory_space<vmem>>[vector<16xi32>, vector<16xi32>], vector<16xf32>, vector<16xi1>
          tpu.vector_store_idx %arg16[%add3A_1088, %broadcast_in_dim3A_1163], %gather3A_1164 masked %ge3A_1072 : memref<256x64xf32, #tpu.memory_space<vmem>>[vector<16xi32>, vector<16xi32>], vector<16xf32>, vector<16xi1>
          %broadcast_in_dim3A_1165 = arith.constant 26 : i32
          %broadcast_in_dim3A_1166 = vector.broadcast %broadcast_in_dim3A_1165 : i32 to vector<16xi32>
          %gather3A_1167 = tpu.vector_load_idx %arg17[%add3A_1088, %broadcast_in_dim3A_1166] masked %ge3A_1072 : memref<256x64xf32, #tpu.memory_space<vmem>>[vector<16xi32>, vector<16xi32>], vector<16xf32>, vector<16xi1>
          tpu.vector_store_idx %arg16[%add3A_1088, %broadcast_in_dim3A_1166], %gather3A_1167 masked %ge3A_1072 : memref<256x64xf32, #tpu.memory_space<vmem>>[vector<16xi32>, vector<16xi32>], vector<16xf32>, vector<16xi1>
          %broadcast_in_dim3A_1168 = arith.constant 27 : i32
          %broadcast_in_dim3A_1169 = vector.broadcast %broadcast_in_dim3A_1168 : i32 to vector<16xi32>
          %gather3A_1170 = tpu.vector_load_idx %arg17[%add3A_1088, %broadcast_in_dim3A_1169] masked %ge3A_1072 : memref<256x64xf32, #tpu.memory_space<vmem>>[vector<16xi32>, vector<16xi32>], vector<16xf32>, vector<16xi1>
          tpu.vector_store_idx %arg16[%add3A_1088, %broadcast_in_dim3A_1169], %gather3A_1170 masked %ge3A_1072 : memref<256x64xf32, #tpu.memory_space<vmem>>[vector<16xi32>, vector<16xi32>], vector<16xf32>, vector<16xi1>
          %broadcast_in_dim3A_1171 = arith.constant 28 : i32
          %broadcast_in_dim3A_1172 = vector.broadcast %broadcast_in_dim3A_1171 : i32 to vector<16xi32>
          %gather3A_1173 = tpu.vector_load_idx %arg17[%add3A_1088, %broadcast_in_dim3A_1172] masked %ge3A_1072 : memref<256x64xf32, #tpu.memory_space<vmem>>[vector<16xi32>, vector<16xi32>], vector<16xf32>, vector<16xi1>
          tpu.vector_store_idx %arg16[%add3A_1088, %broadcast_in_dim3A_1172], %gather3A_1173 masked %ge3A_1072 : memref<256x64xf32, #tpu.memory_space<vmem>>[vector<16xi32>, vector<16xi32>], vector<16xf32>, vector<16xi1>
          %broadcast_in_dim3A_1174 = arith.constant 29 : i32
          %broadcast_in_dim3A_1175 = vector.broadcast %broadcast_in_dim3A_1174 : i32 to vector<16xi32>
          %gather3A_1176 = tpu.vector_load_idx %arg17[%add3A_1088, %broadcast_in_dim3A_1175] masked %ge3A_1072 : memref<256x64xf32, #tpu.memory_space<vmem>>[vector<16xi32>, vector<16xi32>], vector<16xf32>, vector<16xi1>
          tpu.vector_store_idx %arg16[%add3A_1088, %broadcast_in_dim3A_1175], %gather3A_1176 masked %ge3A_1072 : memref<256x64xf32, #tpu.memory_space<vmem>>[vector<16xi32>, vector<16xi32>], vector<16xf32>, vector<16xi1>
          %broadcast_in_dim3A_1177 = arith.constant 30 : i32
          %broadcast_in_dim3A_1178 = vector.broadcast %broadcast_in_dim3A_1177 : i32 to vector<16xi32>
          %gather3A_1179 = tpu.vector_load_idx %arg17[%add3A_1088, %broadcast_in_dim3A_1178] masked %ge3A_1072 : memref<256x64xf32, #tpu.memory_space<vmem>>[vector<16xi32>, vector<16xi32>], vector<16xf32>, vector<16xi1>
          tpu.vector_store_idx %arg16[%add3A_1088, %broadcast_in_dim3A_1178], %gather3A_1179 masked %ge3A_1072 : memref<256x64xf32, #tpu.memory_space<vmem>>[vector<16xi32>, vector<16xi32>], vector<16xf32>, vector<16xi1>
          %broadcast_in_dim3A_1180 = arith.constant 31 : i32
          %broadcast_in_dim3A_1181 = vector.broadcast %broadcast_in_dim3A_1180 : i32 to vector<16xi32>
          %gather3A_1182 = tpu.vector_load_idx %arg17[%add3A_1088, %broadcast_in_dim3A_1181] masked %ge3A_1072 : memref<256x64xf32, #tpu.memory_space<vmem>>[vector<16xi32>, vector<16xi32>], vector<16xf32>, vector<16xi1>
          tpu.vector_store_idx %arg16[%add3A_1088, %broadcast_in_dim3A_1181], %gather3A_1182 masked %ge3A_1072 : memref<256x64xf32, #tpu.memory_space<vmem>>[vector<16xi32>, vector<16xi32>], vector<16xf32>, vector<16xi1>
          %broadcast_in_dim3A_1183 = arith.constant 32 : i32
          %broadcast_in_dim3A_1184 = vector.broadcast %broadcast_in_dim3A_1183 : i32 to vector<16xi32>
          %gather3A_1185 = tpu.vector_load_idx %arg17[%add3A_1088, %broadcast_in_dim3A_1184] masked %ge3A_1072 : memref<256x64xf32, #tpu.memory_space<vmem>>[vector<16xi32>, vector<16xi32>], vector<16xf32>, vector<16xi1>
          tpu.vector_store_idx %arg16[%add3A_1088, %broadcast_in_dim3A_1184], %gather3A_1185 masked %ge3A_1072 : memref<256x64xf32, #tpu.memory_space<vmem>>[vector<16xi32>, vector<16xi32>], vector<16xf32>, vector<16xi1>
          %broadcast_in_dim3A_1186 = arith.constant 33 : i32
          %broadcast_in_dim3A_1187 = vector.broadcast %broadcast_in_dim3A_1186 : i32 to vector<16xi32>
          %gather3A_1188 = tpu.vector_load_idx %arg17[%add3A_1088, %broadcast_in_dim3A_1187] masked %ge3A_1072 : memref<256x64xf32, #tpu.memory_space<vmem>>[vector<16xi32>, vector<16xi32>], vector<16xf32>, vector<16xi1>
          tpu.vector_store_idx %arg16[%add3A_1088, %broadcast_in_dim3A_1187], %gather3A_1188 masked %ge3A_1072 : memref<256x64xf32, #tpu.memory_space<vmem>>[vector<16xi32>, vector<16xi32>], vector<16xf32>, vector<16xi1>
          %broadcast_in_dim3A_1189 = arith.constant 34 : i32
          %broadcast_in_dim3A_1190 = vector.broadcast %broadcast_in_dim3A_1189 : i32 to vector<16xi32>
          %gather3A_1191 = tpu.vector_load_idx %arg17[%add3A_1088, %broadcast_in_dim3A_1190] masked %ge3A_1072 : memref<256x64xf32, #tpu.memory_space<vmem>>[vector<16xi32>, vector<16xi32>], vector<16xf32>, vector<16xi1>
          tpu.vector_store_idx %arg16[%add3A_1088, %broadcast_in_dim3A_1190], %gather3A_1191 masked %ge3A_1072 : memref<256x64xf32, #tpu.memory_space<vmem>>[vector<16xi32>, vector<16xi32>], vector<16xf32>, vector<16xi1>
          %broadcast_in_dim3A_1192 = arith.constant 35 : i32
          %broadcast_in_dim3A_1193 = vector.broadcast %broadcast_in_dim3A_1192 : i32 to vector<16xi32>
          %gather3A_1194 = tpu.vector_load_idx %arg17[%add3A_1088, %broadcast_in_dim3A_1193] masked %ge3A_1072 : memref<256x64xf32, #tpu.memory_space<vmem>>[vector<16xi32>, vector<16xi32>], vector<16xf32>, vector<16xi1>
          tpu.vector_store_idx %arg16[%add3A_1088, %broadcast_in_dim3A_1193], %gather3A_1194 masked %ge3A_1072 : memref<256x64xf32, #tpu.memory_space<vmem>>[vector<16xi32>, vector<16xi32>], vector<16xf32>, vector<16xi1>
          %broadcast_in_dim3A_1195 = arith.constant 36 : i32
          %broadcast_in_dim3A_1196 = vector.broadcast %broadcast_in_dim3A_1195 : i32 to vector<16xi32>
          %gather3A_1197 = tpu.vector_load_idx %arg17[%add3A_1088, %broadcast_in_dim3A_1196] masked %ge3A_1072 : memref<256x64xf32, #tpu.memory_space<vmem>>[vector<16xi32>, vector<16xi32>], vector<16xf32>, vector<16xi1>
          tpu.vector_store_idx %arg16[%add3A_1088, %broadcast_in_dim3A_1196], %gather3A_1197 masked %ge3A_1072 : memref<256x64xf32, #tpu.memory_space<vmem>>[vector<16xi32>, vector<16xi32>], vector<16xf32>, vector<16xi1>
          %broadcast_in_dim3A_1198 = arith.constant 37 : i32
          %broadcast_in_dim3A_1199 = vector.broadcast %broadcast_in_dim3A_1198 : i32 to vector<16xi32>
          %gather3A_1200 = tpu.vector_load_idx %arg17[%add3A_1088, %broadcast_in_dim3A_1199] masked %ge3A_1072 : memref<256x64xf32, #tpu.memory_space<vmem>>[vector<16xi32>, vector<16xi32>], vector<16xf32>, vector<16xi1>
          tpu.vector_store_idx %arg16[%add3A_1088, %broadcast_in_dim3A_1199], %gather3A_1200 masked %ge3A_1072 : memref<256x64xf32, #tpu.memory_space<vmem>>[vector<16xi32>, vector<16xi32>], vector<16xf32>, vector<16xi1>
          %broadcast_in_dim3A_1201 = arith.constant 38 : i32
          %broadcast_in_dim3A_1202 = vector.broadcast %broadcast_in_dim3A_1201 : i32 to vector<16xi32>
          %gather3A_1203 = tpu.vector_load_idx %arg17[%add3A_1088, %broadcast_in_dim3A_1202] masked %ge3A_1072 : memref<256x64xf32, #tpu.memory_space<vmem>>[vector<16xi32>, vector<16xi32>], vector<16xf32>, vector<16xi1>
          tpu.vector_store_idx %arg16[%add3A_1088, %broadcast_in_dim3A_1202], %gather3A_1203 masked %ge3A_1072 : memref<256x64xf32, #tpu.memory_space<vmem>>[vector<16xi32>, vector<16xi32>], vector<16xf32>, vector<16xi1>
          %broadcast_in_dim3A_1204 = arith.constant 39 : i32
          %broadcast_in_dim3A_1205 = vector.broadcast %broadcast_in_dim3A_1204 : i32 to vector<16xi32>
          %gather3A_1206 = tpu.vector_load_idx %arg17[%add3A_1088, %broadcast_in_dim3A_1205] masked %ge3A_1072 : memref<256x64xf32, #tpu.memory_space<vmem>>[vector<16xi32>, vector<16xi32>], vector<16xf32>, vector<16xi1>
          tpu.vector_store_idx %arg16[%add3A_1088, %broadcast_in_dim3A_1205], %gather3A_1206 masked %ge3A_1072 : memref<256x64xf32, #tpu.memory_space<vmem>>[vector<16xi32>, vector<16xi32>], vector<16xf32>, vector<16xi1>
          %broadcast_in_dim3A_1207 = arith.constant 40 : i32
          %broadcast_in_dim3A_1208 = vector.broadcast %broadcast_in_dim3A_1207 : i32 to vector<16xi32>
          %gather3A_1209 = tpu.vector_load_idx %arg17[%add3A_1088, %broadcast_in_dim3A_1208] masked %ge3A_1072 : memref<256x64xf32, #tpu.memory_space<vmem>>[vector<16xi32>, vector<16xi32>], vector<16xf32>, vector<16xi1>
          tpu.vector_store_idx %arg16[%add3A_1088, %broadcast_in_dim3A_1208], %gather3A_1209 masked %ge3A_1072 : memref<256x64xf32, #tpu.memory_space<vmem>>[vector<16xi32>, vector<16xi32>], vector<16xf32>, vector<16xi1>
          %broadcast_in_dim3A_1210 = arith.constant 41 : i32
          %broadcast_in_dim3A_1211 = vector.broadcast %broadcast_in_dim3A_1210 : i32 to vector<16xi32>
          %gather3A_1212 = tpu.vector_load_idx %arg17[%add3A_1088, %broadcast_in_dim3A_1211] masked %ge3A_1072 : memref<256x64xf32, #tpu.memory_space<vmem>>[vector<16xi32>, vector<16xi32>], vector<16xf32>, vector<16xi1>
          tpu.vector_store_idx %arg16[%add3A_1088, %broadcast_in_dim3A_1211], %gather3A_1212 masked %ge3A_1072 : memref<256x64xf32, #tpu.memory_space<vmem>>[vector<16xi32>, vector<16xi32>], vector<16xf32>, vector<16xi1>
          %broadcast_in_dim3A_1213 = arith.constant 42 : i32
          %broadcast_in_dim3A_1214 = vector.broadcast %broadcast_in_dim3A_1213 : i32 to vector<16xi32>
          %gather3A_1215 = tpu.vector_load_idx %arg17[%add3A_1088, %broadcast_in_dim3A_1214] masked %ge3A_1072 : memref<256x64xf32, #tpu.memory_space<vmem>>[vector<16xi32>, vector<16xi32>], vector<16xf32>, vector<16xi1>
          tpu.vector_store_idx %arg16[%add3A_1088, %broadcast_in_dim3A_1214], %gather3A_1215 masked %ge3A_1072 : memref<256x64xf32, #tpu.memory_space<vmem>>[vector<16xi32>, vector<16xi32>], vector<16xf32>, vector<16xi1>
          %broadcast_in_dim3A_1216 = arith.constant 43 : i32
          %broadcast_in_dim3A_1217 = vector.broadcast %broadcast_in_dim3A_1216 : i32 to vector<16xi32>
          %gather3A_1218 = tpu.vector_load_idx %arg17[%add3A_1088, %broadcast_in_dim3A_1217] masked %ge3A_1072 : memref<256x64xf32, #tpu.memory_space<vmem>>[vector<16xi32>, vector<16xi32>], vector<16xf32>, vector<16xi1>
          tpu.vector_store_idx %arg16[%add3A_1088, %broadcast_in_dim3A_1217], %gather3A_1218 masked %ge3A_1072 : memref<256x64xf32, #tpu.memory_space<vmem>>[vector<16xi32>, vector<16xi32>], vector<16xf32>, vector<16xi1>
          %broadcast_in_dim3A_1219 = arith.constant 44 : i32
          %broadcast_in_dim3A_1220 = vector.broadcast %broadcast_in_dim3A_1219 : i32 to vector<16xi32>
          %gather3A_1221 = tpu.vector_load_idx %arg17[%add3A_1088, %broadcast_in_dim3A_1220] masked %ge3A_1072 : memref<256x64xf32, #tpu.memory_space<vmem>>[vector<16xi32>, vector<16xi32>], vector<16xf32>, vector<16xi1>
          tpu.vector_store_idx %arg16[%add3A_1088, %broadcast_in_dim3A_1220], %gather3A_1221 masked %ge3A_1072 : memref<256x64xf32, #tpu.memory_space<vmem>>[vector<16xi32>, vector<16xi32>], vector<16xf32>, vector<16xi1>
          %broadcast_in_dim3A_1222 = arith.constant 45 : i32
          %broadcast_in_dim3A_1223 = vector.broadcast %broadcast_in_dim3A_1222 : i32 to vector<16xi32>
          %gather3A_1224 = tpu.vector_load_idx %arg17[%add3A_1088, %broadcast_in_dim3A_1223] masked %ge3A_1072 : memref<256x64xf32, #tpu.memory_space<vmem>>[vector<16xi32>, vector<16xi32>], vector<16xf32>, vector<16xi1>
          tpu.vector_store_idx %arg16[%add3A_1088, %broadcast_in_dim3A_1223], %gather3A_1224 masked %ge3A_1072 : memref<256x64xf32, #tpu.memory_space<vmem>>[vector<16xi32>, vector<16xi32>], vector<16xf32>, vector<16xi1>
          %broadcast_in_dim3A_1225 = arith.constant 46 : i32
          %broadcast_in_dim3A_1226 = vector.broadcast %broadcast_in_dim3A_1225 : i32 to vector<16xi32>
          %gather3A_1227 = tpu.vector_load_idx %arg17[%add3A_1088, %broadcast_in_dim3A_1226] masked %ge3A_1072 : memref<256x64xf32, #tpu.memory_space<vmem>>[vector<16xi32>, vector<16xi32>], vector<16xf32>, vector<16xi1>
          tpu.vector_store_idx %arg16[%add3A_1088, %broadcast_in_dim3A_1226], %gather3A_1227 masked %ge3A_1072 : memref<256x64xf32, #tpu.memory_space<vmem>>[vector<16xi32>, vector<16xi32>], vector<16xf32>, vector<16xi1>
          %broadcast_in_dim3A_1228 = arith.constant 47 : i32
          %broadcast_in_dim3A_1229 = vector.broadcast %broadcast_in_dim3A_1228 : i32 to vector<16xi32>
          %gather3A_1230 = tpu.vector_load_idx %arg17[%add3A_1088, %broadcast_in_dim3A_1229] masked %ge3A_1072 : memref<256x64xf32, #tpu.memory_space<vmem>>[vector<16xi32>, vector<16xi32>], vector<16xf32>, vector<16xi1>
          tpu.vector_store_idx %arg16[%add3A_1088, %broadcast_in_dim3A_1229], %gather3A_1230 masked %ge3A_1072 : memref<256x64xf32, #tpu.memory_space<vmem>>[vector<16xi32>, vector<16xi32>], vector<16xf32>, vector<16xi1>
          %broadcast_in_dim3A_1231 = arith.constant 48 : i32
          %broadcast_in_dim3A_1232 = vector.broadcast %broadcast_in_dim3A_1231 : i32 to vector<16xi32>
          %gather3A_1233 = tpu.vector_load_idx %arg17[%add3A_1088, %broadcast_in_dim3A_1232] masked %ge3A_1072 : memref<256x64xf32, #tpu.memory_space<vmem>>[vector<16xi32>, vector<16xi32>], vector<16xf32>, vector<16xi1>
          tpu.vector_store_idx %arg16[%add3A_1088, %broadcast_in_dim3A_1232], %gather3A_1233 masked %ge3A_1072 : memref<256x64xf32, #tpu.memory_space<vmem>>[vector<16xi32>, vector<16xi32>], vector<16xf32>, vector<16xi1>
          %broadcast_in_dim3A_1234 = arith.constant 49 : i32
          %broadcast_in_dim3A_1235 = vector.broadcast %broadcast_in_dim3A_1234 : i32 to vector<16xi32>
          %gather3A_1236 = tpu.vector_load_idx %arg17[%add3A_1088, %broadcast_in_dim3A_1235] masked %ge3A_1072 : memref<256x64xf32, #tpu.memory_space<vmem>>[vector<16xi32>, vector<16xi32>], vector<16xf32>, vector<16xi1>
          tpu.vector_store_idx %arg16[%add3A_1088, %broadcast_in_dim3A_1235], %gather3A_1236 masked %ge3A_1072 : memref<256x64xf32, #tpu.memory_space<vmem>>[vector<16xi32>, vector<16xi32>], vector<16xf32>, vector<16xi1>
          %broadcast_in_dim3A_1237 = arith.constant 50 : i32
          %broadcast_in_dim3A_1238 = vector.broadcast %broadcast_in_dim3A_1237 : i32 to vector<16xi32>
          %gather3A_1239 = tpu.vector_load_idx %arg17[%add3A_1088, %broadcast_in_dim3A_1238] masked %ge3A_1072 : memref<256x64xf32, #tpu.memory_space<vmem>>[vector<16xi32>, vector<16xi32>], vector<16xf32>, vector<16xi1>
          tpu.vector_store_idx %arg16[%add3A_1088, %broadcast_in_dim3A_1238], %gather3A_1239 masked %ge3A_1072 : memref<256x64xf32, #tpu.memory_space<vmem>>[vector<16xi32>, vector<16xi32>], vector<16xf32>, vector<16xi1>
          %broadcast_in_dim3A_1240 = arith.constant 51 : i32
          %broadcast_in_dim3A_1241 = vector.broadcast %broadcast_in_dim3A_1240 : i32 to vector<16xi32>
          %gather3A_1242 = tpu.vector_load_idx %arg17[%add3A_1088, %broadcast_in_dim3A_1241] masked %ge3A_1072 : memref<256x64xf32, #tpu.memory_space<vmem>>[vector<16xi32>, vector<16xi32>], vector<16xf32>, vector<16xi1>
          tpu.vector_store_idx %arg16[%add3A_1088, %broadcast_in_dim3A_1241], %gather3A_1242 masked %ge3A_1072 : memref<256x64xf32, #tpu.memory_space<vmem>>[vector<16xi32>, vector<16xi32>], vector<16xf32>, vector<16xi1>
          %broadcast_in_dim3A_1243 = arith.constant 52 : i32
          %broadcast_in_dim3A_1244 = vector.broadcast %broadcast_in_dim3A_1243 : i32 to vector<16xi32>
          %gather3A_1245 = tpu.vector_load_idx %arg17[%add3A_1088, %broadcast_in_dim3A_1244] masked %ge3A_1072 : memref<256x64xf32, #tpu.memory_space<vmem>>[vector<16xi32>, vector<16xi32>], vector<16xf32>, vector<16xi1>
          tpu.vector_store_idx %arg16[%add3A_1088, %broadcast_in_dim3A_1244], %gather3A_1245 masked %ge3A_1072 : memref<256x64xf32, #tpu.memory_space<vmem>>[vector<16xi32>, vector<16xi32>], vector<16xf32>, vector<16xi1>
          %broadcast_in_dim3A_1246 = arith.constant 53 : i32
          %broadcast_in_dim3A_1247 = vector.broadcast %broadcast_in_dim3A_1246 : i32 to vector<16xi32>
          %gather3A_1248 = tpu.vector_load_idx %arg17[%add3A_1088, %broadcast_in_dim3A_1247] masked %ge3A_1072 : memref<256x64xf32, #tpu.memory_space<vmem>>[vector<16xi32>, vector<16xi32>], vector<16xf32>, vector<16xi1>
          tpu.vector_store_idx %arg16[%add3A_1088, %broadcast_in_dim3A_1247], %gather3A_1248 masked %ge3A_1072 : memref<256x64xf32, #tpu.memory_space<vmem>>[vector<16xi32>, vector<16xi32>], vector<16xf32>, vector<16xi1>
          %broadcast_in_dim3A_1249 = arith.constant 54 : i32
          %broadcast_in_dim3A_1250 = vector.broadcast %broadcast_in_dim3A_1249 : i32 to vector<16xi32>
          %gather3A_1251 = tpu.vector_load_idx %arg17[%add3A_1088, %broadcast_in_dim3A_1250] masked %ge3A_1072 : memref<256x64xf32, #tpu.memory_space<vmem>>[vector<16xi32>, vector<16xi32>], vector<16xf32>, vector<16xi1>
          tpu.vector_store_idx %arg16[%add3A_1088, %broadcast_in_dim3A_1250], %gather3A_1251 masked %ge3A_1072 : memref<256x64xf32, #tpu.memory_space<vmem>>[vector<16xi32>, vector<16xi32>], vector<16xf32>, vector<16xi1>
          %broadcast_in_dim3A_1252 = arith.constant 55 : i32
          %broadcast_in_dim3A_1253 = vector.broadcast %broadcast_in_dim3A_1252 : i32 to vector<16xi32>
          %gather3A_1254 = tpu.vector_load_idx %arg17[%add3A_1088, %broadcast_in_dim3A_1253] masked %ge3A_1072 : memref<256x64xf32, #tpu.memory_space<vmem>>[vector<16xi32>, vector<16xi32>], vector<16xf32>, vector<16xi1>
          tpu.vector_store_idx %arg16[%add3A_1088, %broadcast_in_dim3A_1253], %gather3A_1254 masked %ge3A_1072 : memref<256x64xf32, #tpu.memory_space<vmem>>[vector<16xi32>, vector<16xi32>], vector<16xf32>, vector<16xi1>
          %broadcast_in_dim3A_1255 = arith.constant 56 : i32
          %broadcast_in_dim3A_1256 = vector.broadcast %broadcast_in_dim3A_1255 : i32 to vector<16xi32>
          %gather3A_1257 = tpu.vector_load_idx %arg17[%add3A_1088, %broadcast_in_dim3A_1256] masked %ge3A_1072 : memref<256x64xf32, #tpu.memory_space<vmem>>[vector<16xi32>, vector<16xi32>], vector<16xf32>, vector<16xi1>
          tpu.vector_store_idx %arg16[%add3A_1088, %broadcast_in_dim3A_1256], %gather3A_1257 masked %ge3A_1072 : memref<256x64xf32, #tpu.memory_space<vmem>>[vector<16xi32>, vector<16xi32>], vector<16xf32>, vector<16xi1>
          %broadcast_in_dim3A_1258 = arith.constant 57 : i32
          %broadcast_in_dim3A_1259 = vector.broadcast %broadcast_in_dim3A_1258 : i32 to vector<16xi32>
          %gather3A_1260 = tpu.vector_load_idx %arg17[%add3A_1088, %broadcast_in_dim3A_1259] masked %ge3A_1072 : memref<256x64xf32, #tpu.memory_space<vmem>>[vector<16xi32>, vector<16xi32>], vector<16xf32>, vector<16xi1>
          tpu.vector_store_idx %arg16[%add3A_1088, %broadcast_in_dim3A_1259], %gather3A_1260 masked %ge3A_1072 : memref<256x64xf32, #tpu.memory_space<vmem>>[vector<16xi32>, vector<16xi32>], vector<16xf32>, vector<16xi1>
          %broadcast_in_dim3A_1261 = arith.constant 58 : i32
          %broadcast_in_dim3A_1262 = vector.broadcast %broadcast_in_dim3A_1261 : i32 to vector<16xi32>
          %gather3A_1263 = tpu.vector_load_idx %arg17[%add3A_1088, %broadcast_in_dim3A_1262] masked %ge3A_1072 : memref<256x64xf32, #tpu.memory_space<vmem>>[vector<16xi32>, vector<16xi32>], vector<16xf32>, vector<16xi1>
          tpu.vector_store_idx %arg16[%add3A_1088, %broadcast_in_dim3A_1262], %gather3A_1263 masked %ge3A_1072 : memref<256x64xf32, #tpu.memory_space<vmem>>[vector<16xi32>, vector<16xi32>], vector<16xf32>, vector<16xi1>
          %broadcast_in_dim3A_1264 = arith.constant 59 : i32
          %broadcast_in_dim3A_1265 = vector.broadcast %broadcast_in_dim3A_1264 : i32 to vector<16xi32>
          %gather3A_1266 = tpu.vector_load_idx %arg17[%add3A_1088, %broadcast_in_dim3A_1265] masked %ge3A_1072 : memref<256x64xf32, #tpu.memory_space<vmem>>[vector<16xi32>, vector<16xi32>], vector<16xf32>, vector<16xi1>
          tpu.vector_store_idx %arg16[%add3A_1088, %broadcast_in_dim3A_1265], %gather3A_1266 masked %ge3A_1072 : memref<256x64xf32, #tpu.memory_space<vmem>>[vector<16xi32>, vector<16xi32>], vector<16xf32>, vector<16xi1>
          %broadcast_in_dim3A_1267 = arith.constant 60 : i32
          %broadcast_in_dim3A_1268 = vector.broadcast %broadcast_in_dim3A_1267 : i32 to vector<16xi32>
          %gather3A_1269 = tpu.vector_load_idx %arg17[%add3A_1088, %broadcast_in_dim3A_1268] masked %ge3A_1072 : memref<256x64xf32, #tpu.memory_space<vmem>>[vector<16xi32>, vector<16xi32>], vector<16xf32>, vector<16xi1>
          tpu.vector_store_idx %arg16[%add3A_1088, %broadcast_in_dim3A_1268], %gather3A_1269 masked %ge3A_1072 : memref<256x64xf32, #tpu.memory_space<vmem>>[vector<16xi32>, vector<16xi32>], vector<16xf32>, vector<16xi1>
          %broadcast_in_dim3A_1270 = arith.constant 61 : i32
          %broadcast_in_dim3A_1271 = vector.broadcast %broadcast_in_dim3A_1270 : i32 to vector<16xi32>
          %gather3A_1272 = tpu.vector_load_idx %arg17[%add3A_1088, %broadcast_in_dim3A_1271] masked %ge3A_1072 : memref<256x64xf32, #tpu.memory_space<vmem>>[vector<16xi32>, vector<16xi32>], vector<16xf32>, vector<16xi1>
          tpu.vector_store_idx %arg16[%add3A_1088, %broadcast_in_dim3A_1271], %gather3A_1272 masked %ge3A_1072 : memref<256x64xf32, #tpu.memory_space<vmem>>[vector<16xi32>, vector<16xi32>], vector<16xf32>, vector<16xi1>
          %broadcast_in_dim3A_1273 = arith.constant 62 : i32
          %broadcast_in_dim3A_1274 = vector.broadcast %broadcast_in_dim3A_1273 : i32 to vector<16xi32>
          %gather3A_1275 = tpu.vector_load_idx %arg17[%add3A_1088, %broadcast_in_dim3A_1274] masked %ge3A_1072 : memref<256x64xf32, #tpu.memory_space<vmem>>[vector<16xi32>, vector<16xi32>], vector<16xf32>, vector<16xi1>
          tpu.vector_store_idx %arg16[%add3A_1088, %broadcast_in_dim3A_1274], %gather3A_1275 masked %ge3A_1072 : memref<256x64xf32, #tpu.memory_space<vmem>>[vector<16xi32>, vector<16xi32>], vector<16xf32>, vector<16xi1>
          %broadcast_in_dim3A_1276 = arith.constant 63 : i32
          %broadcast_in_dim3A_1277 = vector.broadcast %broadcast_in_dim3A_1276 : i32 to vector<16xi32>
          %gather3A_1278 = tpu.vector_load_idx %arg17[%add3A_1088, %broadcast_in_dim3A_1277] masked %ge3A_1072 : memref<256x64xf32, #tpu.memory_space<vmem>>[vector<16xi32>, vector<16xi32>], vector<16xf32>, vector<16xi1>
          tpu.vector_store_idx %arg16[%add3A_1088, %broadcast_in_dim3A_1277], %gather3A_1278 masked %ge3A_1072 : memref<256x64xf32, #tpu.memory_space<vmem>>[vector<16xi32>, vector<16xi32>], vector<16xf32>, vector<16xi1>
        } else {
        }
      }
      %scan3A_1060 = arith.constant 16 : i32
      %dma_start3A_1061 = arith.constant 0 : i32
      %dma_start3A_1062 = tpu.memref_slice %arg5[%add3A_548, %dma_start3A_1061] : memref<819200x64xf32, #tpu.memory_space<hbm>> -> memref<256x64xf32, #tpu.memory_space<hbm>>
      %dma_start3A_1063 = arith.constant 0 : i32
      %dma_start3A_1064 = tpu.memref_slice %arg5[%add3A_548, %dma_start3A_1063] : memref<819200x64xf32, #tpu.memory_space<hbm>> -> memref<256x64xf32, #tpu.memory_space<hbm>>
      tpu.enqueue_dma source(%arg16 : memref<256x64xf32, #tpu.memory_space<vmem>>) target(%dma_start3A_1064 : memref<256x64xf32, #tpu.memory_space<hbm>>) target_semaphore(%arg19 : memref<!tpu.dma_semaphore, #tpu.memory_space<semaphore_mem>>)
    }
    %scan3A_8 = arith.constant 50 : i32
    %add3A_9 = arith.constant 25088 : i32
    %add3A_10 = arith.addi %mul3A_2, %add3A_9 : i32
    %add3A_11 = arith.constant 25344 : i32
    %add3A_12 = arith.addi %mul3A_2, %add3A_11 : i32
    %dma_wait3A = arith.constant 0 : i32
    %dma_wait3A_13 = tpu.memref_slice %arg5[%add3A_10, %dma_wait3A] : memref<819200x64xf32, #tpu.memory_space<hbm>> -> memref<256x64xf32, #tpu.memory_space<hbm>>
    %dma_wait3A_14 = arith.constant 0 : i32
    %dma_wait3A_15 = tpu.memref_slice %arg5[%add3A_10, %dma_wait3A_14] : memref<819200x64xf32, #tpu.memory_space<hbm>> -> memref<256x64xf32, #tpu.memory_space<hbm>>
    tpu.wait_dma2 semaphore(%arg12 : memref<!tpu.dma_semaphore, #tpu.memory_space<semaphore_mem>>) src(%arg9 : memref<256x64xf32, #tpu.memory_space<vmem>>) dst(%dma_wait3A_15 : memref<256x64xf32, #tpu.memory_space<hbm>>)
    %dma_wait3A_16 = arith.constant 0 : i32
    %dma_wait3A_17 = tpu.memref_slice %arg5[%add3A_12, %dma_wait3A_16] : memref<819200x64xf32, #tpu.memory_space<hbm>> -> memref<256x64xf32, #tpu.memory_space<hbm>>
    %dma_wait3A_18 = arith.constant 0 : i32
    %dma_wait3A_19 = tpu.memref_slice %arg5[%add3A_12, %dma_wait3A_18] : memref<819200x64xf32, #tpu.memory_space<hbm>> -> memref<256x64xf32, #tpu.memory_space<hbm>>
    tpu.wait_dma2 semaphore(%arg19 : memref<!tpu.dma_semaphore, #tpu.memory_space<semaphore_mem>>) src(%arg16 : memref<256x64xf32, #tpu.memory_space<vmem>>) dst(%dma_wait3A_19 : memref<256x64xf32, #tpu.memory_space<hbm>>)
    return
  }
}

</mosaic_0001>

<sc_bundles>
// kernel: _gather_concat.3.cloned.1.call-start
scs
__scs_entry_jumppad:
0x0: {  	(pc) =	sbr.rel $0x88, $3  }
0x1: {  	(tag) =	ssettag $0x0;
	lr =	simm.s32 $0x1  }
0x2: {  	[smem:$0x3F9E] =	sst lr;
	_ =	strace $0xD0000000  }
0x3: {  	_ = 	snop  }
0x4: {  	_ = 	snop  }
0x5: {  	_ = 	snop  }
0x6: {  	_ = 	snop  }
0x7: {  	_ = 	snop  }
__scs_overlays_trampoline_lowered:
0x8: {  	[smem:$0x3FAD] =	sst s0  }
0x9: {  	[smem:$0x3FAE] =	sst s1  }
0xa: {  	[smem:$0x3FAF] =	sst s2  }
0xb: {  	[smem:$0x3FB0] =	sst s3  }
0xc: {  	[smem:$0x3FB1] =	sst s4  }
0xd: {  	[smem:$0x3FB2] =	sst s5  }
0xe: {  	[smem:$0x3FB3] =	sst s6  }
0xf: {  	[smem:$0x3FB4] =	sst s7  }
0x10: {  	[smem:$0x3FB5] =	sst s8  }
0x11: {  	[smem:$0x3FB6] =	sst s9;
	s0 =	simm.s32 @!p0 $0x0  }
0x12: {  	s1 =	sld [smem:$0x3F9C];
	s0 =	simm.s32 @p0 $0x1  }
0x13: {  	[smem:$0x3FB7] =	sst s0;
	s0 =	simm.s32 @!p1 $0x0  }
0x14: {  	s2 =	sld [smem:$0x3F9B];
	s0 =	simm.s32 @p1 $0x1  }
0x15: {  	[smem:$0x3FB8] =	sst s0;
	s0 =	simm.s32 @!p2 $0x0  }
0x16: {  	s3 =	sld [smem:$0x3FDB];
	s0 =	simm.s32 @p2 $0x1  }
0x17: {  	s4 =	simm.s32 $0x1BF5;
	[smem:$0x3FBA] =	sst s0  }
0x18: {  	s0 =	sld [smem:$0x3F9D];
	_ =	swait.ge [sflag:s4], $0x0  }
0x19: {  	s7 =	sld [smem:$0x3F9E]  }
0x1a: {  	s8 =	sadd.s32 $0xFFFFE003, lr  }
0x1b: {  	s9 =	sadd.s32 $0xFFFFFEF7, lr;
	s5 =	simm.s32 $0xFFFFFFFF;
	p2 =	slt.u32 s8, $0xFFFFF086  }
0x1c: {  	p1 =	slt.u32 s9, $0xF7A;
	s5 =	simm.s32 @!p2 $0x0  }
0x1d: {  	s5 =	simm.s32 @p1 $0x1;
	p0 =	seq.s32 s7, s2  }
0x1e: {  	s7 =	smul.u32 @!p0 $0xF7A, s2;
	p2 =	seq.s32 @!p0 s5, $0x0  }
0x1f: {  	s9 =	smul.u32 $0xF7A, s1;
	s8 =	simm.s32 @!p0 $0x1BF5;
	p2 =	por !p2, p0  }
0x20: {  	[sflag:s8] =	ssyncset.s32 @!p0 $0xFFFFF086;
	s6 =	sadd.s32 @!p0 s3, s7;
	s7 =	simm.s32 @!p0 $0x108  }
0x21: {  	s3 =	sadd.s32 s3, s9;
	s6 =	sadd.s32 @!p0 $0x88, s6;
	s7 =	simm.s32 @p2 $0x1082  }
0x22: {  	[simem:s7], [sflag:s8] =	dma.local @!p0 [hbm:s6], $0xF7A  }
0x23: {  	s9 =	sor.u32 $0xD0000000, s2;
	s6 =	simm.s32 $0x108;
	_ =	swait.ge @!p0 [sflag:s8], $0x0  }
0x24: {  	s3 =	sadd.s32 $0x88, s3;
	s6 =	simm.s32 @!p1 $0x1082;
	[sflag:s4] =	ssyncset.s32 $0xFFFFF086  }
0x25: {  	[simem:s6], [sflag:s4] =	dma.local [hbm:s3], $0xF7A  }
0x26: {  	[smem:$0x3F9E] =	sst s1;
	(tag) =	ssettag s2;
	_ =	strace s9  }
0x27: {  	s1 =	sld [smem:$0x3FAE]  }
0x28: {  	s2 =	sld [smem:$0x3FAF]  }
0x29: {  	s4 =	sld [smem:$0x3FB1]  }
0x2a: {  	p0 =	seq.s32 s5, $0x0;
	s5 =	sld [smem:$0x3FB2]  }
0x2b: {  	s6 =	sld [smem:$0x3FB3]  }
0x2c: {  	s7 =	sld [smem:$0x3FB4]  }
0x2d: {  	s3 =	simm.s32 $0x108;
	s8 =	sld [smem:$0x3FB5]  }
0x2e: {  	s3 =	simm.s32 @!p0 $0x1082;
	s9 =	sld [smem:$0x3FB6]  }
0x2f: {  	lr =	sadd.s32 s0, s3;
	s0 =	sld [smem:$0x3FAD]  }
0x30: {  	s3 =	sld [smem:$0x3FB0]  }
0x31: {  	[smem:$0x3FB9] =	sst s10  }
0x32: {  	s10 =	sld [smem:$0x3FB7];
	_ =	sdelay $0x3  }
0x33: {  	p0 =	seq.s32 s10, $0x1;
	s10 =	sld [smem:$0x3FB9];
	_ =	sdelay $0x3  }
0x34: {  	[smem:$0x3FB9] =	sst s10  }
0x35: {  	s10 =	sld [smem:$0x3FB8];
	_ =	sdelay $0x3  }
0x36: {  	p1 =	seq.s32 s10, $0x1;
	s10 =	sld [smem:$0x3FB9];
	_ =	sdelay $0x3  }
0x37: {  	[smem:$0x3FB9] =	sst s10  }
0x38: {  	s10 =	sld [smem:$0x3FBA]  }
0x39: {  	_ = 	snop;
	(pc) =	sbr.ind lr, $3  }
0x3a: {  	_ = 	snop  }
0x3b: {  	_ = 	snop  }
0x3c: {  	p2 =	seq.s32 s10, $0x1;
	s10 =	sld [smem:$0x3FB9]  }
0x3d: {  	_ =	shalt  }
0x3e: {  	_ =	shalt  }
0x3f: {  	_ =	shalt  }
0x40: {  	_ =	shalt  }
0x41: {  	_ =	shalt  }
0x42: {  	_ =	shalt  }
0x43: {  	_ =	shalt  }
0x44: {  	_ =	shalt  }
0x45: {  	_ =	shalt  }
0x46: {  	_ =	shalt  }
0x47: {  	_ =	shalt  }
0x48: {  	_ =	shalt  }
0x49: {  	_ =	shalt  }
0x4a: {  	_ =	shalt  }
0x4b: {  	_ =	shalt  }
0x4c: {  	_ =	shalt  }
0x4d: {  	_ =	shalt  }
0x4e: {  	_ =	shalt  }
0x4f: {  	_ =	shalt  }
0x50: {  	_ =	shalt  }
0x51: {  	_ =	shalt  }
0x52: {  	_ =	shalt  }
0x53: {  	_ =	shalt  }
0x54: {  	_ =	shalt  }
0x55: {  	_ =	shalt  }
0x56: {  	_ =	shalt  }
0x57: {  	_ =	shalt  }
0x58: {  	_ =	shalt  }
0x59: {  	_ =	shalt  }
0x5a: {  	_ =	shalt  }
0x5b: {  	_ =	shalt  }
0x5c: {  	_ =	shalt  }
0x5d: {  	_ =	shalt  }
0x5e: {  	_ =	shalt  }
0x5f: {  	_ =	shalt  }
0x60: {  	_ =	shalt  }
0x61: {  	_ =	shalt  }
0x62: {  	_ =	shalt  }
0x63: {  	_ =	shalt  }
0x64: {  	_ =	shalt  }
0x65: {  	_ =	shalt  }
0x66: {  	_ =	shalt  }
0x67: {  	_ =	shalt  }
0x68: {  	_ =	shalt  }
0x69: {  	_ =	shalt  }
0x6a: {  	_ =	shalt  }
0x6b: {  	_ =	shalt  }
0x6c: {  	_ =	shalt  }
0x6d: {  	_ =	shalt  }
0x6e: {  	_ =	shalt  }
0x6f: {  	_ =	shalt  }
0x70: {  	_ =	shalt  }
0x71: {  	_ =	shalt  }
0x72: {  	_ =	shalt  }
0x73: {  	_ =	shalt  }
0x74: {  	_ =	shalt  }
0x75: {  	_ =	shalt  }
0x76: {  	_ =	shalt  }
0x77: {  	_ =	shalt  }
0x78: {  	_ =	shalt  }
0x79: {  	_ =	shalt  }
0x7a: {  	_ =	shalt  }
0x7b: {  	_ =	shalt  }
0x7c: {  	_ =	shalt  }
0x7d: {  	_ =	shalt  }
0x7e: {  	_ =	shalt  }
0x7f: {  	_ =	shalt  }
0x80: {  	_ =	shalt  }
0x81: {  	_ =	shalt  }
0x82: {  	_ =	shalt  }
0x83: {  	_ =	shalt  }
0x84: {  	_ =	shalt  }
0x85: {  	_ =	shalt  }
0x86: {  	_ =	shalt  }
0x87: {  	_ =	shalt  }
.Lfunc_end0:
.L_simem_size_0:
called_computation.1_lowered:
.L_overlay_start_0:
0x88: {  	s2 =	sld [smem:$0x3FD9]  }
0x89: {  	s3 =	sld [smem:$0x3FFE];
	_ =	sdelay $0x1  }
0x8a: {  	s1 =	srdreg.scid  }
0x8b: {  	s0 =	sand.u32 $0x1, s1  }
0x8c: {  	s17 =	sshll.u32 s0, $0xA;
	s2 =	sadd.s32 s3, s2  }
0x8d: {  	s2 =	sadd.s32 s2, s17  }
0x8e: {  	[smem:$0x3FC5] =	sst s2  }
0x8f: {  	_ = 	snop  }
0x90: {  	s2 =	sld [smem:$0x3FC9]  }
0x91: {  	s18 =	sld [smem:$0x3FD0];
	(tm) =	ssettm $0x1  }
0x92: {  	s4 =	sld [smem:$0x3FFB];
	_ =	sdelay $0x3  }
0x93: {  	_ =	strace s4  }
0x94: {  	s4 =	sld [smem:$0x3FFC];
	_ =	sdelay $0x3  }
0x95: {  	_ =	strace s4  }
0x96: {  	s4 =	sld [smem:$0x3FFD];
	_ =	sdelay $0x3  }
0x97: {  	_ =	strace s4  }
0x98: {  	_ =	strace $0x8FFFFFFF  }
0x99: {  	s19 =	sld [smem:$0x3FDB];
	_ =	sdelay $0x1  }
0x9a: {  	s5 =	simm.s32 $_scs_section_size  }
0x9b: {  	s6 =	simm.s32 $_size__tile_overlayer_lowered;
	s7 =	simm.s32 $_tile_overlayer_lowered  }
0x9c: {  	s22 =	simm.s32 $0x1BFF;
	s21 =	sshll.u32 s7, $0x1;
	s4 =	sadd.s32 s5, s19  }
0x9d: {  	s8 =	simm.s32 $0x0;
	s20 =	sshll.u32 s6, $0x1;
	s6 =	sadd.s32 s21, s4  }
0x9e: {  	[timem:s8], [sflag:s22] =	dma.local [hbm:s6], s20  }
0x9f: {  	_ =	swait.ge [sflag:s22], s20  }
0xa0: {  	s5 =	ssub.s32 $0x0, s20;
	[sflag:s22] =	ssyncset.done $0x0  }
0xa1: {  	[sflag:s22] =	ssyncadd.s32 s5;
	_ =	sdelay $0x1  }
0xa2: {  	s23 =	simm.s32 $0x1B8B  }
0xa3: {  	_ =	swait.ge [sflag:s23], $0x1  }
0xa4: {  	[sflag:s23] =	ssyncset.done $0x0  }
0xa5: {  	s25 =	simm.s32 $0x1B8E;
	s24 =	sld [smem:$0x3FFE];
	[sflag:s23] =	ssyncadd.s32 $0xFFFFFFFF  }
0xa6: {  	s26 =	simm.s32 $execute0_lowered;
	[smem:$0x3FD2] =	sst s25  }
0xa7: {  	s6 =	sshll.u32 s26, $0x1;
	_ =	strace $0x80000046;
	[dreg:$0x1] =	wrdreg $0xFFFFFFFF  }
0xa8: {  	s28 =	simm.s32 $_size_execute0_lowered;
	s4 =	sadd.s32 s4, s6;
	[dreg:$0x0] =	wrdreg $0x0  }
0xa9: {  	s6 =	sshll.u32 s28, $0x1;
	[dreg:$0x2] =	wrdreg s4  }
0xaa: {  	[dreg:$0x3] =	wrdreg s6  }
0xab: {  	[dreg:$0x4] =	wrdreg $0xC0  }
0xac: {  	_ =	task [dreg:s8], $0x5FFFF  }
0xad: {  	[dreg:$0x1] =	wrdreg $0xFFFFFFFF  }
0xae: {  	[dreg:$0x0] =	wrdreg $0x60  }
0xaf: {  	[dreg:$0x2] =	wrdreg s2  }
0xb0: {  	[dreg:$0x3] =	wrdreg s24  }
0xb1: {  	[dreg:$0x4] =	wrdreg s18  }
0xb2: {  	[dreg:$0x5] =	wrdreg $0x9  }
0xb3: {  	_ =	task.clear_ibuf [dreg:s8], $0x6FFFF;
	_ =	strace $0x90000046  }
0xb4: {  	s29 =	simm.s32 $0x9;
	_ =	strace $0x80000048  }
0xb5: {  	_ =	swait.ge [sflag:s29], $0x1  }
0xb6: {  	[sflag:s29] =	ssyncadd.s32 $0xFFFFFFFF  }
0xb7: {  	_ =	strace $0x90000048  }
0xb8: {  	_ =	sfence  }
0xb9: {  	s30 =	sld [smem:$0x0];
	_ =	sdelay $0x2  }
0xba: {  	s31 =	sshll.u32 s1, $0xD;
	s1 =	sshrl.u32 s1, $0x2  }
0xbb: {  	s3 =	sand.u32 $0x4000, s31;
	s1 =	sadd.s32 s1, s30  }
0xbc: {  	s0 =	sor.u32 s3, s0;
	s1 =	sshll.u32 s1, $0x11  }
0xbd: {  	s0 =	sor.u32 s1, s0  }
0xbe: {  	s0 =	sadd.s32 $0x8F2B, s0  }
0xbf: {  	[sflag:s0] =	ssyncadd.remote.s32 $0x1  }
0xc0: {  	_ =	sfence.sel $0xFFFF  }
0xc1: {  	[dreg:$0x0] =	wrdreg $0xFFFFFFFF;
	(pc) =	sbr.abs _section_cstart, $3  }
0xc2: {  	[dreg:$0x1] =	wrdreg $0xFFFFFFFF  }
0xc3: {  	_ =	task.clear_ibuf [dreg:s8], $0x2FFFF;
	_ =	strace $0x9FFFFFFF  }
0xc4: {  	(tm) =	ssettm $0x7FFFFFFF  }
0xc5: {  	_ =	shalt  }
tec
execute0_lowered:
.L_overlay_start_1:
0x0: {  	(tag) =	ssettag $0x1  }
0x1: {  	s1 =	rddreg [dreg:$0x0]  }
0x2: {  	s0 =	rddreg [dreg:$0x1]  }
0x3: {  	s2 =	srdreg.scid;
	s4 =	stileid.u32  }
0x4: {  	s3 =	rddreg [dreg:$0x2];
	s12 =	simm.s32 $0x1;
	s13 =	simm.s32 $0x80  }
0x5: {  	s15 =	simm.s32 $0x300;
	s17 =	simm.s32 $0x4300;
	s21 =	simm.s32 $0x6300  }
0x6: {  	s22 =	simm.s32 $0x8300;
	s23 =	simm.s32 $0x5;
	s24 =	simm.s32 $0x6  }
0x7: {  	s28 =	simm.s32 $0x8600;
	s29 =	simm.s32 $0x8500;
	s30 =	simm.s32 $0xC600  }
0x8: {  	s31 =	simm.s32 $0x8480;
	s16 =	simm.s32 $0x0;
	s2 =	sand.u32 $0x1, s2  }
0x9: {  	s5 =	sshll.u32 s4, $0x1;
	s4 =	simm.s32 $0x0;
	s6 =	sadd.s32 $0xF42E00, s0  }
0xa: {  	v0 =	vlaneseq.u32;
	s7 =	sadd.s32 $0xA00, s0;
	s8 =	sor.u32 s2, s5;
	s2 =	ssub.s32 $0x2, s2  }
0xb: {  	v1 =	vor.u32 $0x10, v0;
	[smem:$0x7FF] =	sst s4;
	s5 =	smul.u32 $0x6400, s8;
	s25 =	sshrl.u32 s2, $0x1  }
.Ltmp0:
0xc: {  	v2 =	vor.u32 $0x20, v0;
	v3 =	vor.u32 $0x30, v0;
	v4 =	vor.u32 $0x40, v0;
	_ =	strace $0x80000047;
	s0 =	ssub.s32 s2, s25;
	(pc) =	sbr.rel .LBB2_1-.Ltmp0, $4  }
0xd: {  	v5 =	vor.u32 $0x50, v0;
	v6 =	vor.u32 $0x60, v0;
	v7 =	vor.u32 $0x70, v0;
	s25 =	simm.s32 $0x3;
	s2 =	simm.s32 $0xA600;
	s9 =	sshrl.u32 s5, $0x3  }
0xe: {  	v8 =	vor.u32 $0x80, v0;
	v9 =	vor.u32 $0x90, v0;
	v10 =	vor.u32 $0xA0, v0;
	s10 =	sor.u32 $0x200, s5;
	s0 =	smax.u32 s0, $0x1;
	s26 =	sadd.s32 s1, s9  }
0xf: {  	v11 =	vor.u32 $0xB0, v0;
	v12 =	vor.u32 $0xC0, v0;
	v13 =	vor.u32 $0xD0, v0;
	s9 =	smul.u32 $0x190000, s8;
	[dreg:$0x5] =	wrdreg s0;
	s0 =	simm.s32 $0x8580  }
0x10: {  	v14 =	vor.u32 $0xE0, v0;
	v15 =	vor.u32 $0xF0, v0;
	v16 =	vmul.u32 $0x40, v0;
	s8 =	simm.s32 $0xE600;
	[dreg:$0x4] =	wrdreg s26;
	s26 =	simm.s32 $0x8400  }
.LBB2_11:
0x11: {  	s11 =	simm.s32 $0x2  }
0x12: {  	_ =	swait.ge [sflag:s11], $0x4000  }
0x13: {  	[sflag:s11] =	ssyncset.done $0x0  }
0x14: {  	s14 =	simm.s32 $0x4;
	[sflag:s11] =	ssyncadd.s32 $0xFFFFC000  }
0x15: {  	_ =	swait.ge [sflag:s14], $0x4000  }
0x16: {  	s16 =	rddreg [dreg:$0x6]  }
0x17: {  	s20 =	rddreg [dreg:$0x5];
	s16 =	sadd.s32 $0x1, s16  }
0x18: {  	p0 =	sne.s32 s16, s20  }
.Ltmp1:
0x19: {  	_ = 	snop;
	(pc) =	sbr.rel @!p0 .LBB2_12-.Ltmp1, $3  }
0x1a: {  	_ =	sdelay $0x1  }
0x1b: {  	[sflag:s14] =	ssyncset.done $0x0  }
0x1c: {  	[sflag:s14] =	ssyncadd.s32 $0xFFFFC000  }
.LBB2_1:
.Ltmp2:
0x1d: {  	(pc) =	sbr.rel .LBB2_2-.Ltmp2, $4  }
0x1e: {  	_ = 	snop  }
0x1f: {  	s11 =	rddreg [dreg:$0x4]  }
0x20: {  	[tilespmem:s4], [sflag:$0x1] =	stream.linear.gather [hbm4b:s11+s4], $0x100, $0x38;
	[tilespmem:$0x10600] =	vst v63  }
0x21: {  	[dreg:$0x6] =	wrdreg s16;
	s11 =	simm.s32 $0x0  }
.LBB2_10:
0x22: {  	s11 =	sadd.s32 $0x1, s11  }
0x23: {  	p0 =	sne.s32 s11, $0x32  }
.Ltmp3:
0x24: {  	_ = 	snop;
	(pc) =	sbr.rel @!p0 .LBB2_11-.Ltmp3, $4  }
0x25: {  	s14 =	sshll.u32 s14, $0x3  }
0x26: {  	s14 =	sand.u32 $0x1FFFF800, s14  }
0x27: {  	s14 =	sadd.s32 s3, s14  }
0x28: {  	[hbm4b:s14+s4] =	stream.linear.scatter [tilespmem:s28], [sflag:$0x4], $0x4000, $0x38;
	[tilespmem:$0x10600] =	vst v63  }
.LBB2_2:
0x29: {  	_ =	swait.ge [sflag:s12], $0x100  }
0x2a: {  	[sflag:s12] =	ssyncset.done $0x0  }
0x2b: {  	[sflag:s12] =	ssyncadd.s32 $0xFFFFFF00  }
0x2c: {  	v17 =	vld [tilespmem:$0x0];
	_ =	sdelay $0x1  }
0x2d: {  	v18 =	vld [tilespmem:$0x10];
	_ =	sdelay $0x1  }
0x2e: {  	v19 =	vld [tilespmem:$0x20]  }
0x2f: {  	v20 =	vadd.s32 $0xFFF0BDC0, v17  }
0x30: {  	v21 =	vld [tilespmem:$0x30];
	vm0 =	vgt.s32 v17, $0xF423F;
	vm1 =	vlt.s32 v20, $0xFFFF  }
0x31: {  	v22 =	vadd.s32 $0xFFF0BDC0, v18;
	v17 =	vsel vm0, $0xF423F, v17;
	v20 =	vnsel vm1, $0xFFFF, v20  }
0x32: {  	v39 =	vld [tilespmem:$0x40];
	vm10 =	vgt.s32 v18, $0xF423F;
	vm11 =	vlt.s32 v22, $0xFFFF;
	[tilespmem:$0x100] =	vst v17;
	v17 =	vsel vm0, v20, v0  }
0x33: {  	v40 =	vadd.s32 $0xFFF0BDC0, v19;
	[tilespmem:$0x200] =	vst v17;
	v17 =	vsel vm10, $0xF423F, v18;
	v18 =	vnsel vm11, $0xFFFF, v22  }
0x34: {  	vm12 =	vgt.s32 v19, $0xF423F;
	vm13 =	vlt.s32 v40, $0xFFFF;
	[tilespmem:$0x110] =	vst v17;
	v17 =	vsel vm10, v18, v1;
	v18 =	vld [tilespmem:$0x50]  }
0x35: {  	v41 =	vadd.s32 $0xFFF0BDC0, v21;
	[tilespmem:$0x210] =	vst v17;
	v17 =	vsel vm12, $0xF423F, v19;
	v19 =	vnsel vm13, $0xFFFF, v40  }
0x36: {  	vm14 =	vgt.s32 v21, $0xF423F;
	vm15 =	vlt.s32 v41, $0xFFFF;
	[tilespmem:$0x120] =	vst v17;
	v17 =	vsel vm12, v19, v2;
	v19 =	vld [tilespmem:$0x60]  }
0x37: {  	v43 =	vadd.s32 $0xFFF0BDC0, v39;
	v42 =	vnsel vm15, $0xFFFF, v41;
	[tilespmem:$0x220] =	vst v17;
	v17 =	vsel vm14, $0xF423F, v21  }
0x38: {  	v44 =	vld [tilespmem:$0x70];
	vm4 =	vgt.s32 v39, $0xF423F;
	vm5 =	vlt.s32 v43, $0xFFFF;
	[tilespmem:$0x130] =	vst v17;
	v17 =	vsel vm14, v42, v3  }
0x39: {  	v45 =	vnsel vm5, $0xFFFF, v43;
	[tilespmem:$0x230] =	vst v17;
	v17 =	vsel vm4, $0xF423F, v39;
	v46 =	vadd.s32 $0xFFF0BDC0, v18  }
0x3a: {  	v47 =	vld [tilespmem:$0x80];
	vm6 =	vgt.s32 v18, $0xF423F;
	[tilespmem:$0x140] =	vst v17;
	v17 =	vsel vm4, v45, v4;
	vm7 =	vlt.s32 v46, $0xFFFF  }
0x3b: {  	[tilespmem:$0x240] =	vst v17;
	v17 =	vsel vm6, $0xF423F, v18;
	v18 =	vnsel vm7, $0xFFFF, v46;
	v48 =	vadd.s32 $0xFFF0BDC0, v19  }
0x3c: {  	vm8 =	vgt.s32 v19, $0xF423F;
	[tilespmem:$0x150] =	vst v17;
	v17 =	vsel vm6, v18, v5;
	vm9 =	vlt.s32 v48, $0xFFFF;
	v18 =	vld [tilespmem:$0x90]  }
0x3d: {  	v49 =	vadd.s32 $0xFFF0BDC0, v44;
	[tilespmem:$0x250] =	vst v17;
	v17 =	vsel vm8, $0xF423F, v19;
	v19 =	vnsel vm9, $0xFFFF, v48  }
0x3e: {  	vm11 =	vlt.s32 v49, $0xFFFF;
	vm10 =	vgt.s32 v44, $0xF423F;
	[tilespmem:$0x160] =	vst v17;
	v17 =	vsel vm8, v19, v6;
	v19 =	vld [tilespmem:$0xA0]  }
0x3f: {  	v51 =	vadd.s32 $0xFFF0BDC0, v47;
	v50 =	vnsel vm11, $0xFFFF, v49;
	[tilespmem:$0x260] =	vst v17;
	v17 =	vsel vm10, $0xF423F, v44  }
0x40: {  	v52 =	vld [tilespmem:$0xB0];
	vm13 =	vlt.s32 v51, $0xFFFF;
	vm12 =	vgt.s32 v47, $0xF423F;
	[tilespmem:$0x170] =	vst v17;
	v17 =	vsel vm10, v50, v7  }
0x41: {  	v53 =	vnsel vm13, $0xFFFF, v51;
	[tilespmem:$0x270] =	vst v17;
	v17 =	vsel vm12, $0xF423F, v47;
	v54 =	vadd.s32 $0xFFF0BDC0, v18  }
0x42: {  	v55 =	vld [tilespmem:$0xC0];
	vm14 =	vgt.s32 v18, $0xF423F;
	[tilespmem:$0x180] =	vst v17;
	v17 =	vsel vm12, v53, v8;
	vm15 =	vlt.s32 v54, $0xFFFF  }
0x43: {  	[tilespmem:$0x280] =	vst v17;
	v17 =	vsel vm14, $0xF423F, v18;
	v18 =	vnsel vm15, $0xFFFF, v54;
	v56 =	vadd.s32 $0xFFF0BDC0, v19  }
0x44: {  	vm4 =	vgt.s32 v19, $0xF423F;
	[tilespmem:$0x190] =	vst v17;
	v17 =	vsel vm14, v18, v9;
	vm5 =	vlt.s32 v56, $0xFFFF;
	v18 =	vld [tilespmem:$0xD0]  }
0x45: {  	v57 =	vadd.s32 $0xFFF0BDC0, v52;
	[tilespmem:$0x290] =	vst v17;
	v17 =	vsel vm4, $0xF423F, v19;
	v19 =	vnsel vm5, $0xFFFF, v56  }
0x46: {  	vm7 =	vlt.s32 v57, $0xFFFF;
	vm6 =	vgt.s32 v52, $0xF423F;
	[tilespmem:$0x1A0] =	vst v17;
	v17 =	vsel vm4, v19, v10;
	v19 =	vld [tilespmem:$0xE0]  }
0x47: {  	v59 =	vadd.s32 $0xFFF0BDC0, v55;
	v58 =	vnsel vm7, $0xFFFF, v57;
	[tilespmem:$0x2A0] =	vst v17;
	v17 =	vsel vm6, $0xF423F, v52  }
0x48: {  	v60 =	vld [tilespmem:$0xF0];
	vm9 =	vlt.s32 v59, $0xFFFF;
	vm8 =	vgt.s32 v55, $0xF423F;
	[tilespmem:$0x1B0] =	vst v17;
	v17 =	vsel vm6, v58, v11  }
0x49: {  	v61 =	vnsel vm9, $0xFFFF, v59;
	[tilespmem:$0x2B0] =	vst v17;
	v17 =	vsel vm8, $0xF423F, v55;
	v62 =	vadd.s32 $0xFFF0BDC0, v18  }
0x4a: {  	vm10 =	vgt.s32 v18, $0xF423F;
	[tilespmem:$0x1C0] =	vst v17;
	v17 =	vsel vm8, v61, v12;
	vm11 =	vlt.s32 v62, $0xFFFF  }
0x4b: {  	[tilespmem:$0x2C0] =	vst v17;
	v17 =	vsel vm10, $0xF423F, v18;
	v18 =	vnsel vm11, $0xFFFF, v62;
	v63 =	vadd.s32 $0xFFF0BDC0, v19  }
0x4c: {  	vm12 =	vgt.s32 v19, $0xF423F;
	[tilespmem:$0x1D0] =	vst v17;
	v17 =	vsel vm10, v18, v13;
	vm13 =	vlt.s32 v63, $0xFFFF  }
0x4d: {  	[tilespmem:$0x2D0] =	vst v17;
	v17 =	vsel vm12, $0xF423F, v19;
	v18 =	vnsel vm13, $0xFFFF, v63;
	v19 =	vadd.s32 $0xFFF0BDC0, v60  }
0x4e: {  	vm14 =	vgt.s32 v60, $0xF423F;
	[tilespmem:$0x1E0] =	vst v17;
	v17 =	vsel vm12, v18, v14;
	vm15 =	vlt.s32 v19, $0xFFFF  }
0x4f: {  	v18 =	vsel vm14, $0xF423F, v60;
	[tilespmem:$0x2E0] =	vst v17;
	v17 =	vnsel vm15, $0xFFFF, v19  }
0x50: {  	p0 =	seq.s32 s11, $0x0;
	[tilespmem:$0x1F0] =	vst v18;
	v17 =	vsel vm14, v17, v15  }
0x51: {  	s14 =	simm.s32 @!p0 $0x2;
	[tilespmem:$0x2F0] =	vst v17  }
0x52: {  	_ =	swait.ge @!p0 [sflag:s14], $0x4000  }
0x53: {  	[sflag:s14] =	ssyncset.done @!p0 $0x0  }
0x54: {  	s18 =	simm.s32 $0x100;
	s16 =	sshll.u32 s11, $0x9;
	[sflag:s14] =	ssyncadd.s32 @!p0 $0xFFFFC000  }
0x55: {  	[tilespmem:s15], [sflag:$0x5] =	stream.indirect.gather [hbm4b:s6+s13], $0x40, s18, s13, $0xb8;
	[tilespmem:$0x10600] =	vst v63  }
0x56: {  	s19 =	simm.s32 $0x200;
	s20 =	sadd.s32 s16, s5  }
0x57: {  	[tilespmem:s17], [sflag:$0x6] =	stream.indirect.gather [hbm4b:s7+s13], $0x40, s19, s13, $0xb8;
	[tilespmem:$0x10600] =	vst v63  }
0x58: {  	s14 =	sadd.s32 $0x100, s20;
	s18 =	simm.s32 $0x180;
	s19 =	simm.s32 $0x2300  }
0x59: {  	[tilespmem:s19], [sflag:$0x5] =	stream.indirect.gather [hbm4b:s6+s13], $0x40, s18, s13, $0xb8;
	[tilespmem:$0x10600] =	vst v63  }
0x5a: {  	s20 =	simm.s32 $0x280;
	s19 =	sshrl.u32 s14, $0x3  }
0x5b: {  	[tilespmem:s21], [sflag:$0x6] =	stream.indirect.gather [hbm4b:s7+s13], $0x40, s20, s13, $0xb8;
	[tilespmem:$0x10600] =	vst v63  }
0x5c: {  	s18 =	simm.s32 $0x0;
	s20 =	sadd.s32 s1, s19  }
0x5d: {  	[tilespmem:s22], [sflag:$0x3] =	stream.linear.gather [hbm4b:s20+s18], $0x100, $0x38;
	[tilespmem:$0x10600] =	vst v63  }
0x5e: {  	_ =	swait.ge [sflag:s23], $0x2000  }
0x5f: {  	[sflag:s23] =	ssyncset.done $0x0  }
0x60: {  	[sflag:s23] =	ssyncadd.s32 $0xFFFFE000  }
0x61: {  	_ =	swait.ge [sflag:s24], $0x2000  }
0x62: {  	[sflag:s24] =	ssyncset.done $0x0  }
0x63: {  	[sflag:s24] =	ssyncadd.s32 $0xFFFFE000  }
0x64: {  	_ =	swait.ge [sflag:s23], $0x2000  }
.Ltmp4:
0x65: {  	[sflag:s23] =	ssyncset.done $0x0;
	(pc) =	sbr.rel .LBB2_3-.Ltmp4, $4  }
0x66: {  	[sflag:s23] =	ssyncadd.s32 $0xFFFFE000  }
0x67: {  	_ =	swait.ge [sflag:s24], $0x2000  }
0x68: {  	[sflag:s24] =	ssyncset.done $0x0  }
0x69: {  	s19 =	simm.s32 $0x0;
	[sflag:s24] =	ssyncadd.s32 $0xFFFFE000  }
.LBB2_5:
0x6a: {  	s19 =	sadd.s32 $0x10, s19  }
0x6b: {  	p1 =	sne.s32 s19, $0x100  }
.Ltmp5:
0x6c: {  	_ = 	snop;
	(pc) =	sbr.rel @!p1 .LBB2_6-.Ltmp5, $2  }
0x6d: {  	_ =	sdelay $0x2  }
0x6e: {  	s18 =	sadd.s32 $0x10, s18  }
.LBB2_3:
0x6f: {  	v17 =	vld [tilespmem:s18+$0x0];
	_ =	sdelay $0x4  }
0x70: {  	v18 =	vxor.u32 $0x80000000, v17  }
0x71: {  	(xrf0) =	vmax.scan.msk.u32 $0xffff, v18;
	_ =	sdelay $0x5  }
0x72: {  	v18, _, _ =	vpop (xrf0)  }
0x73: {  	(v2sf) =	vpush v18, $0xF;
	_ =	sdelay $0xe  }
0x74: {  	s20 =	spop (v2sf)  }
0x75: {  	p1 =	slt.u32 s20, $0x800F4240  }
.Ltmp6:
0x76: {  	_ = 	snop;
	(pc) =	sbr.rel @p1 .LBB2_5-.Ltmp6, $1  }
0x77: {  	_ =	sdelay $0x3  }
0x78: {  	v18 =	vmov s19  }
0x79: {  	vm0 =	vgt.s32 v17, $0xF423F;
	v17 =	vshll.u32 v18, $0x6  }
0x7a: {  	v17 =	vor.u32 v16, v17;
	_ =	sdelay $0x4  }
0x7b: {  	v18 =	vld.idx.msk [tilespmem:v17+s17+$0x0], vm0  }
0x7c: {  	v19 =	vor.u32 $0x1, v17;
	_ =	sdelay $0x3  }
0x7d: {  	[tilespmem:v17+s15+$0x0] =	vst.idx.msk vm0, v18  }
0x7e: {  	v18 =	vld.idx.msk [tilespmem:v19+s17+$0x0], vm0  }
0x7f: {  	v20 =	vor.u32 $0x2, v17;
	_ =	sdelay $0x3  }
0x80: {  	[tilespmem:v19+s15+$0x0] =	vst.idx.msk vm0, v18  }
0x81: {  	v18 =	vld.idx.msk [tilespmem:v20+s17+$0x0], vm0  }
0x82: {  	v19 =	vor.u32 $0x3, v17;
	_ =	sdelay $0x3  }
0x83: {  	[tilespmem:v20+s15+$0x0] =	vst.idx.msk vm0, v18  }
0x84: {  	v18 =	vld.idx.msk [tilespmem:v19+s17+$0x0], vm0  }
0x85: {  	v34 =	vor.u32 $0x4, v17;
	_ =	sdelay $0x3  }
0x86: {  	[tilespmem:v19+s15+$0x0] =	vst.idx.msk vm0, v18  }
0x87: {  	v18 =	vld.idx.msk [tilespmem:v34+s17+$0x0], vm0  }
0x88: {  	v19 =	vor.u32 $0x5, v17;
	_ =	sdelay $0x3  }
0x89: {  	[tilespmem:v34+s15+$0x0] =	vst.idx.msk vm0, v18  }
0x8a: {  	v18 =	vld.idx.msk [tilespmem:v19+s17+$0x0], vm0  }
0x8b: {  	v35 =	vor.u32 $0x6, v17;
	_ =	sdelay $0x3  }
0x8c: {  	[tilespmem:v19+s15+$0x0] =	vst.idx.msk vm0, v18  }
0x8d: {  	v18 =	vld.idx.msk [tilespmem:v35+s17+$0x0], vm0  }
0x8e: {  	v19 =	vor.u32 $0x7, v17;
	_ =	sdelay $0x3  }
0x8f: {  	[tilespmem:v35+s15+$0x0] =	vst.idx.msk vm0, v18  }
0x90: {  	v18 =	vld.idx.msk [tilespmem:v19+s17+$0x0], vm0  }
0x91: {  	v36 =	vor.u32 $0x8, v17;
	_ =	sdelay $0x3  }
0x92: {  	[tilespmem:v19+s15+$0x0] =	vst.idx.msk vm0, v18  }
0x93: {  	v18 =	vld.idx.msk [tilespmem:v36+s17+$0x0], vm0  }
0x94: {  	v19 =	vor.u32 $0x9, v17;
	_ =	sdelay $0x3  }
0x95: {  	[tilespmem:v36+s15+$0x0] =	vst.idx.msk vm0, v18  }
0x96: {  	v18 =	vld.idx.msk [tilespmem:v19+s17+$0x0], vm0  }
0x97: {  	v37 =	vor.u32 $0xA, v17;
	_ =	sdelay $0x3  }
0x98: {  	[tilespmem:v19+s15+$0x0] =	vst.idx.msk vm0, v18  }
0x99: {  	v18 =	vld.idx.msk [tilespmem:v37+s17+$0x0], vm0  }
0x9a: {  	v19 =	vor.u32 $0xB, v17;
	_ =	sdelay $0x3  }
0x9b: {  	[tilespmem:v37+s15+$0x0] =	vst.idx.msk vm0, v18  }
0x9c: {  	v18 =	vld.idx.msk [tilespmem:v19+s17+$0x0], vm0  }
0x9d: {  	v38 =	vor.u32 $0xC, v17;
	_ =	sdelay $0x3  }
0x9e: {  	[tilespmem:v19+s15+$0x0] =	vst.idx.msk vm0, v18  }
0x9f: {  	v18 =	vld.idx.msk [tilespmem:v38+s17+$0x0], vm0  }
0xa0: {  	v19 =	vor.u32 $0xD, v17;
	_ =	sdelay $0x3  }
0xa1: {  	[tilespmem:v38+s15+$0x0] =	vst.idx.msk vm0, v18  }
0xa2: {  	v18 =	vld.idx.msk [tilespmem:v19+s17+$0x0], vm0  }
0xa3: {  	v39 =	vor.u32 $0xE, v17;
	_ =	sdelay $0x3  }
0xa4: {  	[tilespmem:v19+s15+$0x0] =	vst.idx.msk vm0, v18  }
0xa5: {  	v18 =	vld.idx.msk [tilespmem:v39+s17+$0x0], vm0  }
0xa6: {  	v19 =	vor.u32 $0xF, v17;
	_ =	sdelay $0x3  }
0xa7: {  	[tilespmem:v39+s15+$0x0] =	vst.idx.msk vm0, v18  }
0xa8: {  	v18 =	vld.idx.msk [tilespmem:v19+s17+$0x0], vm0  }
0xa9: {  	v40 =	vor.u32 $0x10, v17;
	_ =	sdelay $0x3  }
0xaa: {  	[tilespmem:v19+s15+$0x0] =	vst.idx.msk vm0, v18  }
0xab: {  	v18 =	vld.idx.msk [tilespmem:v40+s17+$0x0], vm0  }
0xac: {  	v19 =	vor.u32 $0x11, v17;
	_ =	sdelay $0x3  }
0xad: {  	[tilespmem:v40+s15+$0x0] =	vst.idx.msk vm0, v18  }
0xae: {  	v18 =	vld.idx.msk [tilespmem:v19+s17+$0x0], vm0  }
0xaf: {  	v41 =	vor.u32 $0x12, v17;
	_ =	sdelay $0x3  }
0xb0: {  	[tilespmem:v19+s15+$0x0] =	vst.idx.msk vm0, v18  }
0xb1: {  	v18 =	vld.idx.msk [tilespmem:v41+s17+$0x0], vm0  }
0xb2: {  	v19 =	vor.u32 $0x13, v17;
	_ =	sdelay $0x3  }
0xb3: {  	[tilespmem:v41+s15+$0x0] =	vst.idx.msk vm0, v18  }
0xb4: {  	v18 =	vld.idx.msk [tilespmem:v19+s17+$0x0], vm0  }
0xb5: {  	v42 =	vor.u32 $0x14, v17;
	_ =	sdelay $0x3  }
0xb6: {  	[tilespmem:v19+s15+$0x0] =	vst.idx.msk vm0, v18  }
0xb7: {  	v18 =	vld.idx.msk [tilespmem:v42+s17+$0x0], vm0  }
0xb8: {  	v19 =	vor.u32 $0x15, v17;
	_ =	sdelay $0x3  }
0xb9: {  	[tilespmem:v42+s15+$0x0] =	vst.idx.msk vm0, v18  }
0xba: {  	v18 =	vld.idx.msk [tilespmem:v19+s17+$0x0], vm0  }
0xbb: {  	v43 =	vor.u32 $0x16, v17;
	_ =	sdelay $0x3  }
0xbc: {  	[tilespmem:v19+s15+$0x0] =	vst.idx.msk vm0, v18  }
0xbd: {  	v18 =	vld.idx.msk [tilespmem:v43+s17+$0x0], vm0  }
0xbe: {  	v19 =	vor.u32 $0x17, v17;
	_ =	sdelay $0x3  }
0xbf: {  	[tilespmem:v43+s15+$0x0] =	vst.idx.msk vm0, v18  }
0xc0: {  	v18 =	vld.idx.msk [tilespmem:v19+s17+$0x0], vm0  }
0xc1: {  	v44 =	vor.u32 $0x18, v17;
	_ =	sdelay $0x3  }
0xc2: {  	[tilespmem:v19+s15+$0x0] =	vst.idx.msk vm0, v18  }
0xc3: {  	v18 =	vld.idx.msk [tilespmem:v44+s17+$0x0], vm0  }
0xc4: {  	v19 =	vor.u32 $0x19, v17;
	_ =	sdelay $0x3  }
0xc5: {  	[tilespmem:v44+s15+$0x0] =	vst.idx.msk vm0, v18  }
0xc6: {  	v18 =	vld.idx.msk [tilespmem:v19+s17+$0x0], vm0  }
0xc7: {  	v45 =	vor.u32 $0x1A, v17;
	_ =	sdelay $0x3  }
0xc8: {  	[tilespmem:v19+s15+$0x0] =	vst.idx.msk vm0, v18  }
0xc9: {  	v18 =	vld.idx.msk [tilespmem:v45+s17+$0x0], vm0  }
0xca: {  	v19 =	vor.u32 $0x1B, v17;
	_ =	sdelay $0x3  }
0xcb: {  	[tilespmem:v45+s15+$0x0] =	vst.idx.msk vm0, v18  }
0xcc: {  	v18 =	vld.idx.msk [tilespmem:v19+s17+$0x0], vm0  }
0xcd: {  	v46 =	vor.u32 $0x1C, v17;
	_ =	sdelay $0x3  }
0xce: {  	[tilespmem:v19+s15+$0x0] =	vst.idx.msk vm0, v18  }
0xcf: {  	v18 =	vld.idx.msk [tilespmem:v46+s17+$0x0], vm0  }
0xd0: {  	v19 =	vor.u32 $0x1D, v17;
	_ =	sdelay $0x3  }
0xd1: {  	[tilespmem:v46+s15+$0x0] =	vst.idx.msk vm0, v18  }
0xd2: {  	v18 =	vld.idx.msk [tilespmem:v19+s17+$0x0], vm0  }
0xd3: {  	v47 =	vor.u32 $0x1E, v17;
	_ =	sdelay $0x3  }
0xd4: {  	[tilespmem:v19+s15+$0x0] =	vst.idx.msk vm0, v18  }
0xd5: {  	v18 =	vld.idx.msk [tilespmem:v47+s17+$0x0], vm0  }
0xd6: {  	v19 =	vor.u32 $0x1F, v17;
	_ =	sdelay $0x3  }
0xd7: {  	[tilespmem:v47+s15+$0x0] =	vst.idx.msk vm0, v18  }
0xd8: {  	v18 =	vld.idx.msk [tilespmem:v19+s17+$0x0], vm0  }
0xd9: {  	v48 =	vor.u32 $0x20, v17;
	_ =	sdelay $0x3  }
0xda: {  	[tilespmem:v19+s15+$0x0] =	vst.idx.msk vm0, v18  }
0xdb: {  	v18 =	vld.idx.msk [tilespmem:v48+s17+$0x0], vm0  }
0xdc: {  	v19 =	vor.u32 $0x21, v17;
	_ =	sdelay $0x3  }
0xdd: {  	[tilespmem:v48+s15+$0x0] =	vst.idx.msk vm0, v18  }
0xde: {  	v18 =	vld.idx.msk [tilespmem:v19+s17+$0x0], vm0  }
0xdf: {  	v49 =	vor.u32 $0x22, v17;
	_ =	sdelay $0x3  }
0xe0: {  	[tilespmem:v19+s15+$0x0] =	vst.idx.msk vm0, v18  }
0xe1: {  	v18 =	vld.idx.msk [tilespmem:v49+s17+$0x0], vm0  }
0xe2: {  	v19 =	vor.u32 $0x23, v17;
	_ =	sdelay $0x3  }
0xe3: {  	[tilespmem:v49+s15+$0x0] =	vst.idx.msk vm0, v18  }
0xe4: {  	v18 =	vld.idx.msk [tilespmem:v19+s17+$0x0], vm0  }
0xe5: {  	v50 =	vor.u32 $0x24, v17;
	_ =	sdelay $0x3  }
0xe6: {  	[tilespmem:v19+s15+$0x0] =	vst.idx.msk vm0, v18  }
0xe7: {  	v18 =	vld.idx.msk [tilespmem:v50+s17+$0x0], vm0  }
0xe8: {  	v19 =	vor.u32 $0x25, v17;
	_ =	sdelay $0x3  }
0xe9: {  	[tilespmem:v50+s15+$0x0] =	vst.idx.msk vm0, v18  }
0xea: {  	v18 =	vld.idx.msk [tilespmem:v19+s17+$0x0], vm0  }
0xeb: {  	v51 =	vor.u32 $0x26, v17;
	_ =	sdelay $0x3  }
0xec: {  	[tilespmem:v19+s15+$0x0] =	vst.idx.msk vm0, v18  }
0xed: {  	v18 =	vld.idx.msk [tilespmem:v51+s17+$0x0], vm0  }
0xee: {  	v19 =	vor.u32 $0x27, v17;
	_ =	sdelay $0x3  }
0xef: {  	[tilespmem:v51+s15+$0x0] =	vst.idx.msk vm0, v18  }
0xf0: {  	v18 =	vld.idx.msk [tilespmem:v19+s17+$0x0], vm0  }
0xf1: {  	v52 =	vor.u32 $0x28, v17;
	_ =	sdelay $0x3  }
0xf2: {  	[tilespmem:v19+s15+$0x0] =	vst.idx.msk vm0, v18  }
0xf3: {  	v18 =	vld.idx.msk [tilespmem:v52+s17+$0x0], vm0  }
0xf4: {  	v19 =	vor.u32 $0x29, v17;
	_ =	sdelay $0x3  }
0xf5: {  	[tilespmem:v52+s15+$0x0] =	vst.idx.msk vm0, v18  }
0xf6: {  	v18 =	vld.idx.msk [tilespmem:v19+s17+$0x0], vm0  }
0xf7: {  	v53 =	vor.u32 $0x2A, v17;
	_ =	sdelay $0x3  }
0xf8: {  	[tilespmem:v19+s15+$0x0] =	vst.idx.msk vm0, v18  }
0xf9: {  	v18 =	vld.idx.msk [tilespmem:v53+s17+$0x0], vm0  }
0xfa: {  	v19 =	vor.u32 $0x2B, v17;
	_ =	sdelay $0x3  }
0xfb: {  	[tilespmem:v53+s15+$0x0] =	vst.idx.msk vm0, v18  }
0xfc: {  	v18 =	vld.idx.msk [tilespmem:v19+s17+$0x0], vm0  }
0xfd: {  	v54 =	vor.u32 $0x2C, v17;
	_ =	sdelay $0x3  }
0xfe: {  	[tilespmem:v19+s15+$0x0] =	vst.idx.msk vm0, v18  }
0xff: {  	v18 =	vld.idx.msk [tilespmem:v54+s17+$0x0], vm0  }
0x100: {  	v19 =	vor.u32 $0x2D, v17;
	_ =	sdelay $0x3  }
0x101: {  	[tilespmem:v54+s15+$0x0] =	vst.idx.msk vm0, v18  }
0x102: {  	v18 =	vld.idx.msk [tilespmem:v19+s17+$0x0], vm0  }
0x103: {  	v55 =	vor.u32 $0x2E, v17;
	_ =	sdelay $0x3  }
0x104: {  	[tilespmem:v19+s15+$0x0] =	vst.idx.msk vm0, v18  }
0x105: {  	v18 =	vld.idx.msk [tilespmem:v55+s17+$0x0], vm0  }
0x106: {  	v19 =	vor.u32 $0x2F, v17;
	_ =	sdelay $0x3  }
0x107: {  	[tilespmem:v55+s15+$0x0] =	vst.idx.msk vm0, v18  }
0x108: {  	v18 =	vld.idx.msk [tilespmem:v19+s17+$0x0], vm0  }
0x109: {  	v56 =	vor.u32 $0x30, v17;
	_ =	sdelay $0x3  }
0x10a: {  	[tilespmem:v19+s15+$0x0] =	vst.idx.msk vm0, v18  }
0x10b: {  	v18 =	vld.idx.msk [tilespmem:v56+s17+$0x0], vm0  }
0x10c: {  	v19 =	vor.u32 $0x31, v17;
	_ =	sdelay $0x3  }
0x10d: {  	[tilespmem:v56+s15+$0x0] =	vst.idx.msk vm0, v18  }
0x10e: {  	v18 =	vld.idx.msk [tilespmem:v19+s17+$0x0], vm0  }
0x10f: {  	v57 =	vor.u32 $0x32, v17;
	_ =	sdelay $0x3  }
0x110: {  	[tilespmem:v19+s15+$0x0] =	vst.idx.msk vm0, v18  }
0x111: {  	v18 =	vld.idx.msk [tilespmem:v57+s17+$0x0], vm0  }
0x112: {  	v19 =	vor.u32 $0x33, v17;
	_ =	sdelay $0x3  }
0x113: {  	[tilespmem:v57+s15+$0x0] =	vst.idx.msk vm0, v18  }
0x114: {  	v18 =	vld.idx.msk [tilespmem:v19+s17+$0x0], vm0  }
0x115: {  	v58 =	vor.u32 $0x34, v17;
	_ =	sdelay $0x3  }
0x116: {  	[tilespmem:v19+s15+$0x0] =	vst.idx.msk vm0, v18  }
0x117: {  	v18 =	vld.idx.msk [tilespmem:v58+s17+$0x0], vm0  }
0x118: {  	v19 =	vor.u32 $0x35, v17;
	_ =	sdelay $0x3  }
0x119: {  	[tilespmem:v58+s15+$0x0] =	vst.idx.msk vm0, v18  }
0x11a: {  	v18 =	vld.idx.msk [tilespmem:v19+s17+$0x0], vm0  }
0x11b: {  	v59 =	vor.u32 $0x36, v17;
	_ =	sdelay $0x3  }
0x11c: {  	[tilespmem:v19+s15+$0x0] =	vst.idx.msk vm0, v18  }
0x11d: {  	v18 =	vld.idx.msk [tilespmem:v59+s17+$0x0], vm0  }
0x11e: {  	v19 =	vor.u32 $0x37, v17;
	_ =	sdelay $0x3  }
0x11f: {  	[tilespmem:v59+s15+$0x0] =	vst.idx.msk vm0, v18  }
0x120: {  	v18 =	vld.idx.msk [tilespmem:v19+s17+$0x0], vm0  }
0x121: {  	v60 =	vor.u32 $0x38, v17;
	_ =	sdelay $0x3  }
0x122: {  	[tilespmem:v19+s15+$0x0] =	vst.idx.msk vm0, v18  }
0x123: {  	v18 =	vld.idx.msk [tilespmem:v60+s17+$0x0], vm0  }
0x124: {  	v19 =	vor.u32 $0x39, v17;
	_ =	sdelay $0x3  }
0x125: {  	[tilespmem:v60+s15+$0x0] =	vst.idx.msk vm0, v18  }
0x126: {  	v18 =	vld.idx.msk [tilespmem:v19+s17+$0x0], vm0  }
0x127: {  	v61 =	vor.u32 $0x3A, v17;
	_ =	sdelay $0x3  }
0x128: {  	[tilespmem:v19+s15+$0x0] =	vst.idx.msk vm0, v18  }
0x129: {  	v18 =	vld.idx.msk [tilespmem:v61+s17+$0x0], vm0  }
0x12a: {  	v19 =	vor.u32 $0x3B, v17;
	_ =	sdelay $0x3  }
0x12b: {  	[tilespmem:v61+s15+$0x0] =	vst.idx.msk vm0, v18  }
0x12c: {  	v18 =	vld.idx.msk [tilespmem:v19+s17+$0x0], vm0  }
0x12d: {  	v62 =	vor.u32 $0x3C, v17;
	_ =	sdelay $0x3  }
0x12e: {  	[tilespmem:v19+s15+$0x0] =	vst.idx.msk vm0, v18  }
0x12f: {  	v18 =	vld.idx.msk [tilespmem:v62+s17+$0x0], vm0  }
0x130: {  	v19 =	vor.u32 $0x3D, v17;
	_ =	sdelay $0x3  }
0x131: {  	[tilespmem:v62+s15+$0x0] =	vst.idx.msk vm0, v18  }
0x132: {  	v18 =	vld.idx.msk [tilespmem:v19+s17+$0x0], vm0  }
0x133: {  	v63 =	vor.u32 $0x3E, v17;
	_ =	sdelay $0x3  }
0x134: {  	[tilespmem:v19+s15+$0x0] =	vst.idx.msk vm0, v18  }
0x135: {  	v18 =	vld.idx.msk [tilespmem:v63+s17+$0x0], vm0  }
0x136: {  	v17 =	vor.u32 $0x3F, v17;
	_ =	sdelay $0x3  }
0x137: {  	[tilespmem:v63+s15+$0x0] =	vst.idx.msk vm0, v18  }
0x138: {  	v18 =	vld.idx.msk [tilespmem:v17+s17+$0x0], vm0  }
.Ltmp7:
0x139: {  	_ = 	snop;
	(pc) =	sbr.rel .LBB2_5-.Ltmp7, $2  }
0x13a: {  	_ =	sdelay $0x2  }
0x13b: {  	[tilespmem:v17+s15+$0x0] =	vst.idx.msk vm0, v18  }
.LBB2_6:
0x13c: {  	s18 =	sshll.u32 s11, $0xF  }
0x13d: {  	s18 =	sadd.s32 s9, s18  }
0x13e: {  	s18 =	sshrl.u32 s18, $0x3  }
0x13f: {  	s18 =	sadd.s32 s3, s18  }
0x140: {  	[hbm4b:s18+s4] =	stream.linear.scatter [tilespmem:s15], [sflag:$0x2], $0x4000, $0x38;
	[tilespmem:$0x10600] =	vst v63  }
0x141: {  	_ =	swait.ge [sflag:s25], $0x100  }
0x142: {  	[sflag:s25] =	ssyncset.done $0x0  }
0x143: {  	[sflag:s25] =	ssyncadd.s32 $0xFFFFFF00  }
0x144: {  	v17 =	vld [tilespmem:$0x8300];
	_ =	sdelay $0x1  }
0x145: {  	v18 =	vld [tilespmem:$0x8310];
	_ =	sdelay $0x1  }
0x146: {  	v19 =	vld [tilespmem:$0x8320]  }
0x147: {  	v20 =	vadd.s32 $0xFFF0BDC0, v17  }
0x148: {  	v21 =	vld [tilespmem:$0x8330];
	vm0 =	vgt.s32 v17, $0xF423F;
	vm1 =	vlt.s32 v20, $0xFFFF  }
0x149: {  	v22 =	vadd.s32 $0xFFF0BDC0, v18;
	v17 =	vsel vm0, $0xF423F, v17;
	v20 =	vnsel vm1, $0xFFFF, v20  }
0x14a: {  	v39 =	vld [tilespmem:$0x8340];
	vm10 =	vgt.s32 v18, $0xF423F;
	vm11 =	vlt.s32 v22, $0xFFFF;
	[tilespmem:$0x8400] =	vst v17;
	v17 =	vsel vm0, v20, v0  }
0x14b: {  	v40 =	vadd.s32 $0xFFF0BDC0, v19;
	[tilespmem:$0x8500] =	vst v17;
	v17 =	vsel vm10, $0xF423F, v18;
	v18 =	vnsel vm11, $0xFFFF, v22  }
0x14c: {  	vm12 =	vgt.s32 v19, $0xF423F;
	vm13 =	vlt.s32 v40, $0xFFFF;
	[tilespmem:$0x8410] =	vst v17;
	v17 =	vsel vm10, v18, v1;
	v18 =	vld [tilespmem:$0x8350]  }
0x14d: {  	v41 =	vadd.s32 $0xFFF0BDC0, v21;
	[tilespmem:$0x8510] =	vst v17;
	v17 =	vsel vm12, $0xF423F, v19;
	v19 =	vnsel vm13, $0xFFFF, v40  }
0x14e: {  	vm14 =	vgt.s32 v21, $0xF423F;
	vm15 =	vlt.s32 v41, $0xFFFF;
	[tilespmem:$0x8420] =	vst v17;
	v17 =	vsel vm12, v19, v2;
	v19 =	vld [tilespmem:$0x8360]  }
0x14f: {  	v43 =	vadd.s32 $0xFFF0BDC0, v39;
	v42 =	vnsel vm15, $0xFFFF, v41;
	[tilespmem:$0x8520] =	vst v17;
	v17 =	vsel vm14, $0xF423F, v21  }
0x150: {  	v44 =	vld [tilespmem:$0x8370];
	vm4 =	vgt.s32 v39, $0xF423F;
	vm5 =	vlt.s32 v43, $0xFFFF;
	[tilespmem:$0x8430] =	vst v17;
	v17 =	vsel vm14, v42, v3  }
0x151: {  	v45 =	vnsel vm5, $0xFFFF, v43;
	[tilespmem:$0x8530] =	vst v17;
	v17 =	vsel vm4, $0xF423F, v39;
	v46 =	vadd.s32 $0xFFF0BDC0, v18  }
0x152: {  	v47 =	vld [tilespmem:$0x8380];
	vm6 =	vgt.s32 v18, $0xF423F;
	[tilespmem:$0x8440] =	vst v17;
	v17 =	vsel vm4, v45, v4;
	vm7 =	vlt.s32 v46, $0xFFFF  }
0x153: {  	[tilespmem:$0x8540] =	vst v17;
	v17 =	vsel vm6, $0xF423F, v18;
	v18 =	vnsel vm7, $0xFFFF, v46;
	v48 =	vadd.s32 $0xFFF0BDC0, v19  }
0x154: {  	vm8 =	vgt.s32 v19, $0xF423F;
	[tilespmem:$0x8450] =	vst v17;
	v17 =	vsel vm6, v18, v5;
	vm9 =	vlt.s32 v48, $0xFFFF;
	v18 =	vld [tilespmem:$0x8390]  }
0x155: {  	v49 =	vadd.s32 $0xFFF0BDC0, v44;
	[tilespmem:$0x8550] =	vst v17;
	v17 =	vsel vm8, $0xF423F, v19;
	v19 =	vnsel vm9, $0xFFFF, v48  }
0x156: {  	vm11 =	vlt.s32 v49, $0xFFFF;
	vm10 =	vgt.s32 v44, $0xF423F;
	[tilespmem:$0x8460] =	vst v17;
	v17 =	vsel vm8, v19, v6;
	v19 =	vld [tilespmem:$0x83A0]  }
0x157: {  	v51 =	vadd.s32 $0xFFF0BDC0, v47;
	v50 =	vnsel vm11, $0xFFFF, v49;
	[tilespmem:$0x8560] =	vst v17;
	v17 =	vsel vm10, $0xF423F, v44  }
0x158: {  	v52 =	vld [tilespmem:$0x83B0];
	vm13 =	vlt.s32 v51, $0xFFFF;
	vm12 =	vgt.s32 v47, $0xF423F;
	[tilespmem:$0x8470] =	vst v17;
	v17 =	vsel vm10, v50, v7  }
0x159: {  	v53 =	vnsel vm13, $0xFFFF, v51;
	[tilespmem:$0x8570] =	vst v17;
	v17 =	vsel vm12, $0xF423F, v47;
	v54 =	vadd.s32 $0xFFF0BDC0, v18  }
0x15a: {  	v55 =	vld [tilespmem:$0x83C0];
	vm14 =	vgt.s32 v18, $0xF423F;
	[tilespmem:$0x8480] =	vst v17;
	v17 =	vsel vm12, v53, v8;
	vm15 =	vlt.s32 v54, $0xFFFF  }
0x15b: {  	[tilespmem:$0x8580] =	vst v17;
	v17 =	vsel vm14, $0xF423F, v18;
	v18 =	vnsel vm15, $0xFFFF, v54;
	v56 =	vadd.s32 $0xFFF0BDC0, v19  }
0x15c: {  	vm4 =	vgt.s32 v19, $0xF423F;
	[tilespmem:$0x8490] =	vst v17;
	v17 =	vsel vm14, v18, v9;
	vm5 =	vlt.s32 v56, $0xFFFF;
	v18 =	vld [tilespmem:$0x83D0]  }
0x15d: {  	v57 =	vadd.s32 $0xFFF0BDC0, v52;
	[tilespmem:$0x8590] =	vst v17;
	v17 =	vsel vm4, $0xF423F, v19;
	v19 =	vnsel vm5, $0xFFFF, v56  }
0x15e: {  	vm7 =	vlt.s32 v57, $0xFFFF;
	vm6 =	vgt.s32 v52, $0xF423F;
	[tilespmem:$0x84A0] =	vst v17;
	v17 =	vsel vm4, v19, v10;
	v19 =	vld [tilespmem:$0x83E0]  }
0x15f: {  	v59 =	vadd.s32 $0xFFF0BDC0, v55;
	v58 =	vnsel vm7, $0xFFFF, v57;
	[tilespmem:$0x85A0] =	vst v17;
	v17 =	vsel vm6, $0xF423F, v52  }
0x160: {  	v60 =	vld [tilespmem:$0x83F0];
	vm9 =	vlt.s32 v59, $0xFFFF;
	vm8 =	vgt.s32 v55, $0xF423F;
	[tilespmem:$0x84B0] =	vst v17;
	v17 =	vsel vm6, v58, v11  }
0x161: {  	v61 =	vnsel vm9, $0xFFFF, v59;
	[tilespmem:$0x85B0] =	vst v17;
	v17 =	vsel vm8, $0xF423F, v55;
	v62 =	vadd.s32 $0xFFF0BDC0, v18  }
0x162: {  	vm10 =	vgt.s32 v18, $0xF423F;
	[tilespmem:$0x84C0] =	vst v17;
	v17 =	vsel vm8, v61, v12;
	vm11 =	vlt.s32 v62, $0xFFFF  }
0x163: {  	[tilespmem:$0x85C0] =	vst v17;
	v17 =	vsel vm10, $0xF423F, v18;
	v18 =	vnsel vm11, $0xFFFF, v62;
	v63 =	vadd.s32 $0xFFF0BDC0, v19  }
0x164: {  	vm12 =	vgt.s32 v19, $0xF423F;
	[tilespmem:$0x84D0] =	vst v17;
	v17 =	vsel vm10, v18, v13;
	vm13 =	vlt.s32 v63, $0xFFFF  }
0x165: {  	[tilespmem:$0x85D0] =	vst v17;
	v17 =	vsel vm12, $0xF423F, v19;
	v18 =	vnsel vm13, $0xFFFF, v63;
	v19 =	vadd.s32 $0xFFF0BDC0, v60  }
0x166: {  	vm14 =	vgt.s32 v60, $0xF423F;
	[tilespmem:$0x84E0] =	vst v17;
	v17 =	vsel vm12, v18, v14;
	vm15 =	vlt.s32 v19, $0xFFFF  }
0x167: {  	v18 =	vsel vm14, $0xF423F, v60;
	[tilespmem:$0x85E0] =	vst v17;
	v17 =	vnsel vm15, $0xFFFF, v19  }
0x168: {  	[tilespmem:$0x84F0] =	vst v18;
	v17 =	vsel vm14, v17, v15  }
0x169: {  	s18 =	simm.s32 @!p0 $0x4;
	[tilespmem:$0x85F0] =	vst v17  }
0x16a: {  	_ =	swait.ge @!p0 [sflag:s18], $0x4000  }
0x16b: {  	[sflag:s18] =	ssyncset.done @!p0 $0x0  }
0x16c: {  	[sflag:s18] =	ssyncadd.s32 @!p0 $0xFFFFC000  }
0x16d: {  	[tilespmem:s28], [sflag:$0x5] =	stream.indirect.gather [hbm4b:s6+s13], $0x40, s26, s13, $0xb8;
	[tilespmem:$0x10600] =	vst v63  }
0x16e: {  	_ = 	snop  }
0x16f: {  	[tilespmem:s30], [sflag:$0x6] =	stream.indirect.gather [hbm4b:s7+s13], $0x40, s29, s13, $0xb8;
	[tilespmem:$0x10600] =	vst v63  }
0x170: {  	s16 =	sadd.s32 s16, s10;
	p0 =	seq.s32 s11, $0x31  }
0x171: {  	[tilespmem:s2], [sflag:$0x5] =	stream.indirect.gather [hbm4b:s6+s13], $0x40, s31, s13, $0xb8;
	[tilespmem:$0x10600] =	vst v63  }
0x172: {  	s16 =	sshrl.u32 @!p0 s16, $0x3  }
0x173: {  	[tilespmem:s8], [sflag:$0x6] =	stream.indirect.gather [hbm4b:s7+s13], $0x40, s0, s13, $0xb8;
	[tilespmem:$0x10600] =	vst v63  }
0x174: {  	s18 =	simm.s32 @!p0 $0x0;
	s16 =	sadd.s32 @!p0 s1, s16  }
0x175: {  	[tilespmem:s18], [sflag:$0x1] =	stream.linear.gather @!p0 [hbm4b:s16+s18], $0x100, $0x38;
	[tilespmem:$0x10600] =	vst v63  }
0x176: {  	_ =	swait.ge [sflag:s23], $0x2000  }
0x177: {  	[sflag:s23] =	ssyncset.done $0x0  }
0x178: {  	[sflag:s23] =	ssyncadd.s32 $0xFFFFE000  }
0x179: {  	_ =	swait.ge [sflag:s24], $0x2000  }
0x17a: {  	[sflag:s24] =	ssyncset.done $0x0  }
0x17b: {  	[sflag:s24] =	ssyncadd.s32 $0xFFFFE000  }
0x17c: {  	_ =	swait.ge [sflag:s23], $0x2000  }
.Ltmp8:
0x17d: {  	[sflag:s23] =	ssyncset.done $0x0;
	(pc) =	sbr.rel .LBB2_7-.Ltmp8, $4  }
0x17e: {  	[sflag:s23] =	ssyncadd.s32 $0xFFFFE000  }
0x17f: {  	_ =	swait.ge [sflag:s24], $0x2000  }
0x180: {  	[sflag:s24] =	ssyncset.done $0x0  }
0x181: {  	s16 =	simm.s32 $0x0;
	s18 =	simm.s32 $0x8300;
	[sflag:s24] =	ssyncadd.s32 $0xFFFFE000  }
.LBB2_9:
0x182: {  	s16 =	sadd.s32 $0x10, s16  }
0x183: {  	p0 =	sne.s32 s16, $0x100  }
.Ltmp9:
0x184: {  	_ = 	snop;
	(pc) =	sbr.rel @!p0 .LBB2_10-.Ltmp9, $2  }
0x185: {  	_ =	sdelay $0x2  }
0x186: {  	s18 =	sadd.s32 $0x10, s18  }
.LBB2_7:
0x187: {  	v17 =	vld [tilespmem:s18+$0x0];
	_ =	sdelay $0x4  }
0x188: {  	v18 =	vxor.u32 $0x80000000, v17  }
0x189: {  	(xrf0) =	vmax.scan.msk.u32 $0xffff, v18;
	_ =	sdelay $0x5  }
0x18a: {  	v18, _, _ =	vpop (xrf0)  }
0x18b: {  	(v2sf) =	vpush v18, $0xF;
	_ =	sdelay $0xe  }
0x18c: {  	s19 =	spop (v2sf)  }
0x18d: {  	p0 =	slt.u32 s19, $0x800F4240  }
.Ltmp10:
0x18e: {  	_ = 	snop;
	(pc) =	sbr.rel @p0 .LBB2_9-.Ltmp10, $1  }
0x18f: {  	_ =	sdelay $0x3  }
0x190: {  	v18 =	vmov s16  }
0x191: {  	vm0 =	vgt.s32 v17, $0xF423F;
	v17 =	vshll.u32 v18, $0x6  }
0x192: {  	v17 =	vor.u32 v16, v17;
	_ =	sdelay $0x4  }
0x193: {  	v18 =	vld.idx.msk [tilespmem:v17+s30+$0x0], vm0  }
0x194: {  	v19 =	vor.u32 $0x1, v17;
	_ =	sdelay $0x3  }
0x195: {  	[tilespmem:v17+s28+$0x0] =	vst.idx.msk vm0, v18  }
0x196: {  	v18 =	vld.idx.msk [tilespmem:v19+s30+$0x0], vm0  }
0x197: {  	v20 =	vor.u32 $0x2, v17;
	_ =	sdelay $0x3  }
0x198: {  	[tilespmem:v19+s28+$0x0] =	vst.idx.msk vm0, v18  }
0x199: {  	v18 =	vld.idx.msk [tilespmem:v20+s30+$0x0], vm0  }
0x19a: {  	v19 =	vor.u32 $0x3, v17;
	_ =	sdelay $0x3  }
0x19b: {  	[tilespmem:v20+s28+$0x0] =	vst.idx.msk vm0, v18  }
0x19c: {  	v18 =	vld.idx.msk [tilespmem:v19+s30+$0x0], vm0  }
0x19d: {  	v34 =	vor.u32 $0x4, v17;
	_ =	sdelay $0x3  }
0x19e: {  	[tilespmem:v19+s28+$0x0] =	vst.idx.msk vm0, v18  }
0x19f: {  	v18 =	vld.idx.msk [tilespmem:v34+s30+$0x0], vm0  }
0x1a0: {  	v19 =	vor.u32 $0x5, v17;
	_ =	sdelay $0x3  }
0x1a1: {  	[tilespmem:v34+s28+$0x0] =	vst.idx.msk vm0, v18  }
0x1a2: {  	v18 =	vld.idx.msk [tilespmem:v19+s30+$0x0], vm0  }
0x1a3: {  	v35 =	vor.u32 $0x6, v17;
	_ =	sdelay $0x3  }
0x1a4: {  	[tilespmem:v19+s28+$0x0] =	vst.idx.msk vm0, v18  }
0x1a5: {  	v18 =	vld.idx.msk [tilespmem:v35+s30+$0x0], vm0  }
0x1a6: {  	v19 =	vor.u32 $0x7, v17;
	_ =	sdelay $0x3  }
0x1a7: {  	[tilespmem:v35+s28+$0x0] =	vst.idx.msk vm0, v18  }
0x1a8: {  	v18 =	vld.idx.msk [tilespmem:v19+s30+$0x0], vm0  }
0x1a9: {  	v36 =	vor.u32 $0x8, v17;
	_ =	sdelay $0x3  }
0x1aa: {  	[tilespmem:v19+s28+$0x0] =	vst.idx.msk vm0, v18  }
0x1ab: {  	v18 =	vld.idx.msk [tilespmem:v36+s30+$0x0], vm0  }
0x1ac: {  	v19 =	vor.u32 $0x9, v17;
	_ =	sdelay $0x3  }
0x1ad: {  	[tilespmem:v36+s28+$0x0] =	vst.idx.msk vm0, v18  }
0x1ae: {  	v18 =	vld.idx.msk [tilespmem:v19+s30+$0x0], vm0  }
0x1af: {  	v37 =	vor.u32 $0xA, v17;
	_ =	sdelay $0x3  }
0x1b0: {  	[tilespmem:v19+s28+$0x0] =	vst.idx.msk vm0, v18  }
0x1b1: {  	v18 =	vld.idx.msk [tilespmem:v37+s30+$0x0], vm0  }
0x1b2: {  	v19 =	vor.u32 $0xB, v17;
	_ =	sdelay $0x3  }
0x1b3: {  	[tilespmem:v37+s28+$0x0] =	vst.idx.msk vm0, v18  }
0x1b4: {  	v18 =	vld.idx.msk [tilespmem:v19+s30+$0x0], vm0  }
0x1b5: {  	v38 =	vor.u32 $0xC, v17;
	_ =	sdelay $0x3  }
0x1b6: {  	[tilespmem:v19+s28+$0x0] =	vst.idx.msk vm0, v18  }
0x1b7: {  	v18 =	vld.idx.msk [tilespmem:v38+s30+$0x0], vm0  }
0x1b8: {  	v19 =	vor.u32 $0xD, v17;
	_ =	sdelay $0x3  }
0x1b9: {  	[tilespmem:v38+s28+$0x0] =	vst.idx.msk vm0, v18  }
0x1ba: {  	v18 =	vld.idx.msk [tilespmem:v19+s30+$0x0], vm0  }
0x1bb: {  	v39 =	vor.u32 $0xE, v17;
	_ =	sdelay $0x3  }
0x1bc: {  	[tilespmem:v19+s28+$0x0] =	vst.idx.msk vm0, v18  }
0x1bd: {  	v18 =	vld.idx.msk [tilespmem:v39+s30+$0x0], vm0  }
0x1be: {  	v19 =	vor.u32 $0xF, v17;
	_ =	sdelay $0x3  }
0x1bf: {  	[tilespmem:v39+s28+$0x0] =	vst.idx.msk vm0, v18  }
0x1c0: {  	v18 =	vld.idx.msk [tilespmem:v19+s30+$0x0], vm0  }
0x1c1: {  	v40 =	vor.u32 $0x10, v17;
	_ =	sdelay $0x3  }
0x1c2: {  	[tilespmem:v19+s28+$0x0] =	vst.idx.msk vm0, v18  }
0x1c3: {  	v18 =	vld.idx.msk [tilespmem:v40+s30+$0x0], vm0  }
0x1c4: {  	v19 =	vor.u32 $0x11, v17;
	_ =	sdelay $0x3  }
0x1c5: {  	[tilespmem:v40+s28+$0x0] =	vst.idx.msk vm0, v18  }
0x1c6: {  	v18 =	vld.idx.msk [tilespmem:v19+s30+$0x0], vm0  }
0x1c7: {  	v41 =	vor.u32 $0x12, v17;
	_ =	sdelay $0x3  }
0x1c8: {  	[tilespmem:v19+s28+$0x0] =	vst.idx.msk vm0, v18  }
0x1c9: {  	v18 =	vld.idx.msk [tilespmem:v41+s30+$0x0], vm0  }
0x1ca: {  	v19 =	vor.u32 $0x13, v17;
	_ =	sdelay $0x3  }
0x1cb: {  	[tilespmem:v41+s28+$0x0] =	vst.idx.msk vm0, v18  }
0x1cc: {  	v18 =	vld.idx.msk [tilespmem:v19+s30+$0x0], vm0  }
0x1cd: {  	v42 =	vor.u32 $0x14, v17;
	_ =	sdelay $0x3  }
0x1ce: {  	[tilespmem:v19+s28+$0x0] =	vst.idx.msk vm0, v18  }
0x1cf: {  	v18 =	vld.idx.msk [tilespmem:v42+s30+$0x0], vm0  }
0x1d0: {  	v19 =	vor.u32 $0x15, v17;
	_ =	sdelay $0x3  }
0x1d1: {  	[tilespmem:v42+s28+$0x0] =	vst.idx.msk vm0, v18  }
0x1d2: {  	v18 =	vld.idx.msk [tilespmem:v19+s30+$0x0], vm0  }
0x1d3: {  	v43 =	vor.u32 $0x16, v17;
	_ =	sdelay $0x3  }
0x1d4: {  	[tilespmem:v19+s28+$0x0] =	vst.idx.msk vm0, v18  }
0x1d5: {  	v18 =	vld.idx.msk [tilespmem:v43+s30+$0x0], vm0  }
0x1d6: {  	v19 =	vor.u32 $0x17, v17;
	_ =	sdelay $0x3  }
0x1d7: {  	[tilespmem:v43+s28+$0x0] =	vst.idx.msk vm0, v18  }
0x1d8: {  	v18 =	vld.idx.msk [tilespmem:v19+s30+$0x0], vm0  }
0x1d9: {  	v44 =	vor.u32 $0x18, v17;
	_ =	sdelay $0x3  }
0x1da: {  	[tilespmem:v19+s28+$0x0] =	vst.idx.msk vm0, v18  }
0x1db: {  	v18 =	vld.idx.msk [tilespmem:v44+s30+$0x0], vm0  }
0x1dc: {  	v19 =	vor.u32 $0x19, v17;
	_ =	sdelay $0x3  }
0x1dd: {  	[tilespmem:v44+s28+$0x0] =	vst.idx.msk vm0, v18  }
0x1de: {  	v18 =	vld.idx.msk [tilespmem:v19+s30+$0x0], vm0  }
0x1df: {  	v45 =	vor.u32 $0x1A, v17;
	_ =	sdelay $0x3  }
0x1e0: {  	[tilespmem:v19+s28+$0x0] =	vst.idx.msk vm0, v18  }
0x1e1: {  	v18 =	vld.idx.msk [tilespmem:v45+s30+$0x0], vm0  }
0x1e2: {  	v19 =	vor.u32 $0x1B, v17;
	_ =	sdelay $0x3  }
0x1e3: {  	[tilespmem:v45+s28+$0x0] =	vst.idx.msk vm0, v18  }
0x1e4: {  	v18 =	vld.idx.msk [tilespmem:v19+s30+$0x0], vm0  }
0x1e5: {  	v46 =	vor.u32 $0x1C, v17;
	_ =	sdelay $0x3  }
0x1e6: {  	[tilespmem:v19+s28+$0x0] =	vst.idx.msk vm0, v18  }
0x1e7: {  	v18 =	vld.idx.msk [tilespmem:v46+s30+$0x0], vm0  }
0x1e8: {  	v19 =	vor.u32 $0x1D, v17;
	_ =	sdelay $0x3  }
0x1e9: {  	[tilespmem:v46+s28+$0x0] =	vst.idx.msk vm0, v18  }
0x1ea: {  	v18 =	vld.idx.msk [tilespmem:v19+s30+$0x0], vm0  }
0x1eb: {  	v47 =	vor.u32 $0x1E, v17;
	_ =	sdelay $0x3  }
0x1ec: {  	[tilespmem:v19+s28+$0x0] =	vst.idx.msk vm0, v18  }
0x1ed: {  	v18 =	vld.idx.msk [tilespmem:v47+s30+$0x0], vm0  }
0x1ee: {  	v19 =	vor.u32 $0x1F, v17;
	_ =	sdelay $0x3  }
0x1ef: {  	[tilespmem:v47+s28+$0x0] =	vst.idx.msk vm0, v18  }
0x1f0: {  	v18 =	vld.idx.msk [tilespmem:v19+s30+$0x0], vm0  }
0x1f1: {  	v48 =	vor.u32 $0x20, v17;
	_ =	sdelay $0x3  }
0x1f2: {  	[tilespmem:v19+s28+$0x0] =	vst.idx.msk vm0, v18  }
0x1f3: {  	v18 =	vld.idx.msk [tilespmem:v48+s30+$0x0], vm0  }
0x1f4: {  	v19 =	vor.u32 $0x21, v17;
	_ =	sdelay $0x3  }
0x1f5: {  	[tilespmem:v48+s28+$0x0] =	vst.idx.msk vm0, v18  }
0x1f6: {  	v18 =	vld.idx.msk [tilespmem:v19+s30+$0x0], vm0  }
0x1f7: {  	v49 =	vor.u32 $0x22, v17;
	_ =	sdelay $0x3  }
0x1f8: {  	[tilespmem:v19+s28+$0x0] =	vst.idx.msk vm0, v18  }
0x1f9: {  	v18 =	vld.idx.msk [tilespmem:v49+s30+$0x0], vm0  }
0x1fa: {  	v19 =	vor.u32 $0x23, v17;
	_ =	sdelay $0x3  }
0x1fb: {  	[tilespmem:v49+s28+$0x0] =	vst.idx.msk vm0, v18  }
0x1fc: {  	v18 =	vld.idx.msk [tilespmem:v19+s30+$0x0], vm0  }
0x1fd: {  	v50 =	vor.u32 $0x24, v17;
	_ =	sdelay $0x3  }
0x1fe: {  	[tilespmem:v19+s28+$0x0] =	vst.idx.msk vm0, v18  }
0x1ff: {  	v18 =	vld.idx.msk [tilespmem:v50+s30+$0x0], vm0  }
0x200: {  	v19 =	vor.u32 $0x25, v17;
	_ =	sdelay $0x3  }
0x201: {  	[tilespmem:v50+s28+$0x0] =	vst.idx.msk vm0, v18  }
0x202: {  	v18 =	vld.idx.msk [tilespmem:v19+s30+$0x0], vm0  }
0x203: {  	v51 =	vor.u32 $0x26, v17;
	_ =	sdelay $0x3  }
0x204: {  	[tilespmem:v19+s28+$0x0] =	vst.idx.msk vm0, v18  }
0x205: {  	v18 =	vld.idx.msk [tilespmem:v51+s30+$0x0], vm0  }
0x206: {  	v19 =	vor.u32 $0x27, v17;
	_ =	sdelay $0x3  }
0x207: {  	[tilespmem:v51+s28+$0x0] =	vst.idx.msk vm0, v18  }
0x208: {  	v18 =	vld.idx.msk [tilespmem:v19+s30+$0x0], vm0  }
0x209: {  	v52 =	vor.u32 $0x28, v17;
	_ =	sdelay $0x3  }
0x20a: {  	[tilespmem:v19+s28+$0x0] =	vst.idx.msk vm0, v18  }
0x20b: {  	v18 =	vld.idx.msk [tilespmem:v52+s30+$0x0], vm0  }
0x20c: {  	v19 =	vor.u32 $0x29, v17;
	_ =	sdelay $0x3  }
0x20d: {  	[tilespmem:v52+s28+$0x0] =	vst.idx.msk vm0, v18  }
0x20e: {  	v18 =	vld.idx.msk [tilespmem:v19+s30+$0x0], vm0  }
0x20f: {  	v53 =	vor.u32 $0x2A, v17;
	_ =	sdelay $0x3  }
0x210: {  	[tilespmem:v19+s28+$0x0] =	vst.idx.msk vm0, v18  }
0x211: {  	v18 =	vld.idx.msk [tilespmem:v53+s30+$0x0], vm0  }
0x212: {  	v19 =	vor.u32 $0x2B, v17;
	_ =	sdelay $0x3  }
0x213: {  	[tilespmem:v53+s28+$0x0] =	vst.idx.msk vm0, v18  }
0x214: {  	v18 =	vld.idx.msk [tilespmem:v19+s30+$0x0], vm0  }
0x215: {  	v54 =	vor.u32 $0x2C, v17;
	_ =	sdelay $0x3  }
0x216: {  	[tilespmem:v19+s28+$0x0] =	vst.idx.msk vm0, v18  }
0x217: {  	v18 =	vld.idx.msk [tilespmem:v54+s30+$0x0], vm0  }
0x218: {  	v19 =	vor.u32 $0x2D, v17;
	_ =	sdelay $0x3  }
0x219: {  	[tilespmem:v54+s28+$0x0] =	vst.idx.msk vm0, v18  }
0x21a: {  	v18 =	vld.idx.msk [tilespmem:v19+s30+$0x0], vm0  }
0x21b: {  	v55 =	vor.u32 $0x2E, v17;
	_ =	sdelay $0x3  }
0x21c: {  	[tilespmem:v19+s28+$0x0] =	vst.idx.msk vm0, v18  }
0x21d: {  	v18 =	vld.idx.msk [tilespmem:v55+s30+$0x0], vm0  }
0x21e: {  	v19 =	vor.u32 $0x2F, v17;
	_ =	sdelay $0x3  }
0x21f: {  	[tilespmem:v55+s28+$0x0] =	vst.idx.msk vm0, v18  }
0x220: {  	v18 =	vld.idx.msk [tilespmem:v19+s30+$0x0], vm0  }
0x221: {  	v56 =	vor.u32 $0x30, v17;
	_ =	sdelay $0x3  }
0x222: {  	[tilespmem:v19+s28+$0x0] =	vst.idx.msk vm0, v18  }
0x223: {  	v18 =	vld.idx.msk [tilespmem:v56+s30+$0x0], vm0  }
0x224: {  	v19 =	vor.u32 $0x31, v17;
	_ =	sdelay $0x3  }
0x225: {  	[tilespmem:v56+s28+$0x0] =	vst.idx.msk vm0, v18  }
0x226: {  	v18 =	vld.idx.msk [tilespmem:v19+s30+$0x0], vm0  }
0x227: {  	v57 =	vor.u32 $0x32, v17;
	_ =	sdelay $0x3  }
0x228: {  	[tilespmem:v19+s28+$0x0] =	vst.idx.msk vm0, v18  }
0x229: {  	v18 =	vld.idx.msk [tilespmem:v57+s30+$0x0], vm0  }
0x22a: {  	v19 =	vor.u32 $0x33, v17;
	_ =	sdelay $0x3  }
0x22b: {  	[tilespmem:v57+s28+$0x0] =	vst.idx.msk vm0, v18  }
0x22c: {  	v18 =	vld.idx.msk [tilespmem:v19+s30+$0x0], vm0  }
0x22d: {  	v58 =	vor.u32 $0x34, v17;
	_ =	sdelay $0x3  }
0x22e: {  	[tilespmem:v19+s28+$0x0] =	vst.idx.msk vm0, v18  }
0x22f: {  	v18 =	vld.idx.msk [tilespmem:v58+s30+$0x0], vm0  }
0x230: {  	v19 =	vor.u32 $0x35, v17;
	_ =	sdelay $0x3  }
0x231: {  	[tilespmem:v58+s28+$0x0] =	vst.idx.msk vm0, v18  }
0x232: {  	v18 =	vld.idx.msk [tilespmem:v19+s30+$0x0], vm0  }
0x233: {  	v59 =	vor.u32 $0x36, v17;
	_ =	sdelay $0x3  }
0x234: {  	[tilespmem:v19+s28+$0x0] =	vst.idx.msk vm0, v18  }
0x235: {  	v18 =	vld.idx.msk [tilespmem:v59+s30+$0x0], vm0  }
0x236: {  	v19 =	vor.u32 $0x37, v17;
	_ =	sdelay $0x3  }
0x237: {  	[tilespmem:v59+s28+$0x0] =	vst.idx.msk vm0, v18  }
0x238: {  	v18 =	vld.idx.msk [tilespmem:v19+s30+$0x0], vm0  }
0x239: {  	v60 =	vor.u32 $0x38, v17;
	_ =	sdelay $0x3  }
0x23a: {  	[tilespmem:v19+s28+$0x0] =	vst.idx.msk vm0, v18  }
0x23b: {  	v18 =	vld.idx.msk [tilespmem:v60+s30+$0x0], vm0  }
0x23c: {  	v19 =	vor.u32 $0x39, v17;
	_ =	sdelay $0x3  }
0x23d: {  	[tilespmem:v60+s28+$0x0] =	vst.idx.msk vm0, v18  }
0x23e: {  	v18 =	vld.idx.msk [tilespmem:v19+s30+$0x0], vm0  }
0x23f: {  	v61 =	vor.u32 $0x3A, v17;
	_ =	sdelay $0x3  }
0x240: {  	[tilespmem:v19+s28+$0x0] =	vst.idx.msk vm0, v18  }
0x241: {  	v18 =	vld.idx.msk [tilespmem:v61+s30+$0x0], vm0  }
0x242: {  	v19 =	vor.u32 $0x3B, v17;
	_ =	sdelay $0x3  }
0x243: {  	[tilespmem:v61+s28+$0x0] =	vst.idx.msk vm0, v18  }
0x244: {  	v18 =	vld.idx.msk [tilespmem:v19+s30+$0x0], vm0  }
0x245: {  	v62 =	vor.u32 $0x3C, v17;
	_ =	sdelay $0x3  }
0x246: {  	[tilespmem:v19+s28+$0x0] =	vst.idx.msk vm0, v18  }
0x247: {  	v18 =	vld.idx.msk [tilespmem:v62+s30+$0x0], vm0  }
0x248: {  	v19 =	vor.u32 $0x3D, v17;
	_ =	sdelay $0x3  }
0x249: {  	[tilespmem:v62+s28+$0x0] =	vst.idx.msk vm0, v18  }
0x24a: {  	v18 =	vld.idx.msk [tilespmem:v19+s30+$0x0], vm0  }
0x24b: {  	v63 =	vor.u32 $0x3E, v17;
	_ =	sdelay $0x3  }
0x24c: {  	[tilespmem:v19+s28+$0x0] =	vst.idx.msk vm0, v18  }
0x24d: {  	v18 =	vld.idx.msk [tilespmem:v63+s30+$0x0], vm0  }
0x24e: {  	v17 =	vor.u32 $0x3F, v17;
	_ =	sdelay $0x3  }
0x24f: {  	[tilespmem:v63+s28+$0x0] =	vst.idx.msk vm0, v18  }
0x250: {  	v18 =	vld.idx.msk [tilespmem:v17+s30+$0x0], vm0  }
.Ltmp11:
0x251: {  	_ = 	snop;
	(pc) =	sbr.rel .LBB2_9-.Ltmp11, $2  }
0x252: {  	_ =	sdelay $0x2  }
0x253: {  	[tilespmem:v17+s28+$0x0] =	vst.idx.msk vm0, v18  }
.LBB2_12:
0x254: {  	_ =	sfence.sel $0x180000  }
0x255: {  	[bflag:$0x0] =	sbarrier.arrive $0xFFFF  }
0x256: {  	_ =	strace $0x90000047  }
0x257: {  	s0 =	stileid.u32;
	[bflag:$0x2] =	sbarrier.arrive $0xFFFF  }
0x258: {  	p0 =	sne.s32 s0, $0x0;
	s0 =	rddreg [dreg:$0x3]  }
0x259: {  	s0 =	sadd.s32 @!p0 $0x100000, s0  }
0x25a: {  	[sflag:s0] =	ssyncadd.tile.s32 @!p0 $0x1;
	_ =	shalt  }
.Lfunc_end2:
_tile_overlayer_lowered:
.L_overlay_start_2:
0x25b: {  	(tag) =	ssettag $0x2  }
0x25c: {  	s0 =	rddreg [dreg:$0x0];
	s2 =	stileid.u32  }
0x25d: {  	s1 =	rddreg [dreg:$0x1];
	p0 =	sne.s32 s2, $0x0  }
0x25e: {  	s3 =	rddreg [dreg:$0x2];
	[bflag:$0x3] =	sbarrier.arrive $0xFFFF;
	s2 =	simm.s32 @!p0 $0x1C07  }
0x25f: {  	[timem:s3], [sflag:s2] =	dma.local @!p0 [hbm:s0], s1  }
0x260: {  	s0 =	simm.s32 @!p0 $0x7  }
0x261: {  	_ =	swait.ge @!p0 [sflag:s0], s1  }
0x262: {  	s1 =	ssub.s32 @!p0 $0x0, s1;
	[sflag:s0] =	ssyncset.done @!p0 $0x0  }
0x263: {  	[sflag:s0] =	ssyncadd.s32 @!p0 s1  }
0x264: {  	[bflag:$0x3] =	sbarrier.arrive $0xFFFF  }
0x265: {  	_ =	shalt  }

// kernel: sparse-core-data-format-call.cloned.1.call-start
scs
called_computation_lowered:
.L_overlay_start_0:
0x0: {  	s2 =	sld [smem:$0x3FD9]  }
0x1: {  	s3 =	sld [smem:$0x3FFE];
	_ =	sdelay $0x1  }
0x2: {  	s1 =	srdreg.scid  }
0x3: {  	s0 =	sand.u32 $0x1, s1  }
0x4: {  	s18 =	sshll.u32 s0, $0xA;
	s2 =	sadd.s32 s3, s2  }
0x5: {  	s2 =	sadd.s32 s2, s18  }
0x6: {  	[smem:$0x3FC5] =	sst s2  }
0x7: {  	_ = 	snop  }
0x8: {  	s2 =	sld [smem:$0x3FD0];
	(tm) =	ssettm $0x1  }
0x9: {  	s19 =	sld [smem:$0x3FFB];
	_ =	sdelay $0x3  }
0xa: {  	_ =	strace s19  }
0xb: {  	s3 =	sld [smem:$0x3FFC];
	_ =	sdelay $0x3  }
0xc: {  	_ =	strace s3  }
0xd: {  	s3 =	sld [smem:$0x3FFD];
	_ =	sdelay $0x3  }
0xe: {  	_ =	strace s3  }
0xf: {  	_ =	strace $0x8FFFFFFF  }
0x10: {  	s20 =	sld [smem:$0x3FDB];
	_ =	sdelay $0x1  }
0x11: {  	s4 =	simm.s32 $_scs_section_size  }
0x12: {  	s5 =	simm.s32 $_size__tile_overlayer_lowered;
	s6 =	simm.s32 $_tile_overlayer_lowered  }
0x13: {  	s23 =	simm.s32 $0x1BFF;
	s22 =	sshll.u32 s6, $0x1;
	s3 =	sadd.s32 s4, s20  }
0x14: {  	s7 =	simm.s32 $0x0;
	s21 =	sshll.u32 s5, $0x1;
	s5 =	sadd.s32 s22, s3  }
0x15: {  	[timem:s7], [sflag:s23] =	dma.local [hbm:s5], s21  }
0x16: {  	_ =	swait.ge [sflag:s23], s21  }
0x17: {  	s4 =	ssub.s32 $0x0, s21;
	[sflag:s23] =	ssyncset.done $0x0  }
0x18: {  	[sflag:s23] =	ssyncadd.s32 s4;
	_ =	sdelay $0x1  }
0x19: {  	s24 =	simm.s32 $0x1B8B  }
0x1a: {  	_ =	swait.ge [sflag:s24], $0x1  }
0x1b: {  	[sflag:s24] =	ssyncset.done $0x0  }
0x1c: {  	s26 =	simm.s32 $0x1B8E;
	s25 =	sld [smem:$0x3FFE];
	[sflag:s24] =	ssyncadd.s32 $0xFFFFFFFF  }
0x1d: {  	s27 =	simm.s32 $execute0_lowered;
	[smem:$0x3FD2] =	sst s26  }
0x1e: {  	s5 =	sshll.u32 s27, $0x1;
	_ =	strace $0x80000049;
	[dreg:$0x1] =	wrdreg $0xFFFFFFFF  }
0x1f: {  	s28 =	simm.s32 $_size_execute0_lowered;
	s3 =	sadd.s32 s3, s5;
	[dreg:$0x0] =	wrdreg $0x0  }
0x20: {  	s5 =	sshll.u32 s28, $0x1;
	[dreg:$0x2] =	wrdreg s3  }
0x21: {  	[dreg:$0x3] =	wrdreg s5  }
0x22: {  	[dreg:$0x4] =	wrdreg $0xC0  }
0x23: {  	_ =	task [dreg:s7], $0x5FFFF  }
0x24: {  	[dreg:$0x1] =	wrdreg $0xFFFFFFFF  }
0x25: {  	[dreg:$0x0] =	wrdreg $0x60  }
0x26: {  	[dreg:$0x2] =	wrdreg s25  }
0x27: {  	[dreg:$0x3] =	wrdreg s2  }
0x28: {  	[dreg:$0x4] =	wrdreg $0x9  }
0x29: {  	_ =	task.clear_ibuf [dreg:s7], $0x5FFFF;
	_ =	strace $0x90000049  }
0x2a: {  	s29 =	simm.s32 $0x9;
	_ =	strace $0x8000004B  }
0x2b: {  	_ =	swait.ge [sflag:s29], $0x1  }
0x2c: {  	[sflag:s29] =	ssyncadd.s32 $0xFFFFFFFF  }
0x2d: {  	_ =	strace $0x9000004B  }
0x2e: {  	_ =	sfence  }
0x2f: {  	s30 =	sld [smem:$0x0];
	_ =	sdelay $0x2  }
0x30: {  	s31 =	sshll.u32 s1, $0xD;
	s1 =	sshrl.u32 s1, $0x2  }
0x31: {  	s3 =	sand.u32 $0x4000, s31;
	s1 =	sadd.s32 s1, s30  }
0x32: {  	s0 =	sor.u32 s3, s0;
	s1 =	sshll.u32 s1, $0x11  }
0x33: {  	s0 =	sor.u32 s1, s0  }
0x34: {  	s0 =	sadd.s32 $0x8F2B, s0  }
0x35: {  	[sflag:s0] =	ssyncadd.remote.s32 $0x1  }
0x36: {  	_ =	sfence.sel $0xFFFF  }
0x37: {  	[dreg:$0x0] =	wrdreg $0xFFFFFFFF;
	(pc) =	sbr.abs _section_cstart, $3  }
0x38: {  	[dreg:$0x1] =	wrdreg $0xFFFFFFFF  }
0x39: {  	_ =	task.clear_ibuf [dreg:s7], $0x2FFFF;
	_ =	strace $0x9FFFFFFF  }
0x3a: {  	(tm) =	ssettm $0x7FFFFFFF  }
0x3b: {  	_ =	shalt  }
tec
execute0_lowered:
.L_overlay_start_1:
0x0: {  	(tag) =	ssettag $0x1  }
0x1: {  	s0 =	srdreg.scid  }
0x2: {  	s1 =	sshll.u32 s0, $0x4  }
0x3: {  	s4 =	rddreg [dreg:$0x0];
	s0 =	stileid.u32;
	s1 =	sand.u32 $0x10, s1  }
0x4: {  	s2 =	rddreg [dreg:$0x1];
	s7 =	simm.s32 $0x1;
	s1 =	sor.u32 s0, s1  }
0x5: {  	s8 =	simm.s32 $0x2;
	s11 =	simm.s32 $0x0;
	s3 =	sshll.u32 s1, $0x7  }
0x6: {  	s10 =	simm.s32 $0x0;
	s4 =	sadd.s32 $0xA00, s4;
	s6 =	ssub.s32 $0xC8000, s3  }
.Ltmp0:
0x7: {  	s1 =	rddreg [dreg:$0x2];
	s5 =	sand.u32 $0xF80, s6;
	(pc) =	sbr.rel .LBB1_1-.Ltmp0, $4  }
0x8: {  	_ =	strace $0x8000004A;
	s9 =	smov.u32 s3;
	p0 =	sne.s32 s5, $0x0  }
0x9: {  	s6 =	sshrl.u32 s6, $0xC;
	s5 =	simm.s32 $0x1;
	s7 =	simm.s32 @!p0 $0x0  }
0xa: {  	[sflag:s5] =	ssyncpa.u1 $0x0;
	p0 =	por $0x0, $0x0;
	s6 =	sadd.s32 s7, s6  }
0xb: {  	[sflag:s8] =	ssyncpa.u1 $0x0;
	s8 =	simm.s32 $0x640000;
	s7 =	sadd.s32 $0x1, s6  }
.LBB1_4:
0xc: {  	s14 =	sshll.u32 s11, $0x3  }
0xd: {  	s30 =	sand.u32 $0x7F, s11;
	s15 =	sand.u32 $0xFFFFFC00, s14  }
0xe: {  	s11 =	sor.u32 s30, s15  }
0xf: {  	s15 =	smulhi.u32 $0x51EB851F, s11  }
0x10: {  	s14 =	smulhi.u32 $0x51EB851F, s14  }
0x11: {  	s15 =	sshrl.u32 s15, $0x12  }
0x12: {  	s14 =	sshrl.u32 s14, $0x12;
	s15 =	smul.u32 $0xC8000, s15  }
0x13: {  	s14 =	sand.u32 $0x3F, s14  }
0x14: {  	s14 =	smul.u32 $0x19000, s14;
	s11 =	ssub.s32 s11, s15  }
0x15: {  	[tilespmem:s13+$0x810 ss:$0x81] =	vst.msk $0xffff, v2;
	s15 =	sand.u32 $0x7, s11  }
0x16: {  	[tilespmem:s13+$0x1020 ss:$0x81] =	vst.msk $0xffff, v0;
	s14 =	sadd.s32 s2, s14;
	s11 =	sshrl.u32 s11, $0x3;
	s15 =	sshll.u32 s15, $0x12  }
0x17: {  	[tilespmem:s13+$0x0 ss:$0x81] =	vst.msk $0xffff, v1;
	s11 =	sadd.s32 s11, s14;
	s31 =	sor.u32 $0x400, s15  }
0x18: {  	[hbm4b:s11+s31] =	stream.strided.scatter [tilespmem:s12], [sflag:$0x2], $0x2000, s8, s31, $0x20;
	[tilespmem:$0x8080] =	vst v63  }
.LBB1_5:
0x19: {  	s13 =	sadd.s32 $0x1000, s9  }
0x1a: {  	p2 =	sgt.s32 s13, $0xC7FFF  }
0x1b: {  	s13 =	smov.u32 @p2 s3;
	p2 =	sne.s32 s10, s7  }
.Ltmp1:
0x1c: {  	p1 =	slt.u32 s10, $0x2;
	(pc) =	sbr.rel @!p2 .LBB1_6-.Ltmp1, $4  }
0x1d: {  	s12 =	simm.s32 @!p1 $0x2  }
0x1e: {  	s14 =	sadd.s32 $0x1, s10;
	_ =	swait.ge @!p1 [sflag:s12], $0x2000  }
0x1f: {  	s11 =	smov.u32 s9;
	p0 =	por !p0, !p0;
	[sflag:s12] =	ssyncset.done @!p1 $0x0  }
0x20: {  	s10 =	smov.u32 s14;
	s9 =	smov.u32 s13;
	[sflag:s12] =	ssyncadd.s32 @!p1 $0xFFFFE000  }
.LBB1_1:
0x21: {  	p1 =	sge.u32 s10, s6  }
0x22: {  	s12 =	sand.u32 @!p1 $0x1FFFFFF, s9  }
0x23: {  	s13 =	smulhi.u32 @!p1 $0x147AE15, s12;
	_ =	sdelay $0x1  }
0x24: {  	s13 =	sshrl.u32 @!p1 s13, $0xC  }
0x25: {  	s13 =	smul.u32 @!p1 $0xC8000, s13;
	_ =	sdelay $0x1  }
0x26: {  	s31 =	sadd.s32 $0xFFFFFFFF, s10;
	s14 =	sxor.u32 @!p1 $0xFFFFFFFF, s10;
	s12 =	ssub.s32 @!p1 s12, s13  }
0x27: {  	s15 =	simm.s32 @!p1 $0x80;
	s14 =	sshll.u32 @!p1 s14, $0xD;
	s12 =	sshll.u32 @!p1 s12, $0x4  }
0x28: {  	s13 =	sand.u32 @!p1 $0x2000, s14;
	s14 =	simm.s32 @!p1 $0x40;
	s12 =	sadd.s32 @!p1 s4, s12  }
0x29: {  	[tilespmem:s13], [sflag:$0x1] =	stream.strided.gather @!p1 [hbm4b:s12+s14], $0x2000, s15, s14, $0x38;
	[tilespmem:$0x8080] =	vst v63  }
0x2a: {  	p1 =	sge.u32 s31, s6  }
.Ltmp2:
0x2b: {  	_ = 	snop;
	(pc) =	sbr.rel @p1 .LBB1_5-.Ltmp2, $1  }
0x2c: {  	_ =	sdelay $0x3  }
0x2d: {  	s12 =	simm.s32 $0x1  }
0x2e: {  	_ =	swait.ge [sflag:s5], $0x2000;
	s12 =	simm.s32 @!p0 $0x0  }
0x2f: {  	[sflag:s5] =	ssyncset.done $0x0;
	s13 =	sshll.u32 s12, $0xD  }
0x30: {  	[sflag:s5] =	ssyncadd.s32 $0xFFFFE000;
	s16 =	sor.u32 $0x20, s13  }
0x31: {  	s12 =	smul.u32 $0x8100, s12;
	v3 =	vld [tilespmem:s16+$0x10]  }
0x32: {  	s30 =	sand.u32 $0x1, s10;
	v2 =	vld [tilespmem:s16+$0xFFFFFFF0]  }
0x33: {  	s13 =	smul.u32 $0x8100, s30;
	s12 =	sshrl.u32 s12, $0x2;
	v0 =	vld [tilespmem:s16+$0x0]  }
0x34: {  	v1 =	vld [tilespmem:s16+$0xFFFFFFE0];
	s14 =	sor.u32 $0x4000, s12  }
0x35: {  	s31 =	sshrl.u32 s13, $0x2;
	s13 =	sadd.s32 $0x0, s14  }
0x36: {  	s15 =	simm.s32 $0x4;
	s16 =	sadd.s32 $0x40, s16;
	s12 =	sor.u32 $0x4000, s31;
	[tilespmem:s13+$0x1830 ss:$0x81] =	vst.msk $0xffff, v3  }
.LBB1_3:
0x37: {  	v3 =	vld [tilespmem:s16+$0x10];
	p1 =	sne.s32 s15, $0x1FC;
	[tilespmem:s13+$0x810 ss:$0x81] =	vst.msk $0xffff, v2;
	s17 =	smov.u32 s15;
	s15 =	sadd.s32 $0x4, s15  }
.Ltmp3:
0x38: {  	v2 =	vld [tilespmem:s16+$0xFFFFFFF0];
	[tilespmem:s13+$0x1020 ss:$0x81] =	vst.msk $0xffff, v0;
	(pc) =	sbr.rel @p1 .LBB1_3-.Ltmp3, $4  }
0x39: {  	v0 =	vld [tilespmem:s16+$0x0];
	[tilespmem:s13+$0x0 ss:$0x81] =	vst.msk $0xffff, v1  }
0x3a: {  	s13 =	sshra.s32 s17, $0x2;
	v1 =	vld [tilespmem:s16+$0xFFFFFFE0]  }
0x3b: {  	s13 =	sadd.s32 s13, s14  }
0x3c: {  	s16 =	sadd.s32 $0x40, s16;
	[tilespmem:s13+$0x1830 ss:$0x81] =	vst.msk $0xffff, v3  }
.Ltmp4:
0x3d: {  	_ = 	snop;
	(pc) =	sbr.rel .LBB1_4-.Ltmp4, $1  }
0x3e: {  	_ =	sdelay $0x3  }
.LBB1_6:
0x3f: {  	_ =	sfence.sel $0x180000  }
0x40: {  	s2 =	simm.s32 $0x1;
	[bflag:$0x0] =	sbarrier.arrive $0xFFFF  }
0x41: {  	s31 =	simm.s32 $0x2;
	[sflag:s2] =	ssyncpa.u1 $0x1  }
0x42: {  	[sflag:s31] =	ssyncpa.u1 $0x1  }
0x43: {  	p0 =	sne.s32 s0, $0x0;
	_ =	strace $0x9000004A  }
0x44: {  	s0 =	sadd.s32 @!p0 $0x100000, s1;
	[bflag:$0x2] =	sbarrier.arrive $0xFFFF  }
0x45: {  	[sflag:s0] =	ssyncadd.tile.s32 @!p0 $0x1;
	_ =	shalt  }
.Lfunc_end1:
_tile_overlayer_lowered:
.L_overlay_start_2:
0x46: {  	(tag) =	ssettag $0x2  }
0x47: {  	s0 =	rddreg [dreg:$0x0];
	s2 =	stileid.u32  }
0x48: {  	s1 =	rddreg [dreg:$0x1];
	p0 =	sne.s32 s2, $0x0  }
0x49: {  	s3 =	rddreg [dreg:$0x2];
	[bflag:$0x3] =	sbarrier.arrive $0xFFFF;
	s2 =	simm.s32 @!p0 $0x1C01  }
0x4a: {  	[timem:s3], [sflag:s2] =	dma.local @!p0 [hbm:s0], s1  }
0x4b: {  	s0 =	simm.s32 @!p0 $0x1  }
0x4c: {  	_ =	swait.ge @!p0 [sflag:s0], s1  }
0x4d: {  	s1 =	ssub.s32 @!p0 $0x0, s1;
	[sflag:s0] =	ssyncset.done @!p0 $0x0  }
0x4e: {  	[sflag:s0] =	ssyncadd.s32 @!p0 s1  }
0x4f: {  	[bflag:$0x3] =	sbarrier.arrive $0xFFFF  }
0x50: {  	_ =	shalt  }

</sc_bundles>
